<compile_context>
chip_gen: v7x
topology: tpu7x:2x2x1
jax: 0.10.2.dev20260603
libtpu: 0.0.44.dev20260713+nightly
codegen_flags: <defaults>
</compile_context>

<pallas_src>
import jax
import jax.numpy as jnp
from jax import lax
from jax.experimental import pallas as pl
from jax.experimental.pallas import tpu as pltpu, tpu_sc as plsc

_NC, _NS = 2, 16
_NW = _NC * _NS
_B, _L, _D = 8, 2048, 512
_WPB = _NW // _B
_QROWS = _L // _WPB
_CHUNKS = _L // 16
_SLOT = 32
_NSLOT = 6
_NRD = _QROWS // _SLOT
_SCB = 16
_SPS = _SLOT // _SCB


def _sc_body(x_hbm, at_hbm, out_hbm, at_v, dest_v, ring,
             rsem0, rsem1, rsem2, rsem3, rsem4, rsem5,
             ssem0, ssem1, ssem2, ssem3, ssem4, ssem5):
    cid = lax.axis_index("c")
    sid = lax.axis_index("s")
    wid = sid * _NC + cid
    b = wid // _WPB
    q = wid % _WPB

    row_base = b * _L
    src_base = row_base + q * _QROWS
    qchunk = q * (_QROWS // 16)
    rsems = (rsem0, rsem1, rsem2, rsem3, rsem4, rsem5)
    ssems = (ssem0, ssem1, ssem2, ssem3, ssem4, ssem5)

    def read(r):
        s = r % _NSLOT
        return pltpu.async_copy(
            x_hbm.at[pl.ds(src_base + r * _SLOT, _SLOT)],
            ring.at[pl.ds(s * _SLOT, _SLOT)], rsems[s])

    def scatter(r, j):
        s = r % _NSLOT
        c = r * _SPS + j
        return pltpu.async_copy(
            ring.at[pl.ds(s * _SLOT + j * _SCB, _SCB)],
            out_hbm.at[dest_v.at[c]], ssems[s])

    rd = [None] * _NRD
    for r in range(5):
        rd[r] = read(r)

    pltpu.sync_copy(at_hbm.at[b], at_v)

    lanes = jnp.arange(16, dtype=jnp.int32)
    ones = jnp.full((16,), 1, jnp.int32)
    zeros = jnp.full((16,), 0, jnp.int32)
    twos = jnp.full((16,), 2, jnp.int32)

    def count_body(k, carry):
        nbt, bbp = carry
        v = at_v[pl.ds(k * 16, 16)]
        m = (v == zeros) | (v == ones) | (v == twos)
        mi = jnp.where(m, ones, zeros)
        pc = jnp.sum(mi)
        bbp = bbp + jnp.where(k < qchunk, pc, jnp.int32(0))
        return (nbt + pc, bbp)

    nb, bb_pre = lax.fori_loop(0, _CHUNKS, count_body,
                               (jnp.int32(0), jnp.int32(0)))
    nbb_pre = qchunk * 16 - bb_pre

    def dest_body(i, carry):
        bbc, nbc = carry
        v = at_v[pl.ds((qchunk + i) * 16, 16)]
        m = (v == zeros) | (v == ones) | (v == twos)
        mi = jnp.where(m, ones, zeros)
        cs = jnp.cumsum(mi)
        csn = lanes + ones - cs
        bb_dest = jnp.full((16,), row_base + bbc - 1, jnp.int32) + cs
        nbb_dest = jnp.full((16,), row_base + nb + nbc - 1, jnp.int32) + csn
        dest_v[i] = jnp.where(m, bb_dest, nbb_dest)
        pc = jnp.sum(mi)
        return (bbc + pc, nbc + (16 - pc))

    lax.fori_loop(0, _QROWS // 16, dest_body, (bb_pre, nbb_pre))

    sd = [[None] * _SPS for _ in range(_NRD)]
    for r in range(_NRD):
        rd[r].wait()
        for j in range(_SPS):
            sd[r][j] = scatter(r, j)
        if r + 5 < _NRD:
            if r >= 1:
                for j in range(_SPS):
                    sd[r - 1][j].wait()
            rd[r + 5] = read(r + 5)
    for r in range(_NRD - 6, _NRD):
        for j in range(_SPS):
            sd[r][j].wait()


def _sc_permute(x2, at32):
    mesh = plsc.VectorSubcoreMesh(core_axis_name="c", subcore_axis_name="s")
    k = pl.kernel(
        _sc_body,
        out_type=jax.ShapeDtypeStruct((_B * _L, _D), jnp.float32),
        mesh=mesh,
        compiler_params=pltpu.CompilerParams(needs_layout_passes=False),
        scratch_types=[
            pltpu.VMEM((_L,), jnp.int32),
            pltpu.VMEM((_QROWS // 16, 16), jnp.int32),
            pltpu.VMEM((_NSLOT * _SLOT, _D), jnp.float32),
            pltpu.SemaphoreType.DMA,
            pltpu.SemaphoreType.DMA,
            pltpu.SemaphoreType.DMA,
            pltpu.SemaphoreType.DMA,
            pltpu.SemaphoreType.DMA,
            pltpu.SemaphoreType.DMA,
            pltpu.SemaphoreType.DMA,
            pltpu.SemaphoreType.DMA,
            pltpu.SemaphoreType.DMA,
            pltpu.SemaphoreType.DMA,
            pltpu.SemaphoreType.DMA,
            pltpu.SemaphoreType.DMA,
        ],
    )
    return k(x2, at32)


@jax.jit
def kernel(x, atom_type, aa_type):
    x2 = x.reshape(_B * _L, _D)
    at32 = atom_type.astype(jnp.int32)
    out = _sc_permute(x2, at32)
    return out.reshape(_B, _L, _D)

# --- scband reference (transcript-rebuilt; emitter-appended) ---
"""Pipeline reference for scband-permutation-back-bone-78941498900828 (READ-ONLY COPY).

The authoritative reference and input builder live on the scoring server;
editing this copy changes nothing except your own understanding.
"""

import jax, jax.numpy as jnp
import numpy as np

# Atom type encoding: N=0, CA=1, C=2, O=3, CB=4. Backbone = {N, CA, C} = {0,1,2}.
BACKBONE_CODES = jnp.array([0, 1, 2], dtype=jnp.int64)


def setup_inputs(seed: int = 0) -> dict:
    key = jax.random.key(seed)
    k1, k2, k3 = jax.random.split(key, 3)
    B, L, D = 8, 2048, 512
    x = jax.random.normal(k1, (B, L, D), dtype=jnp.float32)
    atom_type = jax.random.randint(k2, (B, L), 0, 5, dtype=jnp.int64)
    aa_type = jax.random.randint(k3, (B, L), 0, 21, dtype=jnp.int64)
    return {"x": x, "atom_type": atom_type, "aa_type": aa_type}


def reference(x, atom_type, aa_type):
    # The torch module splits each row into residue segments (delimited by N atoms),
    # collects backbone-atom indices per segment, then concatenates
    # [all backbone indices across segments] followed by [all non-backbone indices].
    # Since segment-wise index lists are in increasing original order and concatenated
    # in segment order, the resulting permutation is exactly a stable sort that places
    # backbone atoms first (in original order) and all other atoms after (in original
    # order). aa_type only feeds the internal cache key and does not affect the output.
    backbone_mask = jnp.isin(atom_type, BACKBONE_CODES)  # [B, L] bool
    sort_key = (~backbone_mask).astype(jnp.int32)        # backbone -> 0, other -> 1
    perm_idx = jnp.argsort(sort_key, axis=1, stable=True)  # [B, L]
    B, L = atom_type.shape
    batch_idx = jnp.arange(B)[:, None]                   # [B, 1] broadcast over L
    x_out = x[batch_idx, perm_idx]                       # gather along dim=1
    return x_out

if __name__ == "__main__":
    import jax
    _d = setup_inputs()
    print(jax.jit(kernel)(*tuple(_d.values())))

</pallas_src>

<mosaic_0001>
#map = affine_map<(d0, d1) -> (0, 0)>
module attributes {stable_mosaic.version = 14 : i64} {
  func.func @_sc_body(%arg0: i32, %arg1: i32, %arg2: memref<16384x512xf32, #tpu.memory_space<hbm>>, %arg3: memref<8x2048xi32, #tpu.memory_space<hbm>>, %arg4: memref<16384x512xf32, #tpu.memory_space<hbm>>, %arg5: memref<2048xi32, #tpu.memory_space<vmem>>, %arg6: memref<32x16xi32, #tpu.memory_space<vmem>>, %arg7: memref<192x512xf32, #tpu.memory_space<vmem>>, %arg8: memref<!tpu.dma_semaphore, #tpu.memory_space<semaphore_mem>>, %arg9: memref<!tpu.dma_semaphore, #tpu.memory_space<semaphore_mem>>, %arg10: memref<!tpu.dma_semaphore, #tpu.memory_space<semaphore_mem>>, %arg11: memref<!tpu.dma_semaphore, #tpu.memory_space<semaphore_mem>>, %arg12: memref<!tpu.dma_semaphore, #tpu.memory_space<semaphore_mem>>, %arg13: memref<!tpu.dma_semaphore, #tpu.memory_space<semaphore_mem>>, %arg14: memref<!tpu.dma_semaphore, #tpu.memory_space<semaphore_mem>>, %arg15: memref<!tpu.dma_semaphore, #tpu.memory_space<semaphore_mem>>, %arg16: memref<!tpu.dma_semaphore, #tpu.memory_space<semaphore_mem>>, %arg17: memref<!tpu.dma_semaphore, #tpu.memory_space<semaphore_mem>>, %arg18: memref<!tpu.dma_semaphore, #tpu.memory_space<semaphore_mem>>, %arg19: memref<!tpu.dma_semaphore, #tpu.memory_space<semaphore_mem>>) attributes {dimension_semantics = [#tpu.dimension_semantics<core_parallel>, #tpu.dimension_semantics<subcore_parallel>], iteration_bounds = array<i64: 2, 16>, scalar_prefetch = 0 : i64, scratch_operands = 15 : i64, tpu.core_type = #tpu.core_type<sc_vector_subcore>, window_params = [{transform_indices = #map}, {transform_indices = #map}, {transform_indices = #map}]} {
    %mul3A = arith.constant 2 : i32
    %mul3A_0 = arith.muli %arg1, %mul3A : i32
    %add3A = arith.addi %mul3A_0, %arg0 : i32
    %jit3A = arith.constant 4 : i32
    %div3A = arith.divsi %add3A, %jit3A : i32
    %sign3A = arith.constant 0 : i32
    %sign3A_1 = arith.cmpi sgt, %add3A, %sign3A : i32
    %sign3A_2 = arith.extui %sign3A_1 : i1 to i32
    %sign3A_3 = arith.constant 0 : i32
    %sign3A_4 = arith.cmpi slt, %add3A, %sign3A_3 : i32
    %sign3A_5 = arith.extui %sign3A_4 : i1 to i32
    %sign3A_6 = arith.subi %sign3A_2, %sign3A_5 : i32
    %sign3A_7 = arith.constant 0 : i32
    %sign3A_8 = arith.cmpi sgt, %jit3A, %sign3A_7 : i32
    %sign3A_9 = arith.extui %sign3A_8 : i1 to i32
    %sign3A_10 = arith.constant 0 : i32
    %sign3A_11 = arith.cmpi slt, %jit3A, %sign3A_10 : i32
    %sign3A_12 = arith.extui %sign3A_11 : i1 to i32
    %sign3A_13 = arith.subi %sign3A_9, %sign3A_12 : i32
    %ne3A = arith.cmpi ne, %sign3A_6, %sign3A_13 : i32
    %rem3A = arith.remsi %add3A, %jit3A : i32
    %ne3A_14 = arith.constant 0 : i32
    %ne3A_15 = arith.cmpi ne, %rem3A, %ne3A_14 : i32
    %and3A = arith.andi %ne3A, %ne3A_15 : i1
    %sub3A = arith.constant 1 : i32
    %sub3A_16 = arith.subi %div3A, %sub3A : i32
    %select_n3A = arith.select %and3A, %sub3A_16, %div3A : i32
    %jit3A_17 = arith.constant 4 : i32
    %eq3A = arith.constant 0 : i32
    %eq3A_18 = arith.cmpi eq, %jit3A_17, %eq3A : i32
    %jit3A_19 = arith.constant 1 : i32
    %select_n3A_20 = arith.select %eq3A_18, %jit3A_19, %jit3A_17 : i32
    %rem3A_21 = arith.remsi %add3A, %select_n3A_20 : i32
    %ne3A_22 = arith.constant 0 : i32
    %ne3A_23 = arith.cmpi ne, %rem3A_21, %ne3A_22 : i32
    %lt3A = arith.constant 0 : i32
    %lt3A_24 = arith.cmpi slt, %rem3A_21, %lt3A : i32
    %lt3A_25 = arith.constant 0 : i32
    %lt3A_26 = arith.cmpi slt, %select_n3A_20, %lt3A_25 : i32
    %ne3A_27 = arith.xori %lt3A_24, %lt3A_26 : i1
    %and3A_28 = arith.andi %ne3A_27, %ne3A_23 : i1
    %add3A_29 = arith.addi %rem3A_21, %select_n3A_20 : i32
    %select_n3A_30 = arith.select %and3A_28, %add3A_29, %rem3A_21 : i32
    %mul3A_31 = arith.constant 2048 : i32
    %mul3A_32 = arith.muli %select_n3A, %mul3A_31 : i32
    %mul3A_33 = arith.constant 512 : i32
    %mul3A_34 = arith.muli %select_n3A_30, %mul3A_33 : i32
    %add3A_35 = arith.addi %mul3A_32, %mul3A_34 : i32
    %mul3A_36 = arith.constant 32 : i32
    %mul3A_37 = arith.muli %select_n3A_30, %mul3A_36 : i32
    %add3A_38 = arith.constant 0 : i32
    %add3A_39 = arith.addi %add3A_35, %add3A_38 : i32
    %dma_start3A = arith.constant 0 : i32
    %dma_start3A_40 = arith.constant 0 : i32
    %dma_start3A_41 = tpu.memref_slice %arg7[%dma_start3A, %dma_start3A_40] : memref<192x512xf32, #tpu.memory_space<vmem>> -> memref<32x512xf32, #tpu.memory_space<vmem>>
    %dma_start3A_42 = arith.constant 0 : i32
    %dma_start3A_43 = tpu.memref_slice %arg2[%add3A_39, %dma_start3A_42] : memref<16384x512xf32, #tpu.memory_space<hbm>> -> memref<32x512xf32, #tpu.memory_space<hbm>>
    %dma_start3A_44 = arith.constant 0 : i32
    %dma_start3A_45 = arith.constant 0 : i32
    %dma_start3A_46 = tpu.memref_slice %arg7[%dma_start3A_44, %dma_start3A_45] : memref<192x512xf32, #tpu.memory_space<vmem>> -> memref<32x512xf32, #tpu.memory_space<vmem>>
    %dma_start3A_47 = arith.constant 0 : i32
    %dma_start3A_48 = tpu.memref_slice %arg2[%add3A_39, %dma_start3A_47] : memref<16384x512xf32, #tpu.memory_space<hbm>> -> memref<32x512xf32, #tpu.memory_space<hbm>>
    tpu.enqueue_dma source(%dma_start3A_48 : memref<32x512xf32, #tpu.memory_space<hbm>>) target(%dma_start3A_46 : memref<32x512xf32, #tpu.memory_space<vmem>>) target_semaphore(%arg8 : memref<!tpu.dma_semaphore, #tpu.memory_space<semaphore_mem>>)
    %add3A_49 = arith.constant 32 : i32
    %add3A_50 = arith.addi %add3A_35, %add3A_49 : i32
    %dma_start3A_51 = arith.constant 32 : i32
    %dma_start3A_52 = arith.constant 0 : i32
    %dma_start3A_53 = tpu.memref_slice %arg7[%dma_start3A_51, %dma_start3A_52] : memref<192x512xf32, #tpu.memory_space<vmem>> -> memref<32x512xf32, #tpu.memory_space<vmem>>
    %dma_start3A_54 = arith.constant 0 : i32
    %dma_start3A_55 = tpu.memref_slice %arg2[%add3A_50, %dma_start3A_54] : memref<16384x512xf32, #tpu.memory_space<hbm>> -> memref<32x512xf32, #tpu.memory_space<hbm>>
    %dma_start3A_56 = arith.constant 32 : i32
    %dma_start3A_57 = arith.constant 0 : i32
    %dma_start3A_58 = tpu.memref_slice %arg7[%dma_start3A_56, %dma_start3A_57] : memref<192x512xf32, #tpu.memory_space<vmem>> -> memref<32x512xf32, #tpu.memory_space<vmem>>
    %dma_start3A_59 = arith.constant 0 : i32
    %dma_start3A_60 = tpu.memref_slice %arg2[%add3A_50, %dma_start3A_59] : memref<16384x512xf32, #tpu.memory_space<hbm>> -> memref<32x512xf32, #tpu.memory_space<hbm>>
    tpu.enqueue_dma source(%dma_start3A_60 : memref<32x512xf32, #tpu.memory_space<hbm>>) target(%dma_start3A_58 : memref<32x512xf32, #tpu.memory_space<vmem>>) target_semaphore(%arg9 : memref<!tpu.dma_semaphore, #tpu.memory_space<semaphore_mem>>)
    %add3A_61 = arith.constant 64 : i32
    %add3A_62 = arith.addi %add3A_35, %add3A_61 : i32
    %dma_start3A_63 = arith.constant 64 : i32
    %dma_start3A_64 = arith.constant 0 : i32
    %dma_start3A_65 = tpu.memref_slice %arg7[%dma_start3A_63, %dma_start3A_64] : memref<192x512xf32, #tpu.memory_space<vmem>> -> memref<32x512xf32, #tpu.memory_space<vmem>>
    %dma_start3A_66 = arith.constant 0 : i32
    %dma_start3A_67 = tpu.memref_slice %arg2[%add3A_62, %dma_start3A_66] : memref<16384x512xf32, #tpu.memory_space<hbm>> -> memref<32x512xf32, #tpu.memory_space<hbm>>
    %dma_start3A_68 = arith.constant 64 : i32
    %dma_start3A_69 = arith.constant 0 : i32
    %dma_start3A_70 = tpu.memref_slice %arg7[%dma_start3A_68, %dma_start3A_69] : memref<192x512xf32, #tpu.memory_space<vmem>> -> memref<32x512xf32, #tpu.memory_space<vmem>>
    %dma_start3A_71 = arith.constant 0 : i32
    %dma_start3A_72 = tpu.memref_slice %arg2[%add3A_62, %dma_start3A_71] : memref<16384x512xf32, #tpu.memory_space<hbm>> -> memref<32x512xf32, #tpu.memory_space<hbm>>
    tpu.enqueue_dma source(%dma_start3A_72 : memref<32x512xf32, #tpu.memory_space<hbm>>) target(%dma_start3A_70 : memref<32x512xf32, #tpu.memory_space<vmem>>) target_semaphore(%arg10 : memref<!tpu.dma_semaphore, #tpu.memory_space<semaphore_mem>>)
    %add3A_73 = arith.constant 96 : i32
    %add3A_74 = arith.addi %add3A_35, %add3A_73 : i32
    %dma_start3A_75 = arith.constant 96 : i32
    %dma_start3A_76 = arith.constant 0 : i32
    %dma_start3A_77 = tpu.memref_slice %arg7[%dma_start3A_75, %dma_start3A_76] : memref<192x512xf32, #tpu.memory_space<vmem>> -> memref<32x512xf32, #tpu.memory_space<vmem>>
    %dma_start3A_78 = arith.constant 0 : i32
    %dma_start3A_79 = tpu.memref_slice %arg2[%add3A_74, %dma_start3A_78] : memref<16384x512xf32, #tpu.memory_space<hbm>> -> memref<32x512xf32, #tpu.memory_space<hbm>>
    %dma_start3A_80 = arith.constant 96 : i32
    %dma_start3A_81 = arith.constant 0 : i32
    %dma_start3A_82 = tpu.memref_slice %arg7[%dma_start3A_80, %dma_start3A_81] : memref<192x512xf32, #tpu.memory_space<vmem>> -> memref<32x512xf32, #tpu.memory_space<vmem>>
    %dma_start3A_83 = arith.constant 0 : i32
    %dma_start3A_84 = tpu.memref_slice %arg2[%add3A_74, %dma_start3A_83] : memref<16384x512xf32, #tpu.memory_space<hbm>> -> memref<32x512xf32, #tpu.memory_space<hbm>>
    tpu.enqueue_dma source(%dma_start3A_84 : memref<32x512xf32, #tpu.memory_space<hbm>>) target(%dma_start3A_82 : memref<32x512xf32, #tpu.memory_space<vmem>>) target_semaphore(%arg11 : memref<!tpu.dma_semaphore, #tpu.memory_space<semaphore_mem>>)
    %add3A_85 = arith.constant 128 : i32
    %add3A_86 = arith.addi %add3A_35, %add3A_85 : i32
    %dma_start3A_87 = arith.constant 128 : i32
    %dma_start3A_88 = arith.constant 0 : i32
    %dma_start3A_89 = tpu.memref_slice %arg7[%dma_start3A_87, %dma_start3A_88] : memref<192x512xf32, #tpu.memory_space<vmem>> -> memref<32x512xf32, #tpu.memory_space<vmem>>
    %dma_start3A_90 = arith.constant 0 : i32
    %dma_start3A_91 = tpu.memref_slice %arg2[%add3A_86, %dma_start3A_90] : memref<16384x512xf32, #tpu.memory_space<hbm>> -> memref<32x512xf32, #tpu.memory_space<hbm>>
    %dma_start3A_92 = arith.constant 128 : i32
    %dma_start3A_93 = arith.constant 0 : i32
    %dma_start3A_94 = tpu.memref_slice %arg7[%dma_start3A_92, %dma_start3A_93] : memref<192x512xf32, #tpu.memory_space<vmem>> -> memref<32x512xf32, #tpu.memory_space<vmem>>
    %dma_start3A_95 = arith.constant 0 : i32
    %dma_start3A_96 = tpu.memref_slice %arg2[%add3A_86, %dma_start3A_95] : memref<16384x512xf32, #tpu.memory_space<hbm>> -> memref<32x512xf32, #tpu.memory_space<hbm>>
    tpu.enqueue_dma source(%dma_start3A_96 : memref<32x512xf32, #tpu.memory_space<hbm>>) target(%dma_start3A_94 : memref<32x512xf32, #tpu.memory_space<vmem>>) target_semaphore(%arg12 : memref<!tpu.dma_semaphore, #tpu.memory_space<semaphore_mem>>)
    "tpu.region"() ({
      %run_scoped3A = tpu.sem_alloc : memref<!tpu.dma_semaphore, #tpu.memory_space<semaphore_mem>>
      %dma_start3A_1049 = arith.constant 0 : i32
      %dma_start3A_1050 = tpu.memref_slice %arg3[%select_n3A, %dma_start3A_1049] : memref<8x2048xi32, #tpu.memory_space<hbm>> -> memref<1x2048xi32, #tpu.memory_space<hbm>>
      %dma_start3A_1051 = tpu.memref_squeeze %dma_start3A_1050 : memref<1x2048xi32, #tpu.memory_space<hbm>> -> memref<2048xi32, #tpu.memory_space<hbm>>
      %dma_start3A_1052 = arith.constant 0 : i32
      %dma_start3A_1053 = tpu.memref_slice %arg3[%select_n3A, %dma_start3A_1052] : memref<8x2048xi32, #tpu.memory_space<hbm>> -> memref<1x2048xi32, #tpu.memory_space<hbm>>
      %dma_start3A_1054 = tpu.memref_squeeze %dma_start3A_1053 : memref<1x2048xi32, #tpu.memory_space<hbm>> -> memref<2048xi32, #tpu.memory_space<hbm>>
      tpu.enqueue_dma source(%dma_start3A_1054 : memref<2048xi32, #tpu.memory_space<hbm>>) target(%arg5 : memref<2048xi32, #tpu.memory_space<vmem>>) target_semaphore(%run_scoped3A : memref<!tpu.dma_semaphore, #tpu.memory_space<semaphore_mem>>)
      %dma_wait3A_1055 = arith.constant 0 : i32
      %dma_wait3A_1056 = tpu.memref_slice %arg3[%select_n3A, %dma_wait3A_1055] : memref<8x2048xi32, #tpu.memory_space<hbm>> -> memref<1x2048xi32, #tpu.memory_space<hbm>>
      %dma_wait3A_1057 = tpu.memref_squeeze %dma_wait3A_1056 : memref<1x2048xi32, #tpu.memory_space<hbm>> -> memref<2048xi32, #tpu.memory_space<hbm>>
      %dma_wait3A_1058 = arith.constant 0 : i32
      %dma_wait3A_1059 = tpu.memref_slice %arg3[%select_n3A, %dma_wait3A_1058] : memref<8x2048xi32, #tpu.memory_space<hbm>> -> memref<1x2048xi32, #tpu.memory_space<hbm>>
      %dma_wait3A_1060 = tpu.memref_squeeze %dma_wait3A_1059 : memref<1x2048xi32, #tpu.memory_space<hbm>> -> memref<2048xi32, #tpu.memory_space<hbm>>
      tpu.wait_dma2 semaphore(%run_scoped3A : memref<!tpu.dma_semaphore, #tpu.memory_space<semaphore_mem>>) src(%dma_wait3A_1060 : memref<2048xi32, #tpu.memory_space<hbm>>) dst(%arg5 : memref<2048xi32, #tpu.memory_space<vmem>>)
      tpu.yield
    }) : () -> ()
    %iota3A = tpu.iota {dimensions = array<i32: 0>} : vector<16xi32>
    %broadcast_in_dim3A = arith.constant 1 : i32
    %broadcast_in_dim3A_97 = vector.broadcast %broadcast_in_dim3A : i32 to vector<16xi32>
    %broadcast_in_dim3A_98 = arith.constant 0 : i32
    %broadcast_in_dim3A_99 = vector.broadcast %broadcast_in_dim3A_98 : i32 to vector<16xi32>
    %broadcast_in_dim3A_100 = arith.constant 2 : i32
    %broadcast_in_dim3A_101 = vector.broadcast %broadcast_in_dim3A_100 : i32 to vector<16xi32>
    %scan3A = arith.constant 0 : i32
    %scan3A_102 = arith.constant 0 : i32
    %scan3A_103 = arith.constant 0 : i32
    %scan3A_104 = arith.constant 128 : i32
    %scan3A_105 = arith.addi %scan3A_103, %scan3A_104 : i32
    %scan3A_106 = arith.constant 1 : i32
    %scan3A_107:2 = scf.for %scan3A_1049 = %scan3A_103 to %scan3A_105 step %scan3A_106 iter_args(%scan3A_1050 = %scan3A, %scan3A_1051 = %scan3A_102) -> (i32, i32)  : i32 {
      %mul3A_1052 = arith.constant 16 : i32
      %mul3A_1053 = arith.muli %scan3A_1049, %mul3A_1052 : i32
      %get3A = arith.index_cast %mul3A_1053 : i32 to index
      %get3A_1054 = tpu.vector_load %arg5[%get3A] {strides = array<i32>} : memref<2048xi32, #tpu.memory_space<vmem>>, vector<16xi32>,
      %eq3A_1055 = arith.cmpi eq, %get3A_1054, %broadcast_in_dim3A_99 : vector<16xi32>
      %eq3A_1056 = arith.cmpi eq, %get3A_1054, %broadcast_in_dim3A_97 : vector<16xi32>
      %or3A = arith.ori %eq3A_1055, %eq3A_1056 : vector<16xi1>
      %eq3A_1057 = arith.cmpi eq, %get3A_1054, %broadcast_in_dim3A_101 : vector<16xi32>
      %or3A_1058 = arith.ori %or3A, %eq3A_1057 : vector<16xi1>
      %select_n3A_1059 = arith.select %or3A_1058, %broadcast_in_dim3A_97, %broadcast_in_dim3A_99 : vector<16xi1>, vector<16xi32>
      %reduce_sum3A = arith.constant true
      %reduce_sum3A_1060 = vector.broadcast %reduce_sum3A : i1 to vector<16xi1>
      %reduce_sum3A_1061 = tpu.scan <sum>, %select_n3A_1059 masked %reduce_sum3A_1060 : vector<16xi32>, vector<16xi1> -> vector<16xi32>
      %reduce_sum3A_1062 = vector.extract %reduce_sum3A_1061[15] : i32 from vector<16xi32>
      %lt3A_1063 = arith.cmpi slt, %scan3A_1049, %mul3A_37 : i32
      %jit3A_1064 = arith.constant 0 : i32
      %select_n3A_1065 = arith.select %lt3A_1063, %reduce_sum3A_1062, %jit3A_1064 : i32
      %add3A_1066 = arith.addi %scan3A_1051, %select_n3A_1065 : i32
      %add3A_1067 = arith.addi %scan3A_1050, %reduce_sum3A_1062 : i32
      scf.yield %add3A_1067, %add3A_1066 : i32, i32
    }
    %scan3A_108 = arith.constant 128 : i32
    %mul3A_109 = arith.constant 16 : i32
    %mul3A_110 = arith.muli %mul3A_37, %mul3A_109 : i32
    %sub3A_111 = arith.subi %mul3A_110, %scan3A_107#1 : i32
    %scan3A_112 = arith.constant 0 : i32
    %scan3A_113 = arith.constant 32 : i32
    %scan3A_114 = arith.addi %scan3A_112, %scan3A_113 : i32
    %scan3A_115 = arith.constant 1 : i32
    %scan3A_116:2 = scf.for %scan3A_1049 = %scan3A_112 to %scan3A_114 step %scan3A_115 iter_args(%scan3A_1050 = %scan3A_107#1, %scan3A_1051 = %sub3A_111) -> (i32, i32)  : i32 {
      %add3A_1052 = arith.addi %mul3A_37, %scan3A_1049 : i32
      %mul3A_1053 = arith.constant 16 : i32
      %mul3A_1054 = arith.muli %add3A_1052, %mul3A_1053 : i32
      %get3A = arith.index_cast %mul3A_1054 : i32 to index
      %get3A_1055 = tpu.vector_load %arg5[%get3A] {strides = array<i32>} : memref<2048xi32, #tpu.memory_space<vmem>>, vector<16xi32>,
      %eq3A_1056 = arith.cmpi eq, %get3A_1055, %broadcast_in_dim3A_99 : vector<16xi32>
      %eq3A_1057 = arith.cmpi eq, %get3A_1055, %broadcast_in_dim3A_97 : vector<16xi32>
      %or3A = arith.ori %eq3A_1056, %eq3A_1057 : vector<16xi1>
      %eq3A_1058 = arith.cmpi eq, %get3A_1055, %broadcast_in_dim3A_101 : vector<16xi32>
      %or3A_1059 = arith.ori %or3A, %eq3A_1058 : vector<16xi1>
      %select_n3A_1060 = arith.select %or3A_1059, %broadcast_in_dim3A_97, %broadcast_in_dim3A_99 : vector<16xi1>, vector<16xi32>
      %cumsum3A = arith.constant true
      %cumsum3A_1061 = vector.broadcast %cumsum3A : i1 to vector<16xi1>
      %cumsum3A_1062 = tpu.scan <sum>, %select_n3A_1060 masked %cumsum3A_1061 : vector<16xi32>, vector<16xi1> -> vector<16xi32>
      %add3A_1063 = arith.addi %iota3A, %broadcast_in_dim3A_97 : vector<16xi32>
      %sub3A_1064 = arith.subi %add3A_1063, %cumsum3A_1062 : vector<16xi32>
      %add3A_1065 = arith.addi %mul3A_32, %scan3A_1050 : i32
      %sub3A_1066 = arith.constant 1 : i32
      %sub3A_1067 = arith.subi %add3A_1065, %sub3A_1066 : i32
      %broadcast_in_dim3A_1068 = vector.broadcast %sub3A_1067 : i32 to vector<16xi32>
      %add3A_1069 = arith.addi %broadcast_in_dim3A_1068, %cumsum3A_1062 : vector<16xi32>
      %add3A_1070 = arith.addi %mul3A_32, %scan3A_107#0 : i32
      %add3A_1071 = arith.addi %add3A_1070, %scan3A_1051 : i32
      %sub3A_1072 = arith.constant 1 : i32
      %sub3A_1073 = arith.subi %add3A_1071, %sub3A_1072 : i32
      %broadcast_in_dim3A_1074 = vector.broadcast %sub3A_1073 : i32 to vector<16xi32>
      %add3A_1075 = arith.addi %broadcast_in_dim3A_1074, %sub3A_1064 : vector<16xi32>
      %select_n3A_1076 = arith.select %or3A_1059, %add3A_1069, %add3A_1075 : vector<16xi1>, vector<16xi32>
      %swap3A = arith.index_cast %scan3A_1049 : i32 to index
      %swap3A_1077 = arith.constant 0 : index
      %swap3A_1078 = tpu.vector_load %arg6[%swap3A, %swap3A_1077] {strides = array<i32>} : memref<32x16xi32, #tpu.memory_space<vmem>>, vector<16xi32>,
      tpu.vector_store %arg6[%swap3A, %swap3A_1077], %select_n3A_1076 {strides = array<i32>} : memref<32x16xi32, #tpu.memory_space<vmem>>, vector<16xi32>,
      %reduce_sum3A = arith.constant true
      %reduce_sum3A_1079 = vector.broadcast %reduce_sum3A : i1 to vector<16xi1>
      %reduce_sum3A_1080 = tpu.scan <sum>, %select_n3A_1060 masked %reduce_sum3A_1079 : vector<16xi32>, vector<16xi1> -> vector<16xi32>
      %reduce_sum3A_1081 = vector.extract %reduce_sum3A_1080[15] : i32 from vector<16xi32>
      %add3A_1082 = arith.addi %scan3A_1050, %reduce_sum3A_1081 : i32
      %sub3A_1083 = arith.constant 16 : i32
      %sub3A_1084 = arith.subi %sub3A_1083, %reduce_sum3A_1081 : i32
      %add3A_1085 = arith.addi %scan3A_1051, %sub3A_1084 : i32
      scf.yield %add3A_1082, %add3A_1085 : i32, i32
    }
    %scan3A_117 = arith.constant 32 : i32
    %dma_wait3A = arith.constant 0 : i32
    %dma_wait3A_118 = arith.constant 0 : i32
    %dma_wait3A_119 = tpu.memref_slice %arg7[%dma_wait3A, %dma_wait3A_118] : memref<192x512xf32, #tpu.memory_space<vmem>> -> memref<32x512xf32, #tpu.memory_space<vmem>>
    %dma_wait3A_120 = arith.constant 0 : i32
    %dma_wait3A_121 = tpu.memref_slice %arg2[%add3A_39, %dma_wait3A_120] : memref<16384x512xf32, #tpu.memory_space<hbm>> -> memref<32x512xf32, #tpu.memory_space<hbm>>
    %dma_wait3A_122 = arith.constant 0 : i32
    %dma_wait3A_123 = arith.constant 0 : i32
    %dma_wait3A_124 = tpu.memref_slice %arg7[%dma_wait3A_122, %dma_wait3A_123] : memref<192x512xf32, #tpu.memory_space<vmem>> -> memref<32x512xf32, #tpu.memory_space<vmem>>
    %dma_wait3A_125 = arith.constant 0 : i32
    %dma_wait3A_126 = tpu.memref_slice %arg2[%add3A_39, %dma_wait3A_125] : memref<16384x512xf32, #tpu.memory_space<hbm>> -> memref<32x512xf32, #tpu.memory_space<hbm>>
    tpu.wait_dma2 semaphore(%arg8 : memref<!tpu.dma_semaphore, #tpu.memory_space<semaphore_mem>>) src(%dma_wait3A_126 : memref<32x512xf32, #tpu.memory_space<hbm>>) dst(%dma_wait3A_124 : memref<32x512xf32, #tpu.memory_space<vmem>>)
    %dma_start3A_127 = arith.constant 0 : i32
    %dma_start3A_128 = arith.constant 0 : i32
    %dma_start3A_129 = arith.constant 0 : i32
    %dma_start3A_130 = tpu.memref_slice %arg7[%dma_start3A_128, %dma_start3A_129] : memref<192x512xf32, #tpu.memory_space<vmem>> -> memref<16x512xf32, #tpu.memory_space<vmem>>
    %dma_start3A_131 = arith.constant 0 : i32
    %dma_start3A_132 = tpu.memref_slice %arg6[%dma_start3A_127, %dma_start3A_131] : memref<32x16xi32, #tpu.memory_space<vmem>> -> memref<1x16xi32, #tpu.memory_space<vmem>>
    %dma_start3A_133 = tpu.memref_squeeze %dma_start3A_132 : memref<1x16xi32, #tpu.memory_space<vmem>> -> memref<16xi32, #tpu.memory_space<vmem>>
    %dma_start3A_134 = arith.constant 0 : i32
    %dma_start3A_135 = arith.constant 0 : i32
    %dma_start3A_136 = tpu.memref_slice %arg4[%dma_start3A_134, %dma_start3A_135] : memref<16384x512xf32, #tpu.memory_space<hbm>> -> memref<16384x512xf32, #tpu.memory_space<hbm>>
    tpu.enqueue_indirect_dma source(%dma_start3A_130 : memref<16x512xf32, #tpu.memory_space<vmem>>) target(%dma_start3A_136 : memref<16384x512xf32, #tpu.memory_space<hbm>>) offsets(%dma_start3A_133 : memref<16xi32, #tpu.memory_space<vmem>>) semaphore(%arg14 : memref<!tpu.dma_semaphore, #tpu.memory_space<semaphore_mem>>)
    %dma_start3A_137 = arith.constant 1 : i32
    %dma_start3A_138 = arith.constant 16 : i32
    %dma_start3A_139 = arith.constant 0 : i32
    %dma_start3A_140 = tpu.memref_slice %arg7[%dma_start3A_138, %dma_start3A_139] : memref<192x512xf32, #tpu.memory_space<vmem>> -> memref<16x512xf32, #tpu.memory_space<vmem>>
    %dma_start3A_141 = arith.constant 0 : i32
    %dma_start3A_142 = tpu.memref_slice %arg6[%dma_start3A_137, %dma_start3A_141] : memref<32x16xi32, #tpu.memory_space<vmem>> -> memref<1x16xi32, #tpu.memory_space<vmem>>
    %dma_start3A_143 = tpu.memref_squeeze %dma_start3A_142 : memref<1x16xi32, #tpu.memory_space<vmem>> -> memref<16xi32, #tpu.memory_space<vmem>>
    %dma_start3A_144 = arith.constant 0 : i32
    %dma_start3A_145 = arith.constant 0 : i32
    %dma_start3A_146 = tpu.memref_slice %arg4[%dma_start3A_144, %dma_start3A_145] : memref<16384x512xf32, #tpu.memory_space<hbm>> -> memref<16384x512xf32, #tpu.memory_space<hbm>>
    tpu.enqueue_indirect_dma source(%dma_start3A_140 : memref<16x512xf32, #tpu.memory_space<vmem>>) target(%dma_start3A_146 : memref<16384x512xf32, #tpu.memory_space<hbm>>) offsets(%dma_start3A_143 : memref<16xi32, #tpu.memory_space<vmem>>) semaphore(%arg14 : memref<!tpu.dma_semaphore, #tpu.memory_space<semaphore_mem>>)
    %add3A_147 = arith.constant 160 : i32
    %add3A_148 = arith.addi %add3A_35, %add3A_147 : i32
    %dma_start3A_149 = arith.constant 160 : i32
    %dma_start3A_150 = arith.constant 0 : i32
    %dma_start3A_151 = tpu.memref_slice %arg7[%dma_start3A_149, %dma_start3A_150] : memref<192x512xf32, #tpu.memory_space<vmem>> -> memref<32x512xf32, #tpu.memory_space<vmem>>
    %dma_start3A_152 = arith.constant 0 : i32
    %dma_start3A_153 = tpu.memref_slice %arg2[%add3A_148, %dma_start3A_152] : memref<16384x512xf32, #tpu.memory_space<hbm>> -> memref<32x512xf32, #tpu.memory_space<hbm>>
    %dma_start3A_154 = arith.constant 160 : i32
    %dma_start3A_155 = arith.constant 0 : i32
    %dma_start3A_156 = tpu.memref_slice %arg7[%dma_start3A_154, %dma_start3A_155] : memref<192x512xf32, #tpu.memory_space<vmem>> -> memref<32x512xf32, #tpu.memory_space<vmem>>
    %dma_start3A_157 = arith.constant 0 : i32
    %dma_start3A_158 = tpu.memref_slice %arg2[%add3A_148, %dma_start3A_157] : memref<16384x512xf32, #tpu.memory_space<hbm>> -> memref<32x512xf32, #tpu.memory_space<hbm>>
    tpu.enqueue_dma source(%dma_start3A_158 : memref<32x512xf32, #tpu.memory_space<hbm>>) target(%dma_start3A_156 : memref<32x512xf32, #tpu.memory_space<vmem>>) target_semaphore(%arg13 : memref<!tpu.dma_semaphore, #tpu.memory_space<semaphore_mem>>)
    %dma_wait3A_159 = arith.constant 32 : i32
    %dma_wait3A_160 = arith.constant 0 : i32
    %dma_wait3A_161 = tpu.memref_slice %arg7[%dma_wait3A_159, %dma_wait3A_160] : memref<192x512xf32, #tpu.memory_space<vmem>> -> memref<32x512xf32, #tpu.memory_space<vmem>>
    %dma_wait3A_162 = arith.constant 0 : i32
    %dma_wait3A_163 = tpu.memref_slice %arg2[%add3A_50, %dma_wait3A_162] : memref<16384x512xf32, #tpu.memory_space<hbm>> -> memref<32x512xf32, #tpu.memory_space<hbm>>
    %dma_wait3A_164 = arith.constant 32 : i32
    %dma_wait3A_165 = arith.constant 0 : i32
    %dma_wait3A_166 = tpu.memref_slice %arg7[%dma_wait3A_164, %dma_wait3A_165] : memref<192x512xf32, #tpu.memory_space<vmem>> -> memref<32x512xf32, #tpu.memory_space<vmem>>
    %dma_wait3A_167 = arith.constant 0 : i32
    %dma_wait3A_168 = tpu.memref_slice %arg2[%add3A_50, %dma_wait3A_167] : memref<16384x512xf32, #tpu.memory_space<hbm>> -> memref<32x512xf32, #tpu.memory_space<hbm>>
    tpu.wait_dma2 semaphore(%arg9 : memref<!tpu.dma_semaphore, #tpu.memory_space<semaphore_mem>>) src(%dma_wait3A_168 : memref<32x512xf32, #tpu.memory_space<hbm>>) dst(%dma_wait3A_166 : memref<32x512xf32, #tpu.memory_space<vmem>>)
    %dma_start3A_169 = arith.constant 2 : i32
    %dma_start3A_170 = arith.constant 32 : i32
    %dma_start3A_171 = arith.constant 0 : i32
    %dma_start3A_172 = tpu.memref_slice %arg7[%dma_start3A_170, %dma_start3A_171] : memref<192x512xf32, #tpu.memory_space<vmem>> -> memref<16x512xf32, #tpu.memory_space<vmem>>
    %dma_start3A_173 = arith.constant 0 : i32
    %dma_start3A_174 = tpu.memref_slice %arg6[%dma_start3A_169, %dma_start3A_173] : memref<32x16xi32, #tpu.memory_space<vmem>> -> memref<1x16xi32, #tpu.memory_space<vmem>>
    %dma_start3A_175 = tpu.memref_squeeze %dma_start3A_174 : memref<1x16xi32, #tpu.memory_space<vmem>> -> memref<16xi32, #tpu.memory_space<vmem>>
    %dma_start3A_176 = arith.constant 0 : i32
    %dma_start3A_177 = arith.constant 0 : i32
    %dma_start3A_178 = tpu.memref_slice %arg4[%dma_start3A_176, %dma_start3A_177] : memref<16384x512xf32, #tpu.memory_space<hbm>> -> memref<16384x512xf32, #tpu.memory_space<hbm>>
    tpu.enqueue_indirect_dma source(%dma_start3A_172 : memref<16x512xf32, #tpu.memory_space<vmem>>) target(%dma_start3A_178 : memref<16384x512xf32, #tpu.memory_space<hbm>>) offsets(%dma_start3A_175 : memref<16xi32, #tpu.memory_space<vmem>>) semaphore(%arg15 : memref<!tpu.dma_semaphore, #tpu.memory_space<semaphore_mem>>)
    %dma_start3A_179 = arith.constant 3 : i32
    %dma_start3A_180 = arith.constant 48 : i32
    %dma_start3A_181 = arith.constant 0 : i32
    %dma_start3A_182 = tpu.memref_slice %arg7[%dma_start3A_180, %dma_start3A_181] : memref<192x512xf32, #tpu.memory_space<vmem>> -> memref<16x512xf32, #tpu.memory_space<vmem>>
    %dma_start3A_183 = arith.constant 0 : i32
    %dma_start3A_184 = tpu.memref_slice %arg6[%dma_start3A_179, %dma_start3A_183] : memref<32x16xi32, #tpu.memory_space<vmem>> -> memref<1x16xi32, #tpu.memory_space<vmem>>
    %dma_start3A_185 = tpu.memref_squeeze %dma_start3A_184 : memref<1x16xi32, #tpu.memory_space<vmem>> -> memref<16xi32, #tpu.memory_space<vmem>>
    %dma_start3A_186 = arith.constant 0 : i32
    %dma_start3A_187 = arith.constant 0 : i32
    %dma_start3A_188 = tpu.memref_slice %arg4[%dma_start3A_186, %dma_start3A_187] : memref<16384x512xf32, #tpu.memory_space<hbm>> -> memref<16384x512xf32, #tpu.memory_space<hbm>>
    tpu.enqueue_indirect_dma source(%dma_start3A_182 : memref<16x512xf32, #tpu.memory_space<vmem>>) target(%dma_start3A_188 : memref<16384x512xf32, #tpu.memory_space<hbm>>) offsets(%dma_start3A_185 : memref<16xi32, #tpu.memory_space<vmem>>) semaphore(%arg15 : memref<!tpu.dma_semaphore, #tpu.memory_space<semaphore_mem>>)
    %dma_wait3A_189 = arith.constant 0 : i32
    %dma_wait3A_190 = arith.constant 0 : i32
    %dma_wait3A_191 = arith.constant 0 : i32
    %dma_wait3A_192 = tpu.memref_slice %arg7[%dma_wait3A_190, %dma_wait3A_191] : memref<192x512xf32, #tpu.memory_space<vmem>> -> memref<16x512xf32, #tpu.memory_space<vmem>>
    %dma_wait3A_193 = arith.constant 0 : i32
    %dma_wait3A_194 = tpu.memref_slice %arg6[%dma_wait3A_189, %dma_wait3A_193] : memref<32x16xi32, #tpu.memory_space<vmem>> -> memref<1x16xi32, #tpu.memory_space<vmem>>
    %dma_wait3A_195 = tpu.memref_squeeze %dma_wait3A_194 : memref<1x16xi32, #tpu.memory_space<vmem>> -> memref<16xi32, #tpu.memory_space<vmem>>
    %dma_wait3A_196 = arith.constant 0 : i32
    %dma_wait3A_197 = arith.constant 0 : i32
    %dma_wait3A_198 = tpu.memref_slice %arg4[%dma_wait3A_196, %dma_wait3A_197] : memref<16384x512xf32, #tpu.memory_space<hbm>> -> memref<16384x512xf32, #tpu.memory_space<hbm>>
    tpu.wait_indirect_dma semaphore(%arg14 : memref<!tpu.dma_semaphore, #tpu.memory_space<semaphore_mem>>) src(%dma_wait3A_192 : memref<16x512xf32, #tpu.memory_space<vmem>>) dst(%dma_wait3A_198 : memref<16384x512xf32, #tpu.memory_space<hbm>>)
    %dma_wait3A_199 = arith.constant 1 : i32
    %dma_wait3A_200 = arith.constant 16 : i32
    %dma_wait3A_201 = arith.constant 0 : i32
    %dma_wait3A_202 = tpu.memref_slice %arg7[%dma_wait3A_200, %dma_wait3A_201] : memref<192x512xf32, #tpu.memory_space<vmem>> -> memref<16x512xf32, #tpu.memory_space<vmem>>
    %dma_wait3A_203 = arith.constant 0 : i32
    %dma_wait3A_204 = tpu.memref_slice %arg6[%dma_wait3A_199, %dma_wait3A_203] : memref<32x16xi32, #tpu.memory_space<vmem>> -> memref<1x16xi32, #tpu.memory_space<vmem>>
    %dma_wait3A_205 = tpu.memref_squeeze %dma_wait3A_204 : memref<1x16xi32, #tpu.memory_space<vmem>> -> memref<16xi32, #tpu.memory_space<vmem>>
    %dma_wait3A_206 = arith.constant 0 : i32
    %dma_wait3A_207 = arith.constant 0 : i32
    %dma_wait3A_208 = tpu.memref_slice %arg4[%dma_wait3A_206, %dma_wait3A_207] : memref<16384x512xf32, #tpu.memory_space<hbm>> -> memref<16384x512xf32, #tpu.memory_space<hbm>>
    tpu.wait_indirect_dma semaphore(%arg14 : memref<!tpu.dma_semaphore, #tpu.memory_space<semaphore_mem>>) src(%dma_wait3A_202 : memref<16x512xf32, #tpu.memory_space<vmem>>) dst(%dma_wait3A_208 : memref<16384x512xf32, #tpu.memory_space<hbm>>)
    %add3A_209 = arith.constant 192 : i32
    %add3A_210 = arith.addi %add3A_35, %add3A_209 : i32
    %dma_start3A_211 = arith.constant 0 : i32
    %dma_start3A_212 = arith.constant 0 : i32
    %dma_start3A_213 = tpu.memref_slice %arg7[%dma_start3A_211, %dma_start3A_212] : memref<192x512xf32, #tpu.memory_space<vmem>> -> memref<32x512xf32, #tpu.memory_space<vmem>>
    %dma_start3A_214 = arith.constant 0 : i32
    %dma_start3A_215 = tpu.memref_slice %arg2[%add3A_210, %dma_start3A_214] : memref<16384x512xf32, #tpu.memory_space<hbm>> -> memref<32x512xf32, #tpu.memory_space<hbm>>
    %dma_start3A_216 = arith.constant 0 : i32
    %dma_start3A_217 = arith.constant 0 : i32
    %dma_start3A_218 = tpu.memref_slice %arg7[%dma_start3A_216, %dma_start3A_217] : memref<192x512xf32, #tpu.memory_space<vmem>> -> memref<32x512xf32, #tpu.memory_space<vmem>>
    %dma_start3A_219 = arith.constant 0 : i32
    %dma_start3A_220 = tpu.memref_slice %arg2[%add3A_210, %dma_start3A_219] : memref<16384x512xf32, #tpu.memory_space<hbm>> -> memref<32x512xf32, #tpu.memory_space<hbm>>
    tpu.enqueue_dma source(%dma_start3A_220 : memref<32x512xf32, #tpu.memory_space<hbm>>) target(%dma_start3A_218 : memref<32x512xf32, #tpu.memory_space<vmem>>) target_semaphore(%arg8 : memref<!tpu.dma_semaphore, #tpu.memory_space<semaphore_mem>>)
    %dma_wait3A_221 = arith.constant 64 : i32
    %dma_wait3A_222 = arith.constant 0 : i32
    %dma_wait3A_223 = tpu.memref_slice %arg7[%dma_wait3A_221, %dma_wait3A_222] : memref<192x512xf32, #tpu.memory_space<vmem>> -> memref<32x512xf32, #tpu.memory_space<vmem>>
    %dma_wait3A_224 = arith.constant 0 : i32
    %dma_wait3A_225 = tpu.memref_slice %arg2[%add3A_62, %dma_wait3A_224] : memref<16384x512xf32, #tpu.memory_space<hbm>> -> memref<32x512xf32, #tpu.memory_space<hbm>>
    %dma_wait3A_226 = arith.constant 64 : i32
    %dma_wait3A_227 = arith.constant 0 : i32
    %dma_wait3A_228 = tpu.memref_slice %arg7[%dma_wait3A_226, %dma_wait3A_227] : memref<192x512xf32, #tpu.memory_space<vmem>> -> memref<32x512xf32, #tpu.memory_space<vmem>>
    %dma_wait3A_229 = arith.constant 0 : i32
    %dma_wait3A_230 = tpu.memref_slice %arg2[%add3A_62, %dma_wait3A_229] : memref<16384x512xf32, #tpu.memory_space<hbm>> -> memref<32x512xf32, #tpu.memory_space<hbm>>
    tpu.wait_dma2 semaphore(%arg10 : memref<!tpu.dma_semaphore, #tpu.memory_space<semaphore_mem>>) src(%dma_wait3A_230 : memref<32x512xf32, #tpu.memory_space<hbm>>) dst(%dma_wait3A_228 : memref<32x512xf32, #tpu.memory_space<vmem>>)
    %dma_start3A_231 = arith.constant 4 : i32
    %dma_start3A_232 = arith.constant 64 : i32
    %dma_start3A_233 = arith.constant 0 : i32
    %dma_start3A_234 = tpu.memref_slice %arg7[%dma_start3A_232, %dma_start3A_233] : memref<192x512xf32, #tpu.memory_space<vmem>> -> memref<16x512xf32, #tpu.memory_space<vmem>>
    %dma_start3A_235 = arith.constant 0 : i32
    %dma_start3A_236 = tpu.memref_slice %arg6[%dma_start3A_231, %dma_start3A_235] : memref<32x16xi32, #tpu.memory_space<vmem>> -> memref<1x16xi32, #tpu.memory_space<vmem>>
    %dma_start3A_237 = tpu.memref_squeeze %dma_start3A_236 : memref<1x16xi32, #tpu.memory_space<vmem>> -> memref<16xi32, #tpu.memory_space<vmem>>
    %dma_start3A_238 = arith.constant 0 : i32
    %dma_start3A_239 = arith.constant 0 : i32
    %dma_start3A_240 = tpu.memref_slice %arg4[%dma_start3A_238, %dma_start3A_239] : memref<16384x512xf32, #tpu.memory_space<hbm>> -> memref<16384x512xf32, #tpu.memory_space<hbm>>
    tpu.enqueue_indirect_dma source(%dma_start3A_234 : memref<16x512xf32, #tpu.memory_space<vmem>>) target(%dma_start3A_240 : memref<16384x512xf32, #tpu.memory_space<hbm>>) offsets(%dma_start3A_237 : memref<16xi32, #tpu.memory_space<vmem>>) semaphore(%arg16 : memref<!tpu.dma_semaphore, #tpu.memory_space<semaphore_mem>>)
    %dma_start3A_241 = arith.constant 5 : i32
    %dma_start3A_242 = arith.constant 80 : i32
    %dma_start3A_243 = arith.constant 0 : i32
    %dma_start3A_244 = tpu.memref_slice %arg7[%dma_start3A_242, %dma_start3A_243] : memref<192x512xf32, #tpu.memory_space<vmem>> -> memref<16x512xf32, #tpu.memory_space<vmem>>
    %dma_start3A_245 = arith.constant 0 : i32
    %dma_start3A_246 = tpu.memref_slice %arg6[%dma_start3A_241, %dma_start3A_245] : memref<32x16xi32, #tpu.memory_space<vmem>> -> memref<1x16xi32, #tpu.memory_space<vmem>>
    %dma_start3A_247 = tpu.memref_squeeze %dma_start3A_246 : memref<1x16xi32, #tpu.memory_space<vmem>> -> memref<16xi32, #tpu.memory_space<vmem>>
    %dma_start3A_248 = arith.constant 0 : i32
    %dma_start3A_249 = arith.constant 0 : i32
    %dma_start3A_250 = tpu.memref_slice %arg4[%dma_start3A_248, %dma_start3A_249] : memref<16384x512xf32, #tpu.memory_space<hbm>> -> memref<16384x512xf32, #tpu.memory_space<hbm>>
    tpu.enqueue_indirect_dma source(%dma_start3A_244 : memref<16x512xf32, #tpu.memory_space<vmem>>) target(%dma_start3A_250 : memref<16384x512xf32, #tpu.memory_space<hbm>>) offsets(%dma_start3A_247 : memref<16xi32, #tpu.memory_space<vmem>>) semaphore(%arg16 : memref<!tpu.dma_semaphore, #tpu.memory_space<semaphore_mem>>)
    %dma_wait3A_251 = arith.constant 2 : i32
    %dma_wait3A_252 = arith.constant 32 : i32
    %dma_wait3A_253 = arith.constant 0 : i32
    %dma_wait3A_254 = tpu.memref_slice %arg7[%dma_wait3A_252, %dma_wait3A_253] : memref<192x512xf32, #tpu.memory_space<vmem>> -> memref<16x512xf32, #tpu.memory_space<vmem>>
    %dma_wait3A_255 = arith.constant 0 : i32
    %dma_wait3A_256 = tpu.memref_slice %arg6[%dma_wait3A_251, %dma_wait3A_255] : memref<32x16xi32, #tpu.memory_space<vmem>> -> memref<1x16xi32, #tpu.memory_space<vmem>>
    %dma_wait3A_257 = tpu.memref_squeeze %dma_wait3A_256 : memref<1x16xi32, #tpu.memory_space<vmem>> -> memref<16xi32, #tpu.memory_space<vmem>>
    %dma_wait3A_258 = arith.constant 0 : i32
    %dma_wait3A_259 = arith.constant 0 : i32
    %dma_wait3A_260 = tpu.memref_slice %arg4[%dma_wait3A_258, %dma_wait3A_259] : memref<16384x512xf32, #tpu.memory_space<hbm>> -> memref<16384x512xf32, #tpu.memory_space<hbm>>
    tpu.wait_indirect_dma semaphore(%arg15 : memref<!tpu.dma_semaphore, #tpu.memory_space<semaphore_mem>>) src(%dma_wait3A_254 : memref<16x512xf32, #tpu.memory_space<vmem>>) dst(%dma_wait3A_260 : memref<16384x512xf32, #tpu.memory_space<hbm>>)
    %dma_wait3A_261 = arith.constant 3 : i32
    %dma_wait3A_262 = arith.constant 48 : i32
    %dma_wait3A_263 = arith.constant 0 : i32
    %dma_wait3A_264 = tpu.memref_slice %arg7[%dma_wait3A_262, %dma_wait3A_263] : memref<192x512xf32, #tpu.memory_space<vmem>> -> memref<16x512xf32, #tpu.memory_space<vmem>>
    %dma_wait3A_265 = arith.constant 0 : i32
    %dma_wait3A_266 = tpu.memref_slice %arg6[%dma_wait3A_261, %dma_wait3A_265] : memref<32x16xi32, #tpu.memory_space<vmem>> -> memref<1x16xi32, #tpu.memory_space<vmem>>
    %dma_wait3A_267 = tpu.memref_squeeze %dma_wait3A_266 : memref<1x16xi32, #tpu.memory_space<vmem>> -> memref<16xi32, #tpu.memory_space<vmem>>
    %dma_wait3A_268 = arith.constant 0 : i32
    %dma_wait3A_269 = arith.constant 0 : i32
    %dma_wait3A_270 = tpu.memref_slice %arg4[%dma_wait3A_268, %dma_wait3A_269] : memref<16384x512xf32, #tpu.memory_space<hbm>> -> memref<16384x512xf32, #tpu.memory_space<hbm>>
    tpu.wait_indirect_dma semaphore(%arg15 : memref<!tpu.dma_semaphore, #tpu.memory_space<semaphore_mem>>) src(%dma_wait3A_264 : memref<16x512xf32, #tpu.memory_space<vmem>>) dst(%dma_wait3A_270 : memref<16384x512xf32, #tpu.memory_space<hbm>>)
    %add3A_271 = arith.constant 224 : i32
    %add3A_272 = arith.addi %add3A_35, %add3A_271 : i32
    %dma_start3A_273 = arith.constant 32 : i32
    %dma_start3A_274 = arith.constant 0 : i32
    %dma_start3A_275 = tpu.memref_slice %arg7[%dma_start3A_273, %dma_start3A_274] : memref<192x512xf32, #tpu.memory_space<vmem>> -> memref<32x512xf32, #tpu.memory_space<vmem>>
    %dma_start3A_276 = arith.constant 0 : i32
    %dma_start3A_277 = tpu.memref_slice %arg2[%add3A_272, %dma_start3A_276] : memref<16384x512xf32, #tpu.memory_space<hbm>> -> memref<32x512xf32, #tpu.memory_space<hbm>>
    %dma_start3A_278 = arith.constant 32 : i32
    %dma_start3A_279 = arith.constant 0 : i32
    %dma_start3A_280 = tpu.memref_slice %arg7[%dma_start3A_278, %dma_start3A_279] : memref<192x512xf32, #tpu.memory_space<vmem>> -> memref<32x512xf32, #tpu.memory_space<vmem>>
    %dma_start3A_281 = arith.constant 0 : i32
    %dma_start3A_282 = tpu.memref_slice %arg2[%add3A_272, %dma_start3A_281] : memref<16384x512xf32, #tpu.memory_space<hbm>> -> memref<32x512xf32, #tpu.memory_space<hbm>>
    tpu.enqueue_dma source(%dma_start3A_282 : memref<32x512xf32, #tpu.memory_space<hbm>>) target(%dma_start3A_280 : memref<32x512xf32, #tpu.memory_space<vmem>>) target_semaphore(%arg9 : memref<!tpu.dma_semaphore, #tpu.memory_space<semaphore_mem>>)
    %dma_wait3A_283 = arith.constant 96 : i32
    %dma_wait3A_284 = arith.constant 0 : i32
    %dma_wait3A_285 = tpu.memref_slice %arg7[%dma_wait3A_283, %dma_wait3A_284] : memref<192x512xf32, #tpu.memory_space<vmem>> -> memref<32x512xf32, #tpu.memory_space<vmem>>
    %dma_wait3A_286 = arith.constant 0 : i32
    %dma_wait3A_287 = tpu.memref_slice %arg2[%add3A_74, %dma_wait3A_286] : memref<16384x512xf32, #tpu.memory_space<hbm>> -> memref<32x512xf32, #tpu.memory_space<hbm>>
    %dma_wait3A_288 = arith.constant 96 : i32
    %dma_wait3A_289 = arith.constant 0 : i32
    %dma_wait3A_290 = tpu.memref_slice %arg7[%dma_wait3A_288, %dma_wait3A_289] : memref<192x512xf32, #tpu.memory_space<vmem>> -> memref<32x512xf32, #tpu.memory_space<vmem>>
    %dma_wait3A_291 = arith.constant 0 : i32
    %dma_wait3A_292 = tpu.memref_slice %arg2[%add3A_74, %dma_wait3A_291] : memref<16384x512xf32, #tpu.memory_space<hbm>> -> memref<32x512xf32, #tpu.memory_space<hbm>>
    tpu.wait_dma2 semaphore(%arg11 : memref<!tpu.dma_semaphore, #tpu.memory_space<semaphore_mem>>) src(%dma_wait3A_292 : memref<32x512xf32, #tpu.memory_space<hbm>>) dst(%dma_wait3A_290 : memref<32x512xf32, #tpu.memory_space<vmem>>)
    %dma_start3A_293 = arith.constant 6 : i32
    %dma_start3A_294 = arith.constant 96 : i32
    %dma_start3A_295 = arith.constant 0 : i32
    %dma_start3A_296 = tpu.memref_slice %arg7[%dma_start3A_294, %dma_start3A_295] : memref<192x512xf32, #tpu.memory_space<vmem>> -> memref<16x512xf32, #tpu.memory_space<vmem>>
    %dma_start3A_297 = arith.constant 0 : i32
    %dma_start3A_298 = tpu.memref_slice %arg6[%dma_start3A_293, %dma_start3A_297] : memref<32x16xi32, #tpu.memory_space<vmem>> -> memref<1x16xi32, #tpu.memory_space<vmem>>
    %dma_start3A_299 = tpu.memref_squeeze %dma_start3A_298 : memref<1x16xi32, #tpu.memory_space<vmem>> -> memref<16xi32, #tpu.memory_space<vmem>>
    %dma_start3A_300 = arith.constant 0 : i32
    %dma_start3A_301 = arith.constant 0 : i32
    %dma_start3A_302 = tpu.memref_slice %arg4[%dma_start3A_300, %dma_start3A_301] : memref<16384x512xf32, #tpu.memory_space<hbm>> -> memref<16384x512xf32, #tpu.memory_space<hbm>>
    tpu.enqueue_indirect_dma source(%dma_start3A_296 : memref<16x512xf32, #tpu.memory_space<vmem>>) target(%dma_start3A_302 : memref<16384x512xf32, #tpu.memory_space<hbm>>) offsets(%dma_start3A_299 : memref<16xi32, #tpu.memory_space<vmem>>) semaphore(%arg17 : memref<!tpu.dma_semaphore, #tpu.memory_space<semaphore_mem>>)
    %dma_start3A_303 = arith.constant 7 : i32
    %dma_start3A_304 = arith.constant 112 : i32
    %dma_start3A_305 = arith.constant 0 : i32
    %dma_start3A_306 = tpu.memref_slice %arg7[%dma_start3A_304, %dma_start3A_305] : memref<192x512xf32, #tpu.memory_space<vmem>> -> memref<16x512xf32, #tpu.memory_space<vmem>>
    %dma_start3A_307 = arith.constant 0 : i32
    %dma_start3A_308 = tpu.memref_slice %arg6[%dma_start3A_303, %dma_start3A_307] : memref<32x16xi32, #tpu.memory_space<vmem>> -> memref<1x16xi32, #tpu.memory_space<vmem>>
    %dma_start3A_309 = tpu.memref_squeeze %dma_start3A_308 : memref<1x16xi32, #tpu.memory_space<vmem>> -> memref<16xi32, #tpu.memory_space<vmem>>
    %dma_start3A_310 = arith.constant 0 : i32
    %dma_start3A_311 = arith.constant 0 : i32
    %dma_start3A_312 = tpu.memref_slice %arg4[%dma_start3A_310, %dma_start3A_311] : memref<16384x512xf32, #tpu.memory_space<hbm>> -> memref<16384x512xf32, #tpu.memory_space<hbm>>
    tpu.enqueue_indirect_dma source(%dma_start3A_306 : memref<16x512xf32, #tpu.memory_space<vmem>>) target(%dma_start3A_312 : memref<16384x512xf32, #tpu.memory_space<hbm>>) offsets(%dma_start3A_309 : memref<16xi32, #tpu.memory_space<vmem>>) semaphore(%arg17 : memref<!tpu.dma_semaphore, #tpu.memory_space<semaphore_mem>>)
    %dma_wait3A_313 = arith.constant 4 : i32
    %dma_wait3A_314 = arith.constant 64 : i32
    %dma_wait3A_315 = arith.constant 0 : i32
    %dma_wait3A_316 = tpu.memref_slice %arg7[%dma_wait3A_314, %dma_wait3A_315] : memref<192x512xf32, #tpu.memory_space<vmem>> -> memref<16x512xf32, #tpu.memory_space<vmem>>
    %dma_wait3A_317 = arith.constant 0 : i32
    %dma_wait3A_318 = tpu.memref_slice %arg6[%dma_wait3A_313, %dma_wait3A_317] : memref<32x16xi32, #tpu.memory_space<vmem>> -> memref<1x16xi32, #tpu.memory_space<vmem>>
    %dma_wait3A_319 = tpu.memref_squeeze %dma_wait3A_318 : memref<1x16xi32, #tpu.memory_space<vmem>> -> memref<16xi32, #tpu.memory_space<vmem>>
    %dma_wait3A_320 = arith.constant 0 : i32
    %dma_wait3A_321 = arith.constant 0 : i32
    %dma_wait3A_322 = tpu.memref_slice %arg4[%dma_wait3A_320, %dma_wait3A_321] : memref<16384x512xf32, #tpu.memory_space<hbm>> -> memref<16384x512xf32, #tpu.memory_space<hbm>>
    tpu.wait_indirect_dma semaphore(%arg16 : memref<!tpu.dma_semaphore, #tpu.memory_space<semaphore_mem>>) src(%dma_wait3A_316 : memref<16x512xf32, #tpu.memory_space<vmem>>) dst(%dma_wait3A_322 : memref<16384x512xf32, #tpu.memory_space<hbm>>)
    %dma_wait3A_323 = arith.constant 5 : i32
    %dma_wait3A_324 = arith.constant 80 : i32
    %dma_wait3A_325 = arith.constant 0 : i32
    %dma_wait3A_326 = tpu.memref_slice %arg7[%dma_wait3A_324, %dma_wait3A_325] : memref<192x512xf32, #tpu.memory_space<vmem>> -> memref<16x512xf32, #tpu.memory_space<vmem>>
    %dma_wait3A_327 = arith.constant 0 : i32
    %dma_wait3A_328 = tpu.memref_slice %arg6[%dma_wait3A_323, %dma_wait3A_327] : memref<32x16xi32, #tpu.memory_space<vmem>> -> memref<1x16xi32, #tpu.memory_space<vmem>>
    %dma_wait3A_329 = tpu.memref_squeeze %dma_wait3A_328 : memref<1x16xi32, #tpu.memory_space<vmem>> -> memref<16xi32, #tpu.memory_space<vmem>>
    %dma_wait3A_330 = arith.constant 0 : i32
    %dma_wait3A_331 = arith.constant 0 : i32
    %dma_wait3A_332 = tpu.memref_slice %arg4[%dma_wait3A_330, %dma_wait3A_331] : memref<16384x512xf32, #tpu.memory_space<hbm>> -> memref<16384x512xf32, #tpu.memory_space<hbm>>
    tpu.wait_indirect_dma semaphore(%arg16 : memref<!tpu.dma_semaphore, #tpu.memory_space<semaphore_mem>>) src(%dma_wait3A_326 : memref<16x512xf32, #tpu.memory_space<vmem>>) dst(%dma_wait3A_332 : memref<16384x512xf32, #tpu.memory_space<hbm>>)
    %add3A_333 = arith.constant 256 : i32
    %add3A_334 = arith.addi %add3A_35, %add3A_333 : i32
    %dma_start3A_335 = arith.constant 64 : i32
    %dma_start3A_336 = arith.constant 0 : i32
    %dma_start3A_337 = tpu.memref_slice %arg7[%dma_start3A_335, %dma_start3A_336] : memref<192x512xf32, #tpu.memory_space<vmem>> -> memref<32x512xf32, #tpu.memory_space<vmem>>
    %dma_start3A_338 = arith.constant 0 : i32
    %dma_start3A_339 = tpu.memref_slice %arg2[%add3A_334, %dma_start3A_338] : memref<16384x512xf32, #tpu.memory_space<hbm>> -> memref<32x512xf32, #tpu.memory_space<hbm>>
    %dma_start3A_340 = arith.constant 64 : i32
    %dma_start3A_341 = arith.constant 0 : i32
    %dma_start3A_342 = tpu.memref_slice %arg7[%dma_start3A_340, %dma_start3A_341] : memref<192x512xf32, #tpu.memory_space<vmem>> -> memref<32x512xf32, #tpu.memory_space<vmem>>
    %dma_start3A_343 = arith.constant 0 : i32
    %dma_start3A_344 = tpu.memref_slice %arg2[%add3A_334, %dma_start3A_343] : memref<16384x512xf32, #tpu.memory_space<hbm>> -> memref<32x512xf32, #tpu.memory_space<hbm>>
    tpu.enqueue_dma source(%dma_start3A_344 : memref<32x512xf32, #tpu.memory_space<hbm>>) target(%dma_start3A_342 : memref<32x512xf32, #tpu.memory_space<vmem>>) target_semaphore(%arg10 : memref<!tpu.dma_semaphore, #tpu.memory_space<semaphore_mem>>)
    %dma_wait3A_345 = arith.constant 128 : i32
    %dma_wait3A_346 = arith.constant 0 : i32
    %dma_wait3A_347 = tpu.memref_slice %arg7[%dma_wait3A_345, %dma_wait3A_346] : memref<192x512xf32, #tpu.memory_space<vmem>> -> memref<32x512xf32, #tpu.memory_space<vmem>>
    %dma_wait3A_348 = arith.constant 0 : i32
    %dma_wait3A_349 = tpu.memref_slice %arg2[%add3A_86, %dma_wait3A_348] : memref<16384x512xf32, #tpu.memory_space<hbm>> -> memref<32x512xf32, #tpu.memory_space<hbm>>
    %dma_wait3A_350 = arith.constant 128 : i32
    %dma_wait3A_351 = arith.constant 0 : i32
    %dma_wait3A_352 = tpu.memref_slice %arg7[%dma_wait3A_350, %dma_wait3A_351] : memref<192x512xf32, #tpu.memory_space<vmem>> -> memref<32x512xf32, #tpu.memory_space<vmem>>
    %dma_wait3A_353 = arith.constant 0 : i32
    %dma_wait3A_354 = tpu.memref_slice %arg2[%add3A_86, %dma_wait3A_353] : memref<16384x512xf32, #tpu.memory_space<hbm>> -> memref<32x512xf32, #tpu.memory_space<hbm>>
    tpu.wait_dma2 semaphore(%arg12 : memref<!tpu.dma_semaphore, #tpu.memory_space<semaphore_mem>>) src(%dma_wait3A_354 : memref<32x512xf32, #tpu.memory_space<hbm>>) dst(%dma_wait3A_352 : memref<32x512xf32, #tpu.memory_space<vmem>>)
    %dma_start3A_355 = arith.constant 8 : i32
    %dma_start3A_356 = arith.constant 128 : i32
    %dma_start3A_357 = arith.constant 0 : i32
    %dma_start3A_358 = tpu.memref_slice %arg7[%dma_start3A_356, %dma_start3A_357] : memref<192x512xf32, #tpu.memory_space<vmem>> -> memref<16x512xf32, #tpu.memory_space<vmem>>
    %dma_start3A_359 = arith.constant 0 : i32
    %dma_start3A_360 = tpu.memref_slice %arg6[%dma_start3A_355, %dma_start3A_359] : memref<32x16xi32, #tpu.memory_space<vmem>> -> memref<1x16xi32, #tpu.memory_space<vmem>>
    %dma_start3A_361 = tpu.memref_squeeze %dma_start3A_360 : memref<1x16xi32, #tpu.memory_space<vmem>> -> memref<16xi32, #tpu.memory_space<vmem>>
    %dma_start3A_362 = arith.constant 0 : i32
    %dma_start3A_363 = arith.constant 0 : i32
    %dma_start3A_364 = tpu.memref_slice %arg4[%dma_start3A_362, %dma_start3A_363] : memref<16384x512xf32, #tpu.memory_space<hbm>> -> memref<16384x512xf32, #tpu.memory_space<hbm>>
    tpu.enqueue_indirect_dma source(%dma_start3A_358 : memref<16x512xf32, #tpu.memory_space<vmem>>) target(%dma_start3A_364 : memref<16384x512xf32, #tpu.memory_space<hbm>>) offsets(%dma_start3A_361 : memref<16xi32, #tpu.memory_space<vmem>>) semaphore(%arg18 : memref<!tpu.dma_semaphore, #tpu.memory_space<semaphore_mem>>)
    %dma_start3A_365 = arith.constant 9 : i32
    %dma_start3A_366 = arith.constant 144 : i32
    %dma_start3A_367 = arith.constant 0 : i32
    %dma_start3A_368 = tpu.memref_slice %arg7[%dma_start3A_366, %dma_start3A_367] : memref<192x512xf32, #tpu.memory_space<vmem>> -> memref<16x512xf32, #tpu.memory_space<vmem>>
    %dma_start3A_369 = arith.constant 0 : i32
    %dma_start3A_370 = tpu.memref_slice %arg6[%dma_start3A_365, %dma_start3A_369] : memref<32x16xi32, #tpu.memory_space<vmem>> -> memref<1x16xi32, #tpu.memory_space<vmem>>
    %dma_start3A_371 = tpu.memref_squeeze %dma_start3A_370 : memref<1x16xi32, #tpu.memory_space<vmem>> -> memref<16xi32, #tpu.memory_space<vmem>>
    %dma_start3A_372 = arith.constant 0 : i32
    %dma_start3A_373 = arith.constant 0 : i32
    %dma_start3A_374 = tpu.memref_slice %arg4[%dma_start3A_372, %dma_start3A_373] : memref<16384x512xf32, #tpu.memory_space<hbm>> -> memref<16384x512xf32, #tpu.memory_space<hbm>>
    tpu.enqueue_indirect_dma source(%dma_start3A_368 : memref<16x512xf32, #tpu.memory_space<vmem>>) target(%dma_start3A_374 : memref<16384x512xf32, #tpu.memory_space<hbm>>) offsets(%dma_start3A_371 : memref<16xi32, #tpu.memory_space<vmem>>) semaphore(%arg18 : memref<!tpu.dma_semaphore, #tpu.memory_space<semaphore_mem>>)
    %dma_wait3A_375 = arith.constant 6 : i32
    %dma_wait3A_376 = arith.constant 96 : i32
    %dma_wait3A_377 = arith.constant 0 : i32
    %dma_wait3A_378 = tpu.memref_slice %arg7[%dma_wait3A_376, %dma_wait3A_377] : memref<192x512xf32, #tpu.memory_space<vmem>> -> memref<16x512xf32, #tpu.memory_space<vmem>>
    %dma_wait3A_379 = arith.constant 0 : i32
    %dma_wait3A_380 = tpu.memref_slice %arg6[%dma_wait3A_375, %dma_wait3A_379] : memref<32x16xi32, #tpu.memory_space<vmem>> -> memref<1x16xi32, #tpu.memory_space<vmem>>
    %dma_wait3A_381 = tpu.memref_squeeze %dma_wait3A_380 : memref<1x16xi32, #tpu.memory_space<vmem>> -> memref<16xi32, #tpu.memory_space<vmem>>
    %dma_wait3A_382 = arith.constant 0 : i32
    %dma_wait3A_383 = arith.constant 0 : i32
    %dma_wait3A_384 = tpu.memref_slice %arg4[%dma_wait3A_382, %dma_wait3A_383] : memref<16384x512xf32, #tpu.memory_space<hbm>> -> memref<16384x512xf32, #tpu.memory_space<hbm>>
    tpu.wait_indirect_dma semaphore(%arg17 : memref<!tpu.dma_semaphore, #tpu.memory_space<semaphore_mem>>) src(%dma_wait3A_378 : memref<16x512xf32, #tpu.memory_space<vmem>>) dst(%dma_wait3A_384 : memref<16384x512xf32, #tpu.memory_space<hbm>>)
    %dma_wait3A_385 = arith.constant 7 : i32
    %dma_wait3A_386 = arith.constant 112 : i32
    %dma_wait3A_387 = arith.constant 0 : i32
    %dma_wait3A_388 = tpu.memref_slice %arg7[%dma_wait3A_386, %dma_wait3A_387] : memref<192x512xf32, #tpu.memory_space<vmem>> -> memref<16x512xf32, #tpu.memory_space<vmem>>
    %dma_wait3A_389 = arith.constant 0 : i32
    %dma_wait3A_390 = tpu.memref_slice %arg6[%dma_wait3A_385, %dma_wait3A_389] : memref<32x16xi32, #tpu.memory_space<vmem>> -> memref<1x16xi32, #tpu.memory_space<vmem>>
    %dma_wait3A_391 = tpu.memref_squeeze %dma_wait3A_390 : memref<1x16xi32, #tpu.memory_space<vmem>> -> memref<16xi32, #tpu.memory_space<vmem>>
    %dma_wait3A_392 = arith.constant 0 : i32
    %dma_wait3A_393 = arith.constant 0 : i32
    %dma_wait3A_394 = tpu.memref_slice %arg4[%dma_wait3A_392, %dma_wait3A_393] : memref<16384x512xf32, #tpu.memory_space<hbm>> -> memref<16384x512xf32, #tpu.memory_space<hbm>>
    tpu.wait_indirect_dma semaphore(%arg17 : memref<!tpu.dma_semaphore, #tpu.memory_space<semaphore_mem>>) src(%dma_wait3A_388 : memref<16x512xf32, #tpu.memory_space<vmem>>) dst(%dma_wait3A_394 : memref<16384x512xf32, #tpu.memory_space<hbm>>)
    %add3A_395 = arith.constant 288 : i32
    %add3A_396 = arith.addi %add3A_35, %add3A_395 : i32
    %dma_start3A_397 = arith.constant 96 : i32
    %dma_start3A_398 = arith.constant 0 : i32
    %dma_start3A_399 = tpu.memref_slice %arg7[%dma_start3A_397, %dma_start3A_398] : memref<192x512xf32, #tpu.memory_space<vmem>> -> memref<32x512xf32, #tpu.memory_space<vmem>>
    %dma_start3A_400 = arith.constant 0 : i32
    %dma_start3A_401 = tpu.memref_slice %arg2[%add3A_396, %dma_start3A_400] : memref<16384x512xf32, #tpu.memory_space<hbm>> -> memref<32x512xf32, #tpu.memory_space<hbm>>
    %dma_start3A_402 = arith.constant 96 : i32
    %dma_start3A_403 = arith.constant 0 : i32
    %dma_start3A_404 = tpu.memref_slice %arg7[%dma_start3A_402, %dma_start3A_403] : memref<192x512xf32, #tpu.memory_space<vmem>> -> memref<32x512xf32, #tpu.memory_space<vmem>>
    %dma_start3A_405 = arith.constant 0 : i32
    %dma_start3A_406 = tpu.memref_slice %arg2[%add3A_396, %dma_start3A_405] : memref<16384x512xf32, #tpu.memory_space<hbm>> -> memref<32x512xf32, #tpu.memory_space<hbm>>
    tpu.enqueue_dma source(%dma_start3A_406 : memref<32x512xf32, #tpu.memory_space<hbm>>) target(%dma_start3A_404 : memref<32x512xf32, #tpu.memory_space<vmem>>) target_semaphore(%arg11 : memref<!tpu.dma_semaphore, #tpu.memory_space<semaphore_mem>>)
    %dma_wait3A_407 = arith.constant 160 : i32
    %dma_wait3A_408 = arith.constant 0 : i32
    %dma_wait3A_409 = tpu.memref_slice %arg7[%dma_wait3A_407, %dma_wait3A_408] : memref<192x512xf32, #tpu.memory_space<vmem>> -> memref<32x512xf32, #tpu.memory_space<vmem>>
    %dma_wait3A_410 = arith.constant 0 : i32
    %dma_wait3A_411 = tpu.memref_slice %arg2[%add3A_148, %dma_wait3A_410] : memref<16384x512xf32, #tpu.memory_space<hbm>> -> memref<32x512xf32, #tpu.memory_space<hbm>>
    %dma_wait3A_412 = arith.constant 160 : i32
    %dma_wait3A_413 = arith.constant 0 : i32
    %dma_wait3A_414 = tpu.memref_slice %arg7[%dma_wait3A_412, %dma_wait3A_413] : memref<192x512xf32, #tpu.memory_space<vmem>> -> memref<32x512xf32, #tpu.memory_space<vmem>>
    %dma_wait3A_415 = arith.constant 0 : i32
    %dma_wait3A_416 = tpu.memref_slice %arg2[%add3A_148, %dma_wait3A_415] : memref<16384x512xf32, #tpu.memory_space<hbm>> -> memref<32x512xf32, #tpu.memory_space<hbm>>
    tpu.wait_dma2 semaphore(%arg13 : memref<!tpu.dma_semaphore, #tpu.memory_space<semaphore_mem>>) src(%dma_wait3A_416 : memref<32x512xf32, #tpu.memory_space<hbm>>) dst(%dma_wait3A_414 : memref<32x512xf32, #tpu.memory_space<vmem>>)
    %dma_start3A_417 = arith.constant 10 : i32
    %dma_start3A_418 = arith.constant 160 : i32
    %dma_start3A_419 = arith.constant 0 : i32
    %dma_start3A_420 = tpu.memref_slice %arg7[%dma_start3A_418, %dma_start3A_419] : memref<192x512xf32, #tpu.memory_space<vmem>> -> memref<16x512xf32, #tpu.memory_space<vmem>>
    %dma_start3A_421 = arith.constant 0 : i32
    %dma_start3A_422 = tpu.memref_slice %arg6[%dma_start3A_417, %dma_start3A_421] : memref<32x16xi32, #tpu.memory_space<vmem>> -> memref<1x16xi32, #tpu.memory_space<vmem>>
    %dma_start3A_423 = tpu.memref_squeeze %dma_start3A_422 : memref<1x16xi32, #tpu.memory_space<vmem>> -> memref<16xi32, #tpu.memory_space<vmem>>
    %dma_start3A_424 = arith.constant 0 : i32
    %dma_start3A_425 = arith.constant 0 : i32
    %dma_start3A_426 = tpu.memref_slice %arg4[%dma_start3A_424, %dma_start3A_425] : memref<16384x512xf32, #tpu.memory_space<hbm>> -> memref<16384x512xf32, #tpu.memory_space<hbm>>
    tpu.enqueue_indirect_dma source(%dma_start3A_420 : memref<16x512xf32, #tpu.memory_space<vmem>>) target(%dma_start3A_426 : memref<16384x512xf32, #tpu.memory_space<hbm>>) offsets(%dma_start3A_423 : memref<16xi32, #tpu.memory_space<vmem>>) semaphore(%arg19 : memref<!tpu.dma_semaphore, #tpu.memory_space<semaphore_mem>>)
    %dma_start3A_427 = arith.constant 11 : i32
    %dma_start3A_428 = arith.constant 176 : i32
    %dma_start3A_429 = arith.constant 0 : i32
    %dma_start3A_430 = tpu.memref_slice %arg7[%dma_start3A_428, %dma_start3A_429] : memref<192x512xf32, #tpu.memory_space<vmem>> -> memref<16x512xf32, #tpu.memory_space<vmem>>
    %dma_start3A_431 = arith.constant 0 : i32
    %dma_start3A_432 = tpu.memref_slice %arg6[%dma_start3A_427, %dma_start3A_431] : memref<32x16xi32, #tpu.memory_space<vmem>> -> memref<1x16xi32, #tpu.memory_space<vmem>>
    %dma_start3A_433 = tpu.memref_squeeze %dma_start3A_432 : memref<1x16xi32, #tpu.memory_space<vmem>> -> memref<16xi32, #tpu.memory_space<vmem>>
    %dma_start3A_434 = arith.constant 0 : i32
    %dma_start3A_435 = arith.constant 0 : i32
    %dma_start3A_436 = tpu.memref_slice %arg4[%dma_start3A_434, %dma_start3A_435] : memref<16384x512xf32, #tpu.memory_space<hbm>> -> memref<16384x512xf32, #tpu.memory_space<hbm>>
    tpu.enqueue_indirect_dma source(%dma_start3A_430 : memref<16x512xf32, #tpu.memory_space<vmem>>) target(%dma_start3A_436 : memref<16384x512xf32, #tpu.memory_space<hbm>>) offsets(%dma_start3A_433 : memref<16xi32, #tpu.memory_space<vmem>>) semaphore(%arg19 : memref<!tpu.dma_semaphore, #tpu.memory_space<semaphore_mem>>)
    %dma_wait3A_437 = arith.constant 8 : i32
    %dma_wait3A_438 = arith.constant 128 : i32
    %dma_wait3A_439 = arith.constant 0 : i32
    %dma_wait3A_440 = tpu.memref_slice %arg7[%dma_wait3A_438, %dma_wait3A_439] : memref<192x512xf32, #tpu.memory_space<vmem>> -> memref<16x512xf32, #tpu.memory_space<vmem>>
    %dma_wait3A_441 = arith.constant 0 : i32
    %dma_wait3A_442 = tpu.memref_slice %arg6[%dma_wait3A_437, %dma_wait3A_441] : memref<32x16xi32, #tpu.memory_space<vmem>> -> memref<1x16xi32, #tpu.memory_space<vmem>>
    %dma_wait3A_443 = tpu.memref_squeeze %dma_wait3A_442 : memref<1x16xi32, #tpu.memory_space<vmem>> -> memref<16xi32, #tpu.memory_space<vmem>>
    %dma_wait3A_444 = arith.constant 0 : i32
    %dma_wait3A_445 = arith.constant 0 : i32
    %dma_wait3A_446 = tpu.memref_slice %arg4[%dma_wait3A_444, %dma_wait3A_445] : memref<16384x512xf32, #tpu.memory_space<hbm>> -> memref<16384x512xf32, #tpu.memory_space<hbm>>
    tpu.wait_indirect_dma semaphore(%arg18 : memref<!tpu.dma_semaphore, #tpu.memory_space<semaphore_mem>>) src(%dma_wait3A_440 : memref<16x512xf32, #tpu.memory_space<vmem>>) dst(%dma_wait3A_446 : memref<16384x512xf32, #tpu.memory_space<hbm>>)
    %dma_wait3A_447 = arith.constant 9 : i32
    %dma_wait3A_448 = arith.constant 144 : i32
    %dma_wait3A_449 = arith.constant 0 : i32
    %dma_wait3A_450 = tpu.memref_slice %arg7[%dma_wait3A_448, %dma_wait3A_449] : memref<192x512xf32, #tpu.memory_space<vmem>> -> memref<16x512xf32, #tpu.memory_space<vmem>>
    %dma_wait3A_451 = arith.constant 0 : i32
    %dma_wait3A_452 = tpu.memref_slice %arg6[%dma_wait3A_447, %dma_wait3A_451] : memref<32x16xi32, #tpu.memory_space<vmem>> -> memref<1x16xi32, #tpu.memory_space<vmem>>
    %dma_wait3A_453 = tpu.memref_squeeze %dma_wait3A_452 : memref<1x16xi32, #tpu.memory_space<vmem>> -> memref<16xi32, #tpu.memory_space<vmem>>
    %dma_wait3A_454 = arith.constant 0 : i32
    %dma_wait3A_455 = arith.constant 0 : i32
    %dma_wait3A_456 = tpu.memref_slice %arg4[%dma_wait3A_454, %dma_wait3A_455] : memref<16384x512xf32, #tpu.memory_space<hbm>> -> memref<16384x512xf32, #tpu.memory_space<hbm>>
    tpu.wait_indirect_dma semaphore(%arg18 : memref<!tpu.dma_semaphore, #tpu.memory_space<semaphore_mem>>) src(%dma_wait3A_450 : memref<16x512xf32, #tpu.memory_space<vmem>>) dst(%dma_wait3A_456 : memref<16384x512xf32, #tpu.memory_space<hbm>>)
    %add3A_457 = arith.constant 320 : i32
    %add3A_458 = arith.addi %add3A_35, %add3A_457 : i32
    %dma_start3A_459 = arith.constant 128 : i32
    %dma_start3A_460 = arith.constant 0 : i32
    %dma_start3A_461 = tpu.memref_slice %arg7[%dma_start3A_459, %dma_start3A_460] : memref<192x512xf32, #tpu.memory_space<vmem>> -> memref<32x512xf32, #tpu.memory_space<vmem>>
    %dma_start3A_462 = arith.constant 0 : i32
    %dma_start3A_463 = tpu.memref_slice %arg2[%add3A_458, %dma_start3A_462] : memref<16384x512xf32, #tpu.memory_space<hbm>> -> memref<32x512xf32, #tpu.memory_space<hbm>>
    %dma_start3A_464 = arith.constant 128 : i32
    %dma_start3A_465 = arith.constant 0 : i32
    %dma_start3A_466 = tpu.memref_slice %arg7[%dma_start3A_464, %dma_start3A_465] : memref<192x512xf32, #tpu.memory_space<vmem>> -> memref<32x512xf32, #tpu.memory_space<vmem>>
    %dma_start3A_467 = arith.constant 0 : i32
    %dma_start3A_468 = tpu.memref_slice %arg2[%add3A_458, %dma_start3A_467] : memref<16384x512xf32, #tpu.memory_space<hbm>> -> memref<32x512xf32, #tpu.memory_space<hbm>>
    tpu.enqueue_dma source(%dma_start3A_468 : memref<32x512xf32, #tpu.memory_space<hbm>>) target(%dma_start3A_466 : memref<32x512xf32, #tpu.memory_space<vmem>>) target_semaphore(%arg12 : memref<!tpu.dma_semaphore, #tpu.memory_space<semaphore_mem>>)
    %dma_wait3A_469 = arith.constant 0 : i32
    %dma_wait3A_470 = arith.constant 0 : i32
    %dma_wait3A_471 = tpu.memref_slice %arg7[%dma_wait3A_469, %dma_wait3A_470] : memref<192x512xf32, #tpu.memory_space<vmem>> -> memref<32x512xf32, #tpu.memory_space<vmem>>
    %dma_wait3A_472 = arith.constant 0 : i32
    %dma_wait3A_473 = tpu.memref_slice %arg2[%add3A_210, %dma_wait3A_472] : memref<16384x512xf32, #tpu.memory_space<hbm>> -> memref<32x512xf32, #tpu.memory_space<hbm>>
    %dma_wait3A_474 = arith.constant 0 : i32
    %dma_wait3A_475 = arith.constant 0 : i32
    %dma_wait3A_476 = tpu.memref_slice %arg7[%dma_wait3A_474, %dma_wait3A_475] : memref<192x512xf32, #tpu.memory_space<vmem>> -> memref<32x512xf32, #tpu.memory_space<vmem>>
    %dma_wait3A_477 = arith.constant 0 : i32
    %dma_wait3A_478 = tpu.memref_slice %arg2[%add3A_210, %dma_wait3A_477] : memref<16384x512xf32, #tpu.memory_space<hbm>> -> memref<32x512xf32, #tpu.memory_space<hbm>>
    tpu.wait_dma2 semaphore(%arg8 : memref<!tpu.dma_semaphore, #tpu.memory_space<semaphore_mem>>) src(%dma_wait3A_478 : memref<32x512xf32, #tpu.memory_space<hbm>>) dst(%dma_wait3A_476 : memref<32x512xf32, #tpu.memory_space<vmem>>)
    %dma_start3A_479 = arith.constant 12 : i32
    %dma_start3A_480 = arith.constant 0 : i32
    %dma_start3A_481 = arith.constant 0 : i32
    %dma_start3A_482 = tpu.memref_slice %arg7[%dma_start3A_480, %dma_start3A_481] : memref<192x512xf32, #tpu.memory_space<vmem>> -> memref<16x512xf32, #tpu.memory_space<vmem>>
    %dma_start3A_483 = arith.constant 0 : i32
    %dma_start3A_484 = tpu.memref_slice %arg6[%dma_start3A_479, %dma_start3A_483] : memref<32x16xi32, #tpu.memory_space<vmem>> -> memref<1x16xi32, #tpu.memory_space<vmem>>
    %dma_start3A_485 = tpu.memref_squeeze %dma_start3A_484 : memref<1x16xi32, #tpu.memory_space<vmem>> -> memref<16xi32, #tpu.memory_space<vmem>>
    %dma_start3A_486 = arith.constant 0 : i32
    %dma_start3A_487 = arith.constant 0 : i32
    %dma_start3A_488 = tpu.memref_slice %arg4[%dma_start3A_486, %dma_start3A_487] : memref<16384x512xf32, #tpu.memory_space<hbm>> -> memref<16384x512xf32, #tpu.memory_space<hbm>>
    tpu.enqueue_indirect_dma source(%dma_start3A_482 : memref<16x512xf32, #tpu.memory_space<vmem>>) target(%dma_start3A_488 : memref<16384x512xf32, #tpu.memory_space<hbm>>) offsets(%dma_start3A_485 : memref<16xi32, #tpu.memory_space<vmem>>) semaphore(%arg14 : memref<!tpu.dma_semaphore, #tpu.memory_space<semaphore_mem>>)
    %dma_start3A_489 = arith.constant 13 : i32
    %dma_start3A_490 = arith.constant 16 : i32
    %dma_start3A_491 = arith.constant 0 : i32
    %dma_start3A_492 = tpu.memref_slice %arg7[%dma_start3A_490, %dma_start3A_491] : memref<192x512xf32, #tpu.memory_space<vmem>> -> memref<16x512xf32, #tpu.memory_space<vmem>>
    %dma_start3A_493 = arith.constant 0 : i32
    %dma_start3A_494 = tpu.memref_slice %arg6[%dma_start3A_489, %dma_start3A_493] : memref<32x16xi32, #tpu.memory_space<vmem>> -> memref<1x16xi32, #tpu.memory_space<vmem>>
    %dma_start3A_495 = tpu.memref_squeeze %dma_start3A_494 : memref<1x16xi32, #tpu.memory_space<vmem>> -> memref<16xi32, #tpu.memory_space<vmem>>
    %dma_start3A_496 = arith.constant 0 : i32
    %dma_start3A_497 = arith.constant 0 : i32
    %dma_start3A_498 = tpu.memref_slice %arg4[%dma_start3A_496, %dma_start3A_497] : memref<16384x512xf32, #tpu.memory_space<hbm>> -> memref<16384x512xf32, #tpu.memory_space<hbm>>
    tpu.enqueue_indirect_dma source(%dma_start3A_492 : memref<16x512xf32, #tpu.memory_space<vmem>>) target(%dma_start3A_498 : memref<16384x512xf32, #tpu.memory_space<hbm>>) offsets(%dma_start3A_495 : memref<16xi32, #tpu.memory_space<vmem>>) semaphore(%arg14 : memref<!tpu.dma_semaphore, #tpu.memory_space<semaphore_mem>>)
    %dma_wait3A_499 = arith.constant 10 : i32
    %dma_wait3A_500 = arith.constant 160 : i32
    %dma_wait3A_501 = arith.constant 0 : i32
    %dma_wait3A_502 = tpu.memref_slice %arg7[%dma_wait3A_500, %dma_wait3A_501] : memref<192x512xf32, #tpu.memory_space<vmem>> -> memref<16x512xf32, #tpu.memory_space<vmem>>
    %dma_wait3A_503 = arith.constant 0 : i32
    %dma_wait3A_504 = tpu.memref_slice %arg6[%dma_wait3A_499, %dma_wait3A_503] : memref<32x16xi32, #tpu.memory_space<vmem>> -> memref<1x16xi32, #tpu.memory_space<vmem>>
    %dma_wait3A_505 = tpu.memref_squeeze %dma_wait3A_504 : memref<1x16xi32, #tpu.memory_space<vmem>> -> memref<16xi32, #tpu.memory_space<vmem>>
    %dma_wait3A_506 = arith.constant 0 : i32
    %dma_wait3A_507 = arith.constant 0 : i32
    %dma_wait3A_508 = tpu.memref_slice %arg4[%dma_wait3A_506, %dma_wait3A_507] : memref<16384x512xf32, #tpu.memory_space<hbm>> -> memref<16384x512xf32, #tpu.memory_space<hbm>>
    tpu.wait_indirect_dma semaphore(%arg19 : memref<!tpu.dma_semaphore, #tpu.memory_space<semaphore_mem>>) src(%dma_wait3A_502 : memref<16x512xf32, #tpu.memory_space<vmem>>) dst(%dma_wait3A_508 : memref<16384x512xf32, #tpu.memory_space<hbm>>)
    %dma_wait3A_509 = arith.constant 11 : i32
    %dma_wait3A_510 = arith.constant 176 : i32
    %dma_wait3A_511 = arith.constant 0 : i32
    %dma_wait3A_512 = tpu.memref_slice %arg7[%dma_wait3A_510, %dma_wait3A_511] : memref<192x512xf32, #tpu.memory_space<vmem>> -> memref<16x512xf32, #tpu.memory_space<vmem>>
    %dma_wait3A_513 = arith.constant 0 : i32
    %dma_wait3A_514 = tpu.memref_slice %arg6[%dma_wait3A_509, %dma_wait3A_513] : memref<32x16xi32, #tpu.memory_space<vmem>> -> memref<1x16xi32, #tpu.memory_space<vmem>>
    %dma_wait3A_515 = tpu.memref_squeeze %dma_wait3A_514 : memref<1x16xi32, #tpu.memory_space<vmem>> -> memref<16xi32, #tpu.memory_space<vmem>>
    %dma_wait3A_516 = arith.constant 0 : i32
    %dma_wait3A_517 = arith.constant 0 : i32
    %dma_wait3A_518 = tpu.memref_slice %arg4[%dma_wait3A_516, %dma_wait3A_517] : memref<16384x512xf32, #tpu.memory_space<hbm>> -> memref<16384x512xf32, #tpu.memory_space<hbm>>
    tpu.wait_indirect_dma semaphore(%arg19 : memref<!tpu.dma_semaphore, #tpu.memory_space<semaphore_mem>>) src(%dma_wait3A_512 : memref<16x512xf32, #tpu.memory_space<vmem>>) dst(%dma_wait3A_518 : memref<16384x512xf32, #tpu.memory_space<hbm>>)
    %add3A_519 = arith.constant 352 : i32
    %add3A_520 = arith.addi %add3A_35, %add3A_519 : i32
    %dma_start3A_521 = arith.constant 160 : i32
    %dma_start3A_522 = arith.constant 0 : i32
    %dma_start3A_523 = tpu.memref_slice %arg7[%dma_start3A_521, %dma_start3A_522] : memref<192x512xf32, #tpu.memory_space<vmem>> -> memref<32x512xf32, #tpu.memory_space<vmem>>
    %dma_start3A_524 = arith.constant 0 : i32
    %dma_start3A_525 = tpu.memref_slice %arg2[%add3A_520, %dma_start3A_524] : memref<16384x512xf32, #tpu.memory_space<hbm>> -> memref<32x512xf32, #tpu.memory_space<hbm>>
    %dma_start3A_526 = arith.constant 160 : i32
    %dma_start3A_527 = arith.constant 0 : i32
    %dma_start3A_528 = tpu.memref_slice %arg7[%dma_start3A_526, %dma_start3A_527] : memref<192x512xf32, #tpu.memory_space<vmem>> -> memref<32x512xf32, #tpu.memory_space<vmem>>
    %dma_start3A_529 = arith.constant 0 : i32
    %dma_start3A_530 = tpu.memref_slice %arg2[%add3A_520, %dma_start3A_529] : memref<16384x512xf32, #tpu.memory_space<hbm>> -> memref<32x512xf32, #tpu.memory_space<hbm>>
    tpu.enqueue_dma source(%dma_start3A_530 : memref<32x512xf32, #tpu.memory_space<hbm>>) target(%dma_start3A_528 : memref<32x512xf32, #tpu.memory_space<vmem>>) target_semaphore(%arg13 : memref<!tpu.dma_semaphore, #tpu.memory_space<semaphore_mem>>)
    %dma_wait3A_531 = arith.constant 32 : i32
    %dma_wait3A_532 = arith.constant 0 : i32
    %dma_wait3A_533 = tpu.memref_slice %arg7[%dma_wait3A_531, %dma_wait3A_532] : memref<192x512xf32, #tpu.memory_space<vmem>> -> memref<32x512xf32, #tpu.memory_space<vmem>>
    %dma_wait3A_534 = arith.constant 0 : i32
    %dma_wait3A_535 = tpu.memref_slice %arg2[%add3A_272, %dma_wait3A_534] : memref<16384x512xf32, #tpu.memory_space<hbm>> -> memref<32x512xf32, #tpu.memory_space<hbm>>
    %dma_wait3A_536 = arith.constant 32 : i32
    %dma_wait3A_537 = arith.constant 0 : i32
    %dma_wait3A_538 = tpu.memref_slice %arg7[%dma_wait3A_536, %dma_wait3A_537] : memref<192x512xf32, #tpu.memory_space<vmem>> -> memref<32x512xf32, #tpu.memory_space<vmem>>
    %dma_wait3A_539 = arith.constant 0 : i32
    %dma_wait3A_540 = tpu.memref_slice %arg2[%add3A_272, %dma_wait3A_539] : memref<16384x512xf32, #tpu.memory_space<hbm>> -> memref<32x512xf32, #tpu.memory_space<hbm>>
    tpu.wait_dma2 semaphore(%arg9 : memref<!tpu.dma_semaphore, #tpu.memory_space<semaphore_mem>>) src(%dma_wait3A_540 : memref<32x512xf32, #tpu.memory_space<hbm>>) dst(%dma_wait3A_538 : memref<32x512xf32, #tpu.memory_space<vmem>>)
    %dma_start3A_541 = arith.constant 14 : i32
    %dma_start3A_542 = arith.constant 32 : i32
    %dma_start3A_543 = arith.constant 0 : i32
    %dma_start3A_544 = tpu.memref_slice %arg7[%dma_start3A_542, %dma_start3A_543] : memref<192x512xf32, #tpu.memory_space<vmem>> -> memref<16x512xf32, #tpu.memory_space<vmem>>
    %dma_start3A_545 = arith.constant 0 : i32
    %dma_start3A_546 = tpu.memref_slice %arg6[%dma_start3A_541, %dma_start3A_545] : memref<32x16xi32, #tpu.memory_space<vmem>> -> memref<1x16xi32, #tpu.memory_space<vmem>>
    %dma_start3A_547 = tpu.memref_squeeze %dma_start3A_546 : memref<1x16xi32, #tpu.memory_space<vmem>> -> memref<16xi32, #tpu.memory_space<vmem>>
    %dma_start3A_548 = arith.constant 0 : i32
    %dma_start3A_549 = arith.constant 0 : i32
    %dma_start3A_550 = tpu.memref_slice %arg4[%dma_start3A_548, %dma_start3A_549] : memref<16384x512xf32, #tpu.memory_space<hbm>> -> memref<16384x512xf32, #tpu.memory_space<hbm>>
    tpu.enqueue_indirect_dma source(%dma_start3A_544 : memref<16x512xf32, #tpu.memory_space<vmem>>) target(%dma_start3A_550 : memref<16384x512xf32, #tpu.memory_space<hbm>>) offsets(%dma_start3A_547 : memref<16xi32, #tpu.memory_space<vmem>>) semaphore(%arg15 : memref<!tpu.dma_semaphore, #tpu.memory_space<semaphore_mem>>)
    %dma_start3A_551 = arith.constant 15 : i32
    %dma_start3A_552 = arith.constant 48 : i32
    %dma_start3A_553 = arith.constant 0 : i32
    %dma_start3A_554 = tpu.memref_slice %arg7[%dma_start3A_552, %dma_start3A_553] : memref<192x512xf32, #tpu.memory_space<vmem>> -> memref<16x512xf32, #tpu.memory_space<vmem>>
    %dma_start3A_555 = arith.constant 0 : i32
    %dma_start3A_556 = tpu.memref_slice %arg6[%dma_start3A_551, %dma_start3A_555] : memref<32x16xi32, #tpu.memory_space<vmem>> -> memref<1x16xi32, #tpu.memory_space<vmem>>
    %dma_start3A_557 = tpu.memref_squeeze %dma_start3A_556 : memref<1x16xi32, #tpu.memory_space<vmem>> -> memref<16xi32, #tpu.memory_space<vmem>>
    %dma_start3A_558 = arith.constant 0 : i32
    %dma_start3A_559 = arith.constant 0 : i32
    %dma_start3A_560 = tpu.memref_slice %arg4[%dma_start3A_558, %dma_start3A_559] : memref<16384x512xf32, #tpu.memory_space<hbm>> -> memref<16384x512xf32, #tpu.memory_space<hbm>>
    tpu.enqueue_indirect_dma source(%dma_start3A_554 : memref<16x512xf32, #tpu.memory_space<vmem>>) target(%dma_start3A_560 : memref<16384x512xf32, #tpu.memory_space<hbm>>) offsets(%dma_start3A_557 : memref<16xi32, #tpu.memory_space<vmem>>) semaphore(%arg15 : memref<!tpu.dma_semaphore, #tpu.memory_space<semaphore_mem>>)
    %dma_wait3A_561 = arith.constant 12 : i32
    %dma_wait3A_562 = arith.constant 0 : i32
    %dma_wait3A_563 = arith.constant 0 : i32
    %dma_wait3A_564 = tpu.memref_slice %arg7[%dma_wait3A_562, %dma_wait3A_563] : memref<192x512xf32, #tpu.memory_space<vmem>> -> memref<16x512xf32, #tpu.memory_space<vmem>>
    %dma_wait3A_565 = arith.constant 0 : i32
    %dma_wait3A_566 = tpu.memref_slice %arg6[%dma_wait3A_561, %dma_wait3A_565] : memref<32x16xi32, #tpu.memory_space<vmem>> -> memref<1x16xi32, #tpu.memory_space<vmem>>
    %dma_wait3A_567 = tpu.memref_squeeze %dma_wait3A_566 : memref<1x16xi32, #tpu.memory_space<vmem>> -> memref<16xi32, #tpu.memory_space<vmem>>
    %dma_wait3A_568 = arith.constant 0 : i32
    %dma_wait3A_569 = arith.constant 0 : i32
    %dma_wait3A_570 = tpu.memref_slice %arg4[%dma_wait3A_568, %dma_wait3A_569] : memref<16384x512xf32, #tpu.memory_space<hbm>> -> memref<16384x512xf32, #tpu.memory_space<hbm>>
    tpu.wait_indirect_dma semaphore(%arg14 : memref<!tpu.dma_semaphore, #tpu.memory_space<semaphore_mem>>) src(%dma_wait3A_564 : memref<16x512xf32, #tpu.memory_space<vmem>>) dst(%dma_wait3A_570 : memref<16384x512xf32, #tpu.memory_space<hbm>>)
    %dma_wait3A_571 = arith.constant 13 : i32
    %dma_wait3A_572 = arith.constant 16 : i32
    %dma_wait3A_573 = arith.constant 0 : i32
    %dma_wait3A_574 = tpu.memref_slice %arg7[%dma_wait3A_572, %dma_wait3A_573] : memref<192x512xf32, #tpu.memory_space<vmem>> -> memref<16x512xf32, #tpu.memory_space<vmem>>
    %dma_wait3A_575 = arith.constant 0 : i32
    %dma_wait3A_576 = tpu.memref_slice %arg6[%dma_wait3A_571, %dma_wait3A_575] : memref<32x16xi32, #tpu.memory_space<vmem>> -> memref<1x16xi32, #tpu.memory_space<vmem>>
    %dma_wait3A_577 = tpu.memref_squeeze %dma_wait3A_576 : memref<1x16xi32, #tpu.memory_space<vmem>> -> memref<16xi32, #tpu.memory_space<vmem>>
    %dma_wait3A_578 = arith.constant 0 : i32
    %dma_wait3A_579 = arith.constant 0 : i32
    %dma_wait3A_580 = tpu.memref_slice %arg4[%dma_wait3A_578, %dma_wait3A_579] : memref<16384x512xf32, #tpu.memory_space<hbm>> -> memref<16384x512xf32, #tpu.memory_space<hbm>>
    tpu.wait_indirect_dma semaphore(%arg14 : memref<!tpu.dma_semaphore, #tpu.memory_space<semaphore_mem>>) src(%dma_wait3A_574 : memref<16x512xf32, #tpu.memory_space<vmem>>) dst(%dma_wait3A_580 : memref<16384x512xf32, #tpu.memory_space<hbm>>)
    %add3A_581 = arith.constant 384 : i32
    %add3A_582 = arith.addi %add3A_35, %add3A_581 : i32
    %dma_start3A_583 = arith.constant 0 : i32
    %dma_start3A_584 = arith.constant 0 : i32
    %dma_start3A_585 = tpu.memref_slice %arg7[%dma_start3A_583, %dma_start3A_584] : memref<192x512xf32, #tpu.memory_space<vmem>> -> memref<32x512xf32, #tpu.memory_space<vmem>>
    %dma_start3A_586 = arith.constant 0 : i32
    %dma_start3A_587 = tpu.memref_slice %arg2[%add3A_582, %dma_start3A_586] : memref<16384x512xf32, #tpu.memory_space<hbm>> -> memref<32x512xf32, #tpu.memory_space<hbm>>
    %dma_start3A_588 = arith.constant 0 : i32
    %dma_start3A_589 = arith.constant 0 : i32
    %dma_start3A_590 = tpu.memref_slice %arg7[%dma_start3A_588, %dma_start3A_589] : memref<192x512xf32, #tpu.memory_space<vmem>> -> memref<32x512xf32, #tpu.memory_space<vmem>>
    %dma_start3A_591 = arith.constant 0 : i32
    %dma_start3A_592 = tpu.memref_slice %arg2[%add3A_582, %dma_start3A_591] : memref<16384x512xf32, #tpu.memory_space<hbm>> -> memref<32x512xf32, #tpu.memory_space<hbm>>
    tpu.enqueue_dma source(%dma_start3A_592 : memref<32x512xf32, #tpu.memory_space<hbm>>) target(%dma_start3A_590 : memref<32x512xf32, #tpu.memory_space<vmem>>) target_semaphore(%arg8 : memref<!tpu.dma_semaphore, #tpu.memory_space<semaphore_mem>>)
    %dma_wait3A_593 = arith.constant 64 : i32
    %dma_wait3A_594 = arith.constant 0 : i32
    %dma_wait3A_595 = tpu.memref_slice %arg7[%dma_wait3A_593, %dma_wait3A_594] : memref<192x512xf32, #tpu.memory_space<vmem>> -> memref<32x512xf32, #tpu.memory_space<vmem>>
    %dma_wait3A_596 = arith.constant 0 : i32
    %dma_wait3A_597 = tpu.memref_slice %arg2[%add3A_334, %dma_wait3A_596] : memref<16384x512xf32, #tpu.memory_space<hbm>> -> memref<32x512xf32, #tpu.memory_space<hbm>>
    %dma_wait3A_598 = arith.constant 64 : i32
    %dma_wait3A_599 = arith.constant 0 : i32
    %dma_wait3A_600 = tpu.memref_slice %arg7[%dma_wait3A_598, %dma_wait3A_599] : memref<192x512xf32, #tpu.memory_space<vmem>> -> memref<32x512xf32, #tpu.memory_space<vmem>>
    %dma_wait3A_601 = arith.constant 0 : i32
    %dma_wait3A_602 = tpu.memref_slice %arg2[%add3A_334, %dma_wait3A_601] : memref<16384x512xf32, #tpu.memory_space<hbm>> -> memref<32x512xf32, #tpu.memory_space<hbm>>
    tpu.wait_dma2 semaphore(%arg10 : memref<!tpu.dma_semaphore, #tpu.memory_space<semaphore_mem>>) src(%dma_wait3A_602 : memref<32x512xf32, #tpu.memory_space<hbm>>) dst(%dma_wait3A_600 : memref<32x512xf32, #tpu.memory_space<vmem>>)
    %dma_start3A_603 = arith.constant 16 : i32
    %dma_start3A_604 = arith.constant 64 : i32
    %dma_start3A_605 = arith.constant 0 : i32
    %dma_start3A_606 = tpu.memref_slice %arg7[%dma_start3A_604, %dma_start3A_605] : memref<192x512xf32, #tpu.memory_space<vmem>> -> memref<16x512xf32, #tpu.memory_space<vmem>>
    %dma_start3A_607 = arith.constant 0 : i32
    %dma_start3A_608 = tpu.memref_slice %arg6[%dma_start3A_603, %dma_start3A_607] : memref<32x16xi32, #tpu.memory_space<vmem>> -> memref<1x16xi32, #tpu.memory_space<vmem>>
    %dma_start3A_609 = tpu.memref_squeeze %dma_start3A_608 : memref<1x16xi32, #tpu.memory_space<vmem>> -> memref<16xi32, #tpu.memory_space<vmem>>
    %dma_start3A_610 = arith.constant 0 : i32
    %dma_start3A_611 = arith.constant 0 : i32
    %dma_start3A_612 = tpu.memref_slice %arg4[%dma_start3A_610, %dma_start3A_611] : memref<16384x512xf32, #tpu.memory_space<hbm>> -> memref<16384x512xf32, #tpu.memory_space<hbm>>
    tpu.enqueue_indirect_dma source(%dma_start3A_606 : memref<16x512xf32, #tpu.memory_space<vmem>>) target(%dma_start3A_612 : memref<16384x512xf32, #tpu.memory_space<hbm>>) offsets(%dma_start3A_609 : memref<16xi32, #tpu.memory_space<vmem>>) semaphore(%arg16 : memref<!tpu.dma_semaphore, #tpu.memory_space<semaphore_mem>>)
    %dma_start3A_613 = arith.constant 17 : i32
    %dma_start3A_614 = arith.constant 80 : i32
    %dma_start3A_615 = arith.constant 0 : i32
    %dma_start3A_616 = tpu.memref_slice %arg7[%dma_start3A_614, %dma_start3A_615] : memref<192x512xf32, #tpu.memory_space<vmem>> -> memref<16x512xf32, #tpu.memory_space<vmem>>
    %dma_start3A_617 = arith.constant 0 : i32
    %dma_start3A_618 = tpu.memref_slice %arg6[%dma_start3A_613, %dma_start3A_617] : memref<32x16xi32, #tpu.memory_space<vmem>> -> memref<1x16xi32, #tpu.memory_space<vmem>>
    %dma_start3A_619 = tpu.memref_squeeze %dma_start3A_618 : memref<1x16xi32, #tpu.memory_space<vmem>> -> memref<16xi32, #tpu.memory_space<vmem>>
    %dma_start3A_620 = arith.constant 0 : i32
    %dma_start3A_621 = arith.constant 0 : i32
    %dma_start3A_622 = tpu.memref_slice %arg4[%dma_start3A_620, %dma_start3A_621] : memref<16384x512xf32, #tpu.memory_space<hbm>> -> memref<16384x512xf32, #tpu.memory_space<hbm>>
    tpu.enqueue_indirect_dma source(%dma_start3A_616 : memref<16x512xf32, #tpu.memory_space<vmem>>) target(%dma_start3A_622 : memref<16384x512xf32, #tpu.memory_space<hbm>>) offsets(%dma_start3A_619 : memref<16xi32, #tpu.memory_space<vmem>>) semaphore(%arg16 : memref<!tpu.dma_semaphore, #tpu.memory_space<semaphore_mem>>)
    %dma_wait3A_623 = arith.constant 14 : i32
    %dma_wait3A_624 = arith.constant 32 : i32
    %dma_wait3A_625 = arith.constant 0 : i32
    %dma_wait3A_626 = tpu.memref_slice %arg7[%dma_wait3A_624, %dma_wait3A_625] : memref<192x512xf32, #tpu.memory_space<vmem>> -> memref<16x512xf32, #tpu.memory_space<vmem>>
    %dma_wait3A_627 = arith.constant 0 : i32
    %dma_wait3A_628 = tpu.memref_slice %arg6[%dma_wait3A_623, %dma_wait3A_627] : memref<32x16xi32, #tpu.memory_space<vmem>> -> memref<1x16xi32, #tpu.memory_space<vmem>>
    %dma_wait3A_629 = tpu.memref_squeeze %dma_wait3A_628 : memref<1x16xi32, #tpu.memory_space<vmem>> -> memref<16xi32, #tpu.memory_space<vmem>>
    %dma_wait3A_630 = arith.constant 0 : i32
    %dma_wait3A_631 = arith.constant 0 : i32
    %dma_wait3A_632 = tpu.memref_slice %arg4[%dma_wait3A_630, %dma_wait3A_631] : memref<16384x512xf32, #tpu.memory_space<hbm>> -> memref<16384x512xf32, #tpu.memory_space<hbm>>
    tpu.wait_indirect_dma semaphore(%arg15 : memref<!tpu.dma_semaphore, #tpu.memory_space<semaphore_mem>>) src(%dma_wait3A_626 : memref<16x512xf32, #tpu.memory_space<vmem>>) dst(%dma_wait3A_632 : memref<16384x512xf32, #tpu.memory_space<hbm>>)
    %dma_wait3A_633 = arith.constant 15 : i32
    %dma_wait3A_634 = arith.constant 48 : i32
    %dma_wait3A_635 = arith.constant 0 : i32
    %dma_wait3A_636 = tpu.memref_slice %arg7[%dma_wait3A_634, %dma_wait3A_635] : memref<192x512xf32, #tpu.memory_space<vmem>> -> memref<16x512xf32, #tpu.memory_space<vmem>>
    %dma_wait3A_637 = arith.constant 0 : i32
    %dma_wait3A_638 = tpu.memref_slice %arg6[%dma_wait3A_633, %dma_wait3A_637] : memref<32x16xi32, #tpu.memory_space<vmem>> -> memref<1x16xi32, #tpu.memory_space<vmem>>
    %dma_wait3A_639 = tpu.memref_squeeze %dma_wait3A_638 : memref<1x16xi32, #tpu.memory_space<vmem>> -> memref<16xi32, #tpu.memory_space<vmem>>
    %dma_wait3A_640 = arith.constant 0 : i32
    %dma_wait3A_641 = arith.constant 0 : i32
    %dma_wait3A_642 = tpu.memref_slice %arg4[%dma_wait3A_640, %dma_wait3A_641] : memref<16384x512xf32, #tpu.memory_space<hbm>> -> memref<16384x512xf32, #tpu.memory_space<hbm>>
    tpu.wait_indirect_dma semaphore(%arg15 : memref<!tpu.dma_semaphore, #tpu.memory_space<semaphore_mem>>) src(%dma_wait3A_636 : memref<16x512xf32, #tpu.memory_space<vmem>>) dst(%dma_wait3A_642 : memref<16384x512xf32, #tpu.memory_space<hbm>>)
    %add3A_643 = arith.constant 416 : i32
    %add3A_644 = arith.addi %add3A_35, %add3A_643 : i32
    %dma_start3A_645 = arith.constant 32 : i32
    %dma_start3A_646 = arith.constant 0 : i32
    %dma_start3A_647 = tpu.memref_slice %arg7[%dma_start3A_645, %dma_start3A_646] : memref<192x512xf32, #tpu.memory_space<vmem>> -> memref<32x512xf32, #tpu.memory_space<vmem>>
    %dma_start3A_648 = arith.constant 0 : i32
    %dma_start3A_649 = tpu.memref_slice %arg2[%add3A_644, %dma_start3A_648] : memref<16384x512xf32, #tpu.memory_space<hbm>> -> memref<32x512xf32, #tpu.memory_space<hbm>>
    %dma_start3A_650 = arith.constant 32 : i32
    %dma_start3A_651 = arith.constant 0 : i32
    %dma_start3A_652 = tpu.memref_slice %arg7[%dma_start3A_650, %dma_start3A_651] : memref<192x512xf32, #tpu.memory_space<vmem>> -> memref<32x512xf32, #tpu.memory_space<vmem>>
    %dma_start3A_653 = arith.constant 0 : i32
    %dma_start3A_654 = tpu.memref_slice %arg2[%add3A_644, %dma_start3A_653] : memref<16384x512xf32, #tpu.memory_space<hbm>> -> memref<32x512xf32, #tpu.memory_space<hbm>>
    tpu.enqueue_dma source(%dma_start3A_654 : memref<32x512xf32, #tpu.memory_space<hbm>>) target(%dma_start3A_652 : memref<32x512xf32, #tpu.memory_space<vmem>>) target_semaphore(%arg9 : memref<!tpu.dma_semaphore, #tpu.memory_space<semaphore_mem>>)
    %dma_wait3A_655 = arith.constant 96 : i32
    %dma_wait3A_656 = arith.constant 0 : i32
    %dma_wait3A_657 = tpu.memref_slice %arg7[%dma_wait3A_655, %dma_wait3A_656] : memref<192x512xf32, #tpu.memory_space<vmem>> -> memref<32x512xf32, #tpu.memory_space<vmem>>
    %dma_wait3A_658 = arith.constant 0 : i32
    %dma_wait3A_659 = tpu.memref_slice %arg2[%add3A_396, %dma_wait3A_658] : memref<16384x512xf32, #tpu.memory_space<hbm>> -> memref<32x512xf32, #tpu.memory_space<hbm>>
    %dma_wait3A_660 = arith.constant 96 : i32
    %dma_wait3A_661 = arith.constant 0 : i32
    %dma_wait3A_662 = tpu.memref_slice %arg7[%dma_wait3A_660, %dma_wait3A_661] : memref<192x512xf32, #tpu.memory_space<vmem>> -> memref<32x512xf32, #tpu.memory_space<vmem>>
    %dma_wait3A_663 = arith.constant 0 : i32
    %dma_wait3A_664 = tpu.memref_slice %arg2[%add3A_396, %dma_wait3A_663] : memref<16384x512xf32, #tpu.memory_space<hbm>> -> memref<32x512xf32, #tpu.memory_space<hbm>>
    tpu.wait_dma2 semaphore(%arg11 : memref<!tpu.dma_semaphore, #tpu.memory_space<semaphore_mem>>) src(%dma_wait3A_664 : memref<32x512xf32, #tpu.memory_space<hbm>>) dst(%dma_wait3A_662 : memref<32x512xf32, #tpu.memory_space<vmem>>)
    %dma_start3A_665 = arith.constant 18 : i32
    %dma_start3A_666 = arith.constant 96 : i32
    %dma_start3A_667 = arith.constant 0 : i32
    %dma_start3A_668 = tpu.memref_slice %arg7[%dma_start3A_666, %dma_start3A_667] : memref<192x512xf32, #tpu.memory_space<vmem>> -> memref<16x512xf32, #tpu.memory_space<vmem>>
    %dma_start3A_669 = arith.constant 0 : i32
    %dma_start3A_670 = tpu.memref_slice %arg6[%dma_start3A_665, %dma_start3A_669] : memref<32x16xi32, #tpu.memory_space<vmem>> -> memref<1x16xi32, #tpu.memory_space<vmem>>
    %dma_start3A_671 = tpu.memref_squeeze %dma_start3A_670 : memref<1x16xi32, #tpu.memory_space<vmem>> -> memref<16xi32, #tpu.memory_space<vmem>>
    %dma_start3A_672 = arith.constant 0 : i32
    %dma_start3A_673 = arith.constant 0 : i32
    %dma_start3A_674 = tpu.memref_slice %arg4[%dma_start3A_672, %dma_start3A_673] : memref<16384x512xf32, #tpu.memory_space<hbm>> -> memref<16384x512xf32, #tpu.memory_space<hbm>>
    tpu.enqueue_indirect_dma source(%dma_start3A_668 : memref<16x512xf32, #tpu.memory_space<vmem>>) target(%dma_start3A_674 : memref<16384x512xf32, #tpu.memory_space<hbm>>) offsets(%dma_start3A_671 : memref<16xi32, #tpu.memory_space<vmem>>) semaphore(%arg17 : memref<!tpu.dma_semaphore, #tpu.memory_space<semaphore_mem>>)
    %dma_start3A_675 = arith.constant 19 : i32
    %dma_start3A_676 = arith.constant 112 : i32
    %dma_start3A_677 = arith.constant 0 : i32
    %dma_start3A_678 = tpu.memref_slice %arg7[%dma_start3A_676, %dma_start3A_677] : memref<192x512xf32, #tpu.memory_space<vmem>> -> memref<16x512xf32, #tpu.memory_space<vmem>>
    %dma_start3A_679 = arith.constant 0 : i32
    %dma_start3A_680 = tpu.memref_slice %arg6[%dma_start3A_675, %dma_start3A_679] : memref<32x16xi32, #tpu.memory_space<vmem>> -> memref<1x16xi32, #tpu.memory_space<vmem>>
    %dma_start3A_681 = tpu.memref_squeeze %dma_start3A_680 : memref<1x16xi32, #tpu.memory_space<vmem>> -> memref<16xi32, #tpu.memory_space<vmem>>
    %dma_start3A_682 = arith.constant 0 : i32
    %dma_start3A_683 = arith.constant 0 : i32
    %dma_start3A_684 = tpu.memref_slice %arg4[%dma_start3A_682, %dma_start3A_683] : memref<16384x512xf32, #tpu.memory_space<hbm>> -> memref<16384x512xf32, #tpu.memory_space<hbm>>
    tpu.enqueue_indirect_dma source(%dma_start3A_678 : memref<16x512xf32, #tpu.memory_space<vmem>>) target(%dma_start3A_684 : memref<16384x512xf32, #tpu.memory_space<hbm>>) offsets(%dma_start3A_681 : memref<16xi32, #tpu.memory_space<vmem>>) semaphore(%arg17 : memref<!tpu.dma_semaphore, #tpu.memory_space<semaphore_mem>>)
    %dma_wait3A_685 = arith.constant 16 : i32
    %dma_wait3A_686 = arith.constant 64 : i32
    %dma_wait3A_687 = arith.constant 0 : i32
    %dma_wait3A_688 = tpu.memref_slice %arg7[%dma_wait3A_686, %dma_wait3A_687] : memref<192x512xf32, #tpu.memory_space<vmem>> -> memref<16x512xf32, #tpu.memory_space<vmem>>
    %dma_wait3A_689 = arith.constant 0 : i32
    %dma_wait3A_690 = tpu.memref_slice %arg6[%dma_wait3A_685, %dma_wait3A_689] : memref<32x16xi32, #tpu.memory_space<vmem>> -> memref<1x16xi32, #tpu.memory_space<vmem>>
    %dma_wait3A_691 = tpu.memref_squeeze %dma_wait3A_690 : memref<1x16xi32, #tpu.memory_space<vmem>> -> memref<16xi32, #tpu.memory_space<vmem>>
    %dma_wait3A_692 = arith.constant 0 : i32
    %dma_wait3A_693 = arith.constant 0 : i32
    %dma_wait3A_694 = tpu.memref_slice %arg4[%dma_wait3A_692, %dma_wait3A_693] : memref<16384x512xf32, #tpu.memory_space<hbm>> -> memref<16384x512xf32, #tpu.memory_space<hbm>>
    tpu.wait_indirect_dma semaphore(%arg16 : memref<!tpu.dma_semaphore, #tpu.memory_space<semaphore_mem>>) src(%dma_wait3A_688 : memref<16x512xf32, #tpu.memory_space<vmem>>) dst(%dma_wait3A_694 : memref<16384x512xf32, #tpu.memory_space<hbm>>)
    %dma_wait3A_695 = arith.constant 17 : i32
    %dma_wait3A_696 = arith.constant 80 : i32
    %dma_wait3A_697 = arith.constant 0 : i32
    %dma_wait3A_698 = tpu.memref_slice %arg7[%dma_wait3A_696, %dma_wait3A_697] : memref<192x512xf32, #tpu.memory_space<vmem>> -> memref<16x512xf32, #tpu.memory_space<vmem>>
    %dma_wait3A_699 = arith.constant 0 : i32
    %dma_wait3A_700 = tpu.memref_slice %arg6[%dma_wait3A_695, %dma_wait3A_699] : memref<32x16xi32, #tpu.memory_space<vmem>> -> memref<1x16xi32, #tpu.memory_space<vmem>>
    %dma_wait3A_701 = tpu.memref_squeeze %dma_wait3A_700 : memref<1x16xi32, #tpu.memory_space<vmem>> -> memref<16xi32, #tpu.memory_space<vmem>>
    %dma_wait3A_702 = arith.constant 0 : i32
    %dma_wait3A_703 = arith.constant 0 : i32
    %dma_wait3A_704 = tpu.memref_slice %arg4[%dma_wait3A_702, %dma_wait3A_703] : memref<16384x512xf32, #tpu.memory_space<hbm>> -> memref<16384x512xf32, #tpu.memory_space<hbm>>
    tpu.wait_indirect_dma semaphore(%arg16 : memref<!tpu.dma_semaphore, #tpu.memory_space<semaphore_mem>>) src(%dma_wait3A_698 : memref<16x512xf32, #tpu.memory_space<vmem>>) dst(%dma_wait3A_704 : memref<16384x512xf32, #tpu.memory_space<hbm>>)
    %add3A_705 = arith.constant 448 : i32
    %add3A_706 = arith.addi %add3A_35, %add3A_705 : i32
    %dma_start3A_707 = arith.constant 64 : i32
    %dma_start3A_708 = arith.constant 0 : i32
    %dma_start3A_709 = tpu.memref_slice %arg7[%dma_start3A_707, %dma_start3A_708] : memref<192x512xf32, #tpu.memory_space<vmem>> -> memref<32x512xf32, #tpu.memory_space<vmem>>
    %dma_start3A_710 = arith.constant 0 : i32
    %dma_start3A_711 = tpu.memref_slice %arg2[%add3A_706, %dma_start3A_710] : memref<16384x512xf32, #tpu.memory_space<hbm>> -> memref<32x512xf32, #tpu.memory_space<hbm>>
    %dma_start3A_712 = arith.constant 64 : i32
    %dma_start3A_713 = arith.constant 0 : i32
    %dma_start3A_714 = tpu.memref_slice %arg7[%dma_start3A_712, %dma_start3A_713] : memref<192x512xf32, #tpu.memory_space<vmem>> -> memref<32x512xf32, #tpu.memory_space<vmem>>
    %dma_start3A_715 = arith.constant 0 : i32
    %dma_start3A_716 = tpu.memref_slice %arg2[%add3A_706, %dma_start3A_715] : memref<16384x512xf32, #tpu.memory_space<hbm>> -> memref<32x512xf32, #tpu.memory_space<hbm>>
    tpu.enqueue_dma source(%dma_start3A_716 : memref<32x512xf32, #tpu.memory_space<hbm>>) target(%dma_start3A_714 : memref<32x512xf32, #tpu.memory_space<vmem>>) target_semaphore(%arg10 : memref<!tpu.dma_semaphore, #tpu.memory_space<semaphore_mem>>)
    %dma_wait3A_717 = arith.constant 128 : i32
    %dma_wait3A_718 = arith.constant 0 : i32
    %dma_wait3A_719 = tpu.memref_slice %arg7[%dma_wait3A_717, %dma_wait3A_718] : memref<192x512xf32, #tpu.memory_space<vmem>> -> memref<32x512xf32, #tpu.memory_space<vmem>>
    %dma_wait3A_720 = arith.constant 0 : i32
    %dma_wait3A_721 = tpu.memref_slice %arg2[%add3A_458, %dma_wait3A_720] : memref<16384x512xf32, #tpu.memory_space<hbm>> -> memref<32x512xf32, #tpu.memory_space<hbm>>
    %dma_wait3A_722 = arith.constant 128 : i32
    %dma_wait3A_723 = arith.constant 0 : i32
    %dma_wait3A_724 = tpu.memref_slice %arg7[%dma_wait3A_722, %dma_wait3A_723] : memref<192x512xf32, #tpu.memory_space<vmem>> -> memref<32x512xf32, #tpu.memory_space<vmem>>
    %dma_wait3A_725 = arith.constant 0 : i32
    %dma_wait3A_726 = tpu.memref_slice %arg2[%add3A_458, %dma_wait3A_725] : memref<16384x512xf32, #tpu.memory_space<hbm>> -> memref<32x512xf32, #tpu.memory_space<hbm>>
    tpu.wait_dma2 semaphore(%arg12 : memref<!tpu.dma_semaphore, #tpu.memory_space<semaphore_mem>>) src(%dma_wait3A_726 : memref<32x512xf32, #tpu.memory_space<hbm>>) dst(%dma_wait3A_724 : memref<32x512xf32, #tpu.memory_space<vmem>>)
    %dma_start3A_727 = arith.constant 20 : i32
    %dma_start3A_728 = arith.constant 128 : i32
    %dma_start3A_729 = arith.constant 0 : i32
    %dma_start3A_730 = tpu.memref_slice %arg7[%dma_start3A_728, %dma_start3A_729] : memref<192x512xf32, #tpu.memory_space<vmem>> -> memref<16x512xf32, #tpu.memory_space<vmem>>
    %dma_start3A_731 = arith.constant 0 : i32
    %dma_start3A_732 = tpu.memref_slice %arg6[%dma_start3A_727, %dma_start3A_731] : memref<32x16xi32, #tpu.memory_space<vmem>> -> memref<1x16xi32, #tpu.memory_space<vmem>>
    %dma_start3A_733 = tpu.memref_squeeze %dma_start3A_732 : memref<1x16xi32, #tpu.memory_space<vmem>> -> memref<16xi32, #tpu.memory_space<vmem>>
    %dma_start3A_734 = arith.constant 0 : i32
    %dma_start3A_735 = arith.constant 0 : i32
    %dma_start3A_736 = tpu.memref_slice %arg4[%dma_start3A_734, %dma_start3A_735] : memref<16384x512xf32, #tpu.memory_space<hbm>> -> memref<16384x512xf32, #tpu.memory_space<hbm>>
    tpu.enqueue_indirect_dma source(%dma_start3A_730 : memref<16x512xf32, #tpu.memory_space<vmem>>) target(%dma_start3A_736 : memref<16384x512xf32, #tpu.memory_space<hbm>>) offsets(%dma_start3A_733 : memref<16xi32, #tpu.memory_space<vmem>>) semaphore(%arg18 : memref<!tpu.dma_semaphore, #tpu.memory_space<semaphore_mem>>)
    %dma_start3A_737 = arith.constant 21 : i32
    %dma_start3A_738 = arith.constant 144 : i32
    %dma_start3A_739 = arith.constant 0 : i32
    %dma_start3A_740 = tpu.memref_slice %arg7[%dma_start3A_738, %dma_start3A_739] : memref<192x512xf32, #tpu.memory_space<vmem>> -> memref<16x512xf32, #tpu.memory_space<vmem>>
    %dma_start3A_741 = arith.constant 0 : i32
    %dma_start3A_742 = tpu.memref_slice %arg6[%dma_start3A_737, %dma_start3A_741] : memref<32x16xi32, #tpu.memory_space<vmem>> -> memref<1x16xi32, #tpu.memory_space<vmem>>
    %dma_start3A_743 = tpu.memref_squeeze %dma_start3A_742 : memref<1x16xi32, #tpu.memory_space<vmem>> -> memref<16xi32, #tpu.memory_space<vmem>>
    %dma_start3A_744 = arith.constant 0 : i32
    %dma_start3A_745 = arith.constant 0 : i32
    %dma_start3A_746 = tpu.memref_slice %arg4[%dma_start3A_744, %dma_start3A_745] : memref<16384x512xf32, #tpu.memory_space<hbm>> -> memref<16384x512xf32, #tpu.memory_space<hbm>>
    tpu.enqueue_indirect_dma source(%dma_start3A_740 : memref<16x512xf32, #tpu.memory_space<vmem>>) target(%dma_start3A_746 : memref<16384x512xf32, #tpu.memory_space<hbm>>) offsets(%dma_start3A_743 : memref<16xi32, #tpu.memory_space<vmem>>) semaphore(%arg18 : memref<!tpu.dma_semaphore, #tpu.memory_space<semaphore_mem>>)
    %dma_wait3A_747 = arith.constant 18 : i32
    %dma_wait3A_748 = arith.constant 96 : i32
    %dma_wait3A_749 = arith.constant 0 : i32
    %dma_wait3A_750 = tpu.memref_slice %arg7[%dma_wait3A_748, %dma_wait3A_749] : memref<192x512xf32, #tpu.memory_space<vmem>> -> memref<16x512xf32, #tpu.memory_space<vmem>>
    %dma_wait3A_751 = arith.constant 0 : i32
    %dma_wait3A_752 = tpu.memref_slice %arg6[%dma_wait3A_747, %dma_wait3A_751] : memref<32x16xi32, #tpu.memory_space<vmem>> -> memref<1x16xi32, #tpu.memory_space<vmem>>
    %dma_wait3A_753 = tpu.memref_squeeze %dma_wait3A_752 : memref<1x16xi32, #tpu.memory_space<vmem>> -> memref<16xi32, #tpu.memory_space<vmem>>
    %dma_wait3A_754 = arith.constant 0 : i32
    %dma_wait3A_755 = arith.constant 0 : i32
    %dma_wait3A_756 = tpu.memref_slice %arg4[%dma_wait3A_754, %dma_wait3A_755] : memref<16384x512xf32, #tpu.memory_space<hbm>> -> memref<16384x512xf32, #tpu.memory_space<hbm>>
    tpu.wait_indirect_dma semaphore(%arg17 : memref<!tpu.dma_semaphore, #tpu.memory_space<semaphore_mem>>) src(%dma_wait3A_750 : memref<16x512xf32, #tpu.memory_space<vmem>>) dst(%dma_wait3A_756 : memref<16384x512xf32, #tpu.memory_space<hbm>>)
    %dma_wait3A_757 = arith.constant 19 : i32
    %dma_wait3A_758 = arith.constant 112 : i32
    %dma_wait3A_759 = arith.constant 0 : i32
    %dma_wait3A_760 = tpu.memref_slice %arg7[%dma_wait3A_758, %dma_wait3A_759] : memref<192x512xf32, #tpu.memory_space<vmem>> -> memref<16x512xf32, #tpu.memory_space<vmem>>
    %dma_wait3A_761 = arith.constant 0 : i32
    %dma_wait3A_762 = tpu.memref_slice %arg6[%dma_wait3A_757, %dma_wait3A_761] : memref<32x16xi32, #tpu.memory_space<vmem>> -> memref<1x16xi32, #tpu.memory_space<vmem>>
    %dma_wait3A_763 = tpu.memref_squeeze %dma_wait3A_762 : memref<1x16xi32, #tpu.memory_space<vmem>> -> memref<16xi32, #tpu.memory_space<vmem>>
    %dma_wait3A_764 = arith.constant 0 : i32
    %dma_wait3A_765 = arith.constant 0 : i32
    %dma_wait3A_766 = tpu.memref_slice %arg4[%dma_wait3A_764, %dma_wait3A_765] : memref<16384x512xf32, #tpu.memory_space<hbm>> -> memref<16384x512xf32, #tpu.memory_space<hbm>>
    tpu.wait_indirect_dma semaphore(%arg17 : memref<!tpu.dma_semaphore, #tpu.memory_space<semaphore_mem>>) src(%dma_wait3A_760 : memref<16x512xf32, #tpu.memory_space<vmem>>) dst(%dma_wait3A_766 : memref<16384x512xf32, #tpu.memory_space<hbm>>)
    %add3A_767 = arith.constant 480 : i32
    %add3A_768 = arith.addi %add3A_35, %add3A_767 : i32
    %dma_start3A_769 = arith.constant 96 : i32
    %dma_start3A_770 = arith.constant 0 : i32
    %dma_start3A_771 = tpu.memref_slice %arg7[%dma_start3A_769, %dma_start3A_770] : memref<192x512xf32, #tpu.memory_space<vmem>> -> memref<32x512xf32, #tpu.memory_space<vmem>>
    %dma_start3A_772 = arith.constant 0 : i32
    %dma_start3A_773 = tpu.memref_slice %arg2[%add3A_768, %dma_start3A_772] : memref<16384x512xf32, #tpu.memory_space<hbm>> -> memref<32x512xf32, #tpu.memory_space<hbm>>
    %dma_start3A_774 = arith.constant 96 : i32
    %dma_start3A_775 = arith.constant 0 : i32
    %dma_start3A_776 = tpu.memref_slice %arg7[%dma_start3A_774, %dma_start3A_775] : memref<192x512xf32, #tpu.memory_space<vmem>> -> memref<32x512xf32, #tpu.memory_space<vmem>>
    %dma_start3A_777 = arith.constant 0 : i32
    %dma_start3A_778 = tpu.memref_slice %arg2[%add3A_768, %dma_start3A_777] : memref<16384x512xf32, #tpu.memory_space<hbm>> -> memref<32x512xf32, #tpu.memory_space<hbm>>
    tpu.enqueue_dma source(%dma_start3A_778 : memref<32x512xf32, #tpu.memory_space<hbm>>) target(%dma_start3A_776 : memref<32x512xf32, #tpu.memory_space<vmem>>) target_semaphore(%arg11 : memref<!tpu.dma_semaphore, #tpu.memory_space<semaphore_mem>>)
    %dma_wait3A_779 = arith.constant 160 : i32
    %dma_wait3A_780 = arith.constant 0 : i32
    %dma_wait3A_781 = tpu.memref_slice %arg7[%dma_wait3A_779, %dma_wait3A_780] : memref<192x512xf32, #tpu.memory_space<vmem>> -> memref<32x512xf32, #tpu.memory_space<vmem>>
    %dma_wait3A_782 = arith.constant 0 : i32
    %dma_wait3A_783 = tpu.memref_slice %arg2[%add3A_520, %dma_wait3A_782] : memref<16384x512xf32, #tpu.memory_space<hbm>> -> memref<32x512xf32, #tpu.memory_space<hbm>>
    %dma_wait3A_784 = arith.constant 160 : i32
    %dma_wait3A_785 = arith.constant 0 : i32
    %dma_wait3A_786 = tpu.memref_slice %arg7[%dma_wait3A_784, %dma_wait3A_785] : memref<192x512xf32, #tpu.memory_space<vmem>> -> memref<32x512xf32, #tpu.memory_space<vmem>>
    %dma_wait3A_787 = arith.constant 0 : i32
    %dma_wait3A_788 = tpu.memref_slice %arg2[%add3A_520, %dma_wait3A_787] : memref<16384x512xf32, #tpu.memory_space<hbm>> -> memref<32x512xf32, #tpu.memory_space<hbm>>
    tpu.wait_dma2 semaphore(%arg13 : memref<!tpu.dma_semaphore, #tpu.memory_space<semaphore_mem>>) src(%dma_wait3A_788 : memref<32x512xf32, #tpu.memory_space<hbm>>) dst(%dma_wait3A_786 : memref<32x512xf32, #tpu.memory_space<vmem>>)
    %dma_start3A_789 = arith.constant 22 : i32
    %dma_start3A_790 = arith.constant 160 : i32
    %dma_start3A_791 = arith.constant 0 : i32
    %dma_start3A_792 = tpu.memref_slice %arg7[%dma_start3A_790, %dma_start3A_791] : memref<192x512xf32, #tpu.memory_space<vmem>> -> memref<16x512xf32, #tpu.memory_space<vmem>>
    %dma_start3A_793 = arith.constant 0 : i32
    %dma_start3A_794 = tpu.memref_slice %arg6[%dma_start3A_789, %dma_start3A_793] : memref<32x16xi32, #tpu.memory_space<vmem>> -> memref<1x16xi32, #tpu.memory_space<vmem>>
    %dma_start3A_795 = tpu.memref_squeeze %dma_start3A_794 : memref<1x16xi32, #tpu.memory_space<vmem>> -> memref<16xi32, #tpu.memory_space<vmem>>
    %dma_start3A_796 = arith.constant 0 : i32
    %dma_start3A_797 = arith.constant 0 : i32
    %dma_start3A_798 = tpu.memref_slice %arg4[%dma_start3A_796, %dma_start3A_797] : memref<16384x512xf32, #tpu.memory_space<hbm>> -> memref<16384x512xf32, #tpu.memory_space<hbm>>
    tpu.enqueue_indirect_dma source(%dma_start3A_792 : memref<16x512xf32, #tpu.memory_space<vmem>>) target(%dma_start3A_798 : memref<16384x512xf32, #tpu.memory_space<hbm>>) offsets(%dma_start3A_795 : memref<16xi32, #tpu.memory_space<vmem>>) semaphore(%arg19 : memref<!tpu.dma_semaphore, #tpu.memory_space<semaphore_mem>>)
    %dma_start3A_799 = arith.constant 23 : i32
    %dma_start3A_800 = arith.constant 176 : i32
    %dma_start3A_801 = arith.constant 0 : i32
    %dma_start3A_802 = tpu.memref_slice %arg7[%dma_start3A_800, %dma_start3A_801] : memref<192x512xf32, #tpu.memory_space<vmem>> -> memref<16x512xf32, #tpu.memory_space<vmem>>
    %dma_start3A_803 = arith.constant 0 : i32
    %dma_start3A_804 = tpu.memref_slice %arg6[%dma_start3A_799, %dma_start3A_803] : memref<32x16xi32, #tpu.memory_space<vmem>> -> memref<1x16xi32, #tpu.memory_space<vmem>>
    %dma_start3A_805 = tpu.memref_squeeze %dma_start3A_804 : memref<1x16xi32, #tpu.memory_space<vmem>> -> memref<16xi32, #tpu.memory_space<vmem>>
    %dma_start3A_806 = arith.constant 0 : i32
    %dma_start3A_807 = arith.constant 0 : i32
    %dma_start3A_808 = tpu.memref_slice %arg4[%dma_start3A_806, %dma_start3A_807] : memref<16384x512xf32, #tpu.memory_space<hbm>> -> memref<16384x512xf32, #tpu.memory_space<hbm>>
    tpu.enqueue_indirect_dma source(%dma_start3A_802 : memref<16x512xf32, #tpu.memory_space<vmem>>) target(%dma_start3A_808 : memref<16384x512xf32, #tpu.memory_space<hbm>>) offsets(%dma_start3A_805 : memref<16xi32, #tpu.memory_space<vmem>>) semaphore(%arg19 : memref<!tpu.dma_semaphore, #tpu.memory_space<semaphore_mem>>)
    %dma_wait3A_809 = arith.constant 0 : i32
    %dma_wait3A_810 = arith.constant 0 : i32
    %dma_wait3A_811 = tpu.memref_slice %arg7[%dma_wait3A_809, %dma_wait3A_810] : memref<192x512xf32, #tpu.memory_space<vmem>> -> memref<32x512xf32, #tpu.memory_space<vmem>>
    %dma_wait3A_812 = arith.constant 0 : i32
    %dma_wait3A_813 = tpu.memref_slice %arg2[%add3A_582, %dma_wait3A_812] : memref<16384x512xf32, #tpu.memory_space<hbm>> -> memref<32x512xf32, #tpu.memory_space<hbm>>
    %dma_wait3A_814 = arith.constant 0 : i32
    %dma_wait3A_815 = arith.constant 0 : i32
    %dma_wait3A_816 = tpu.memref_slice %arg7[%dma_wait3A_814, %dma_wait3A_815] : memref<192x512xf32, #tpu.memory_space<vmem>> -> memref<32x512xf32, #tpu.memory_space<vmem>>
    %dma_wait3A_817 = arith.constant 0 : i32
    %dma_wait3A_818 = tpu.memref_slice %arg2[%add3A_582, %dma_wait3A_817] : memref<16384x512xf32, #tpu.memory_space<hbm>> -> memref<32x512xf32, #tpu.memory_space<hbm>>
    tpu.wait_dma2 semaphore(%arg8 : memref<!tpu.dma_semaphore, #tpu.memory_space<semaphore_mem>>) src(%dma_wait3A_818 : memref<32x512xf32, #tpu.memory_space<hbm>>) dst(%dma_wait3A_816 : memref<32x512xf32, #tpu.memory_space<vmem>>)
    %dma_start3A_819 = arith.constant 24 : i32
    %dma_start3A_820 = arith.constant 0 : i32
    %dma_start3A_821 = arith.constant 0 : i32
    %dma_start3A_822 = tpu.memref_slice %arg7[%dma_start3A_820, %dma_start3A_821] : memref<192x512xf32, #tpu.memory_space<vmem>> -> memref<16x512xf32, #tpu.memory_space<vmem>>
    %dma_start3A_823 = arith.constant 0 : i32
    %dma_start3A_824 = tpu.memref_slice %arg6[%dma_start3A_819, %dma_start3A_823] : memref<32x16xi32, #tpu.memory_space<vmem>> -> memref<1x16xi32, #tpu.memory_space<vmem>>
    %dma_start3A_825 = tpu.memref_squeeze %dma_start3A_824 : memref<1x16xi32, #tpu.memory_space<vmem>> -> memref<16xi32, #tpu.memory_space<vmem>>
    %dma_start3A_826 = arith.constant 0 : i32
    %dma_start3A_827 = arith.constant 0 : i32
    %dma_start3A_828 = tpu.memref_slice %arg4[%dma_start3A_826, %dma_start3A_827] : memref<16384x512xf32, #tpu.memory_space<hbm>> -> memref<16384x512xf32, #tpu.memory_space<hbm>>
    tpu.enqueue_indirect_dma source(%dma_start3A_822 : memref<16x512xf32, #tpu.memory_space<vmem>>) target(%dma_start3A_828 : memref<16384x512xf32, #tpu.memory_space<hbm>>) offsets(%dma_start3A_825 : memref<16xi32, #tpu.memory_space<vmem>>) semaphore(%arg14 : memref<!tpu.dma_semaphore, #tpu.memory_space<semaphore_mem>>)
    %dma_start3A_829 = arith.constant 25 : i32
    %dma_start3A_830 = arith.constant 16 : i32
    %dma_start3A_831 = arith.constant 0 : i32
    %dma_start3A_832 = tpu.memref_slice %arg7[%dma_start3A_830, %dma_start3A_831] : memref<192x512xf32, #tpu.memory_space<vmem>> -> memref<16x512xf32, #tpu.memory_space<vmem>>
    %dma_start3A_833 = arith.constant 0 : i32
    %dma_start3A_834 = tpu.memref_slice %arg6[%dma_start3A_829, %dma_start3A_833] : memref<32x16xi32, #tpu.memory_space<vmem>> -> memref<1x16xi32, #tpu.memory_space<vmem>>
    %dma_start3A_835 = tpu.memref_squeeze %dma_start3A_834 : memref<1x16xi32, #tpu.memory_space<vmem>> -> memref<16xi32, #tpu.memory_space<vmem>>
    %dma_start3A_836 = arith.constant 0 : i32
    %dma_start3A_837 = arith.constant 0 : i32
    %dma_start3A_838 = tpu.memref_slice %arg4[%dma_start3A_836, %dma_start3A_837] : memref<16384x512xf32, #tpu.memory_space<hbm>> -> memref<16384x512xf32, #tpu.memory_space<hbm>>
    tpu.enqueue_indirect_dma source(%dma_start3A_832 : memref<16x512xf32, #tpu.memory_space<vmem>>) target(%dma_start3A_838 : memref<16384x512xf32, #tpu.memory_space<hbm>>) offsets(%dma_start3A_835 : memref<16xi32, #tpu.memory_space<vmem>>) semaphore(%arg14 : memref<!tpu.dma_semaphore, #tpu.memory_space<semaphore_mem>>)
    %dma_wait3A_839 = arith.constant 32 : i32
    %dma_wait3A_840 = arith.constant 0 : i32
    %dma_wait3A_841 = tpu.memref_slice %arg7[%dma_wait3A_839, %dma_wait3A_840] : memref<192x512xf32, #tpu.memory_space<vmem>> -> memref<32x512xf32, #tpu.memory_space<vmem>>
    %dma_wait3A_842 = arith.constant 0 : i32
    %dma_wait3A_843 = tpu.memref_slice %arg2[%add3A_644, %dma_wait3A_842] : memref<16384x512xf32, #tpu.memory_space<hbm>> -> memref<32x512xf32, #tpu.memory_space<hbm>>
    %dma_wait3A_844 = arith.constant 32 : i32
    %dma_wait3A_845 = arith.constant 0 : i32
    %dma_wait3A_846 = tpu.memref_slice %arg7[%dma_wait3A_844, %dma_wait3A_845] : memref<192x512xf32, #tpu.memory_space<vmem>> -> memref<32x512xf32, #tpu.memory_space<vmem>>
    %dma_wait3A_847 = arith.constant 0 : i32
    %dma_wait3A_848 = tpu.memref_slice %arg2[%add3A_644, %dma_wait3A_847] : memref<16384x512xf32, #tpu.memory_space<hbm>> -> memref<32x512xf32, #tpu.memory_space<hbm>>
    tpu.wait_dma2 semaphore(%arg9 : memref<!tpu.dma_semaphore, #tpu.memory_space<semaphore_mem>>) src(%dma_wait3A_848 : memref<32x512xf32, #tpu.memory_space<hbm>>) dst(%dma_wait3A_846 : memref<32x512xf32, #tpu.memory_space<vmem>>)
    %dma_start3A_849 = arith.constant 26 : i32
    %dma_start3A_850 = arith.constant 32 : i32
    %dma_start3A_851 = arith.constant 0 : i32
    %dma_start3A_852 = tpu.memref_slice %arg7[%dma_start3A_850, %dma_start3A_851] : memref<192x512xf32, #tpu.memory_space<vmem>> -> memref<16x512xf32, #tpu.memory_space<vmem>>
    %dma_start3A_853 = arith.constant 0 : i32
    %dma_start3A_854 = tpu.memref_slice %arg6[%dma_start3A_849, %dma_start3A_853] : memref<32x16xi32, #tpu.memory_space<vmem>> -> memref<1x16xi32, #tpu.memory_space<vmem>>
    %dma_start3A_855 = tpu.memref_squeeze %dma_start3A_854 : memref<1x16xi32, #tpu.memory_space<vmem>> -> memref<16xi32, #tpu.memory_space<vmem>>
    %dma_start3A_856 = arith.constant 0 : i32
    %dma_start3A_857 = arith.constant 0 : i32
    %dma_start3A_858 = tpu.memref_slice %arg4[%dma_start3A_856, %dma_start3A_857] : memref<16384x512xf32, #tpu.memory_space<hbm>> -> memref<16384x512xf32, #tpu.memory_space<hbm>>
    tpu.enqueue_indirect_dma source(%dma_start3A_852 : memref<16x512xf32, #tpu.memory_space<vmem>>) target(%dma_start3A_858 : memref<16384x512xf32, #tpu.memory_space<hbm>>) offsets(%dma_start3A_855 : memref<16xi32, #tpu.memory_space<vmem>>) semaphore(%arg15 : memref<!tpu.dma_semaphore, #tpu.memory_space<semaphore_mem>>)
    %dma_start3A_859 = arith.constant 27 : i32
    %dma_start3A_860 = arith.constant 48 : i32
    %dma_start3A_861 = arith.constant 0 : i32
    %dma_start3A_862 = tpu.memref_slice %arg7[%dma_start3A_860, %dma_start3A_861] : memref<192x512xf32, #tpu.memory_space<vmem>> -> memref<16x512xf32, #tpu.memory_space<vmem>>
    %dma_start3A_863 = arith.constant 0 : i32
    %dma_start3A_864 = tpu.memref_slice %arg6[%dma_start3A_859, %dma_start3A_863] : memref<32x16xi32, #tpu.memory_space<vmem>> -> memref<1x16xi32, #tpu.memory_space<vmem>>
    %dma_start3A_865 = tpu.memref_squeeze %dma_start3A_864 : memref<1x16xi32, #tpu.memory_space<vmem>> -> memref<16xi32, #tpu.memory_space<vmem>>
    %dma_start3A_866 = arith.constant 0 : i32
    %dma_start3A_867 = arith.constant 0 : i32
    %dma_start3A_868 = tpu.memref_slice %arg4[%dma_start3A_866, %dma_start3A_867] : memref<16384x512xf32, #tpu.memory_space<hbm>> -> memref<16384x512xf32, #tpu.memory_space<hbm>>
    tpu.enqueue_indirect_dma source(%dma_start3A_862 : memref<16x512xf32, #tpu.memory_space<vmem>>) target(%dma_start3A_868 : memref<16384x512xf32, #tpu.memory_space<hbm>>) offsets(%dma_start3A_865 : memref<16xi32, #tpu.memory_space<vmem>>) semaphore(%arg15 : memref<!tpu.dma_semaphore, #tpu.memory_space<semaphore_mem>>)
    %dma_wait3A_869 = arith.constant 64 : i32
    %dma_wait3A_870 = arith.constant 0 : i32
    %dma_wait3A_871 = tpu.memref_slice %arg7[%dma_wait3A_869, %dma_wait3A_870] : memref<192x512xf32, #tpu.memory_space<vmem>> -> memref<32x512xf32, #tpu.memory_space<vmem>>
    %dma_wait3A_872 = arith.constant 0 : i32
    %dma_wait3A_873 = tpu.memref_slice %arg2[%add3A_706, %dma_wait3A_872] : memref<16384x512xf32, #tpu.memory_space<hbm>> -> memref<32x512xf32, #tpu.memory_space<hbm>>
    %dma_wait3A_874 = arith.constant 64 : i32
    %dma_wait3A_875 = arith.constant 0 : i32
    %dma_wait3A_876 = tpu.memref_slice %arg7[%dma_wait3A_874, %dma_wait3A_875] : memref<192x512xf32, #tpu.memory_space<vmem>> -> memref<32x512xf32, #tpu.memory_space<vmem>>
    %dma_wait3A_877 = arith.constant 0 : i32
    %dma_wait3A_878 = tpu.memref_slice %arg2[%add3A_706, %dma_wait3A_877] : memref<16384x512xf32, #tpu.memory_space<hbm>> -> memref<32x512xf32, #tpu.memory_space<hbm>>
    tpu.wait_dma2 semaphore(%arg10 : memref<!tpu.dma_semaphore, #tpu.memory_space<semaphore_mem>>) src(%dma_wait3A_878 : memref<32x512xf32, #tpu.memory_space<hbm>>) dst(%dma_wait3A_876 : memref<32x512xf32, #tpu.memory_space<vmem>>)
    %dma_start3A_879 = arith.constant 28 : i32
    %dma_start3A_880 = arith.constant 64 : i32
    %dma_start3A_881 = arith.constant 0 : i32
    %dma_start3A_882 = tpu.memref_slice %arg7[%dma_start3A_880, %dma_start3A_881] : memref<192x512xf32, #tpu.memory_space<vmem>> -> memref<16x512xf32, #tpu.memory_space<vmem>>
    %dma_start3A_883 = arith.constant 0 : i32
    %dma_start3A_884 = tpu.memref_slice %arg6[%dma_start3A_879, %dma_start3A_883] : memref<32x16xi32, #tpu.memory_space<vmem>> -> memref<1x16xi32, #tpu.memory_space<vmem>>
    %dma_start3A_885 = tpu.memref_squeeze %dma_start3A_884 : memref<1x16xi32, #tpu.memory_space<vmem>> -> memref<16xi32, #tpu.memory_space<vmem>>
    %dma_start3A_886 = arith.constant 0 : i32
    %dma_start3A_887 = arith.constant 0 : i32
    %dma_start3A_888 = tpu.memref_slice %arg4[%dma_start3A_886, %dma_start3A_887] : memref<16384x512xf32, #tpu.memory_space<hbm>> -> memref<16384x512xf32, #tpu.memory_space<hbm>>
    tpu.enqueue_indirect_dma source(%dma_start3A_882 : memref<16x512xf32, #tpu.memory_space<vmem>>) target(%dma_start3A_888 : memref<16384x512xf32, #tpu.memory_space<hbm>>) offsets(%dma_start3A_885 : memref<16xi32, #tpu.memory_space<vmem>>) semaphore(%arg16 : memref<!tpu.dma_semaphore, #tpu.memory_space<semaphore_mem>>)
    %dma_start3A_889 = arith.constant 29 : i32
    %dma_start3A_890 = arith.constant 80 : i32
    %dma_start3A_891 = arith.constant 0 : i32
    %dma_start3A_892 = tpu.memref_slice %arg7[%dma_start3A_890, %dma_start3A_891] : memref<192x512xf32, #tpu.memory_space<vmem>> -> memref<16x512xf32, #tpu.memory_space<vmem>>
    %dma_start3A_893 = arith.constant 0 : i32
    %dma_start3A_894 = tpu.memref_slice %arg6[%dma_start3A_889, %dma_start3A_893] : memref<32x16xi32, #tpu.memory_space<vmem>> -> memref<1x16xi32, #tpu.memory_space<vmem>>
    %dma_start3A_895 = tpu.memref_squeeze %dma_start3A_894 : memref<1x16xi32, #tpu.memory_space<vmem>> -> memref<16xi32, #tpu.memory_space<vmem>>
    %dma_start3A_896 = arith.constant 0 : i32
    %dma_start3A_897 = arith.constant 0 : i32
    %dma_start3A_898 = tpu.memref_slice %arg4[%dma_start3A_896, %dma_start3A_897] : memref<16384x512xf32, #tpu.memory_space<hbm>> -> memref<16384x512xf32, #tpu.memory_space<hbm>>
    tpu.enqueue_indirect_dma source(%dma_start3A_892 : memref<16x512xf32, #tpu.memory_space<vmem>>) target(%dma_start3A_898 : memref<16384x512xf32, #tpu.memory_space<hbm>>) offsets(%dma_start3A_895 : memref<16xi32, #tpu.memory_space<vmem>>) semaphore(%arg16 : memref<!tpu.dma_semaphore, #tpu.memory_space<semaphore_mem>>)
    %dma_wait3A_899 = arith.constant 96 : i32
    %dma_wait3A_900 = arith.constant 0 : i32
    %dma_wait3A_901 = tpu.memref_slice %arg7[%dma_wait3A_899, %dma_wait3A_900] : memref<192x512xf32, #tpu.memory_space<vmem>> -> memref<32x512xf32, #tpu.memory_space<vmem>>
    %dma_wait3A_902 = arith.constant 0 : i32
    %dma_wait3A_903 = tpu.memref_slice %arg2[%add3A_768, %dma_wait3A_902] : memref<16384x512xf32, #tpu.memory_space<hbm>> -> memref<32x512xf32, #tpu.memory_space<hbm>>
    %dma_wait3A_904 = arith.constant 96 : i32
    %dma_wait3A_905 = arith.constant 0 : i32
    %dma_wait3A_906 = tpu.memref_slice %arg7[%dma_wait3A_904, %dma_wait3A_905] : memref<192x512xf32, #tpu.memory_space<vmem>> -> memref<32x512xf32, #tpu.memory_space<vmem>>
    %dma_wait3A_907 = arith.constant 0 : i32
    %dma_wait3A_908 = tpu.memref_slice %arg2[%add3A_768, %dma_wait3A_907] : memref<16384x512xf32, #tpu.memory_space<hbm>> -> memref<32x512xf32, #tpu.memory_space<hbm>>
    tpu.wait_dma2 semaphore(%arg11 : memref<!tpu.dma_semaphore, #tpu.memory_space<semaphore_mem>>) src(%dma_wait3A_908 : memref<32x512xf32, #tpu.memory_space<hbm>>) dst(%dma_wait3A_906 : memref<32x512xf32, #tpu.memory_space<vmem>>)
    %dma_start3A_909 = arith.constant 30 : i32
    %dma_start3A_910 = arith.constant 96 : i32
    %dma_start3A_911 = arith.constant 0 : i32
    %dma_start3A_912 = tpu.memref_slice %arg7[%dma_start3A_910, %dma_start3A_911] : memref<192x512xf32, #tpu.memory_space<vmem>> -> memref<16x512xf32, #tpu.memory_space<vmem>>
    %dma_start3A_913 = arith.constant 0 : i32
    %dma_start3A_914 = tpu.memref_slice %arg6[%dma_start3A_909, %dma_start3A_913] : memref<32x16xi32, #tpu.memory_space<vmem>> -> memref<1x16xi32, #tpu.memory_space<vmem>>
    %dma_start3A_915 = tpu.memref_squeeze %dma_start3A_914 : memref<1x16xi32, #tpu.memory_space<vmem>> -> memref<16xi32, #tpu.memory_space<vmem>>
    %dma_start3A_916 = arith.constant 0 : i32
    %dma_start3A_917 = arith.constant 0 : i32
    %dma_start3A_918 = tpu.memref_slice %arg4[%dma_start3A_916, %dma_start3A_917] : memref<16384x512xf32, #tpu.memory_space<hbm>> -> memref<16384x512xf32, #tpu.memory_space<hbm>>
    tpu.enqueue_indirect_dma source(%dma_start3A_912 : memref<16x512xf32, #tpu.memory_space<vmem>>) target(%dma_start3A_918 : memref<16384x512xf32, #tpu.memory_space<hbm>>) offsets(%dma_start3A_915 : memref<16xi32, #tpu.memory_space<vmem>>) semaphore(%arg17 : memref<!tpu.dma_semaphore, #tpu.memory_space<semaphore_mem>>)
    %dma_start3A_919 = arith.constant 31 : i32
    %dma_start3A_920 = arith.constant 112 : i32
    %dma_start3A_921 = arith.constant 0 : i32
    %dma_start3A_922 = tpu.memref_slice %arg7[%dma_start3A_920, %dma_start3A_921] : memref<192x512xf32, #tpu.memory_space<vmem>> -> memref<16x512xf32, #tpu.memory_space<vmem>>
    %dma_start3A_923 = arith.constant 0 : i32
    %dma_start3A_924 = tpu.memref_slice %arg6[%dma_start3A_919, %dma_start3A_923] : memref<32x16xi32, #tpu.memory_space<vmem>> -> memref<1x16xi32, #tpu.memory_space<vmem>>
    %dma_start3A_925 = tpu.memref_squeeze %dma_start3A_924 : memref<1x16xi32, #tpu.memory_space<vmem>> -> memref<16xi32, #tpu.memory_space<vmem>>
    %dma_start3A_926 = arith.constant 0 : i32
    %dma_start3A_927 = arith.constant 0 : i32
    %dma_start3A_928 = tpu.memref_slice %arg4[%dma_start3A_926, %dma_start3A_927] : memref<16384x512xf32, #tpu.memory_space<hbm>> -> memref<16384x512xf32, #tpu.memory_space<hbm>>
    tpu.enqueue_indirect_dma source(%dma_start3A_922 : memref<16x512xf32, #tpu.memory_space<vmem>>) target(%dma_start3A_928 : memref<16384x512xf32, #tpu.memory_space<hbm>>) offsets(%dma_start3A_925 : memref<16xi32, #tpu.memory_space<vmem>>) semaphore(%arg17 : memref<!tpu.dma_semaphore, #tpu.memory_space<semaphore_mem>>)
    %dma_wait3A_929 = arith.constant 20 : i32
    %dma_wait3A_930 = arith.constant 128 : i32
    %dma_wait3A_931 = arith.constant 0 : i32
    %dma_wait3A_932 = tpu.memref_slice %arg7[%dma_wait3A_930, %dma_wait3A_931] : memref<192x512xf32, #tpu.memory_space<vmem>> -> memref<16x512xf32, #tpu.memory_space<vmem>>
    %dma_wait3A_933 = arith.constant 0 : i32
    %dma_wait3A_934 = tpu.memref_slice %arg6[%dma_wait3A_929, %dma_wait3A_933] : memref<32x16xi32, #tpu.memory_space<vmem>> -> memref<1x16xi32, #tpu.memory_space<vmem>>
    %dma_wait3A_935 = tpu.memref_squeeze %dma_wait3A_934 : memref<1x16xi32, #tpu.memory_space<vmem>> -> memref<16xi32, #tpu.memory_space<vmem>>
    %dma_wait3A_936 = arith.constant 0 : i32
    %dma_wait3A_937 = arith.constant 0 : i32
    %dma_wait3A_938 = tpu.memref_slice %arg4[%dma_wait3A_936, %dma_wait3A_937] : memref<16384x512xf32, #tpu.memory_space<hbm>> -> memref<16384x512xf32, #tpu.memory_space<hbm>>
    tpu.wait_indirect_dma semaphore(%arg18 : memref<!tpu.dma_semaphore, #tpu.memory_space<semaphore_mem>>) src(%dma_wait3A_932 : memref<16x512xf32, #tpu.memory_space<vmem>>) dst(%dma_wait3A_938 : memref<16384x512xf32, #tpu.memory_space<hbm>>)
    %dma_wait3A_939 = arith.constant 21 : i32
    %dma_wait3A_940 = arith.constant 144 : i32
    %dma_wait3A_941 = arith.constant 0 : i32
    %dma_wait3A_942 = tpu.memref_slice %arg7[%dma_wait3A_940, %dma_wait3A_941] : memref<192x512xf32, #tpu.memory_space<vmem>> -> memref<16x512xf32, #tpu.memory_space<vmem>>
    %dma_wait3A_943 = arith.constant 0 : i32
    %dma_wait3A_944 = tpu.memref_slice %arg6[%dma_wait3A_939, %dma_wait3A_943] : memref<32x16xi32, #tpu.memory_space<vmem>> -> memref<1x16xi32, #tpu.memory_space<vmem>>
    %dma_wait3A_945 = tpu.memref_squeeze %dma_wait3A_944 : memref<1x16xi32, #tpu.memory_space<vmem>> -> memref<16xi32, #tpu.memory_space<vmem>>
    %dma_wait3A_946 = arith.constant 0 : i32
    %dma_wait3A_947 = arith.constant 0 : i32
    %dma_wait3A_948 = tpu.memref_slice %arg4[%dma_wait3A_946, %dma_wait3A_947] : memref<16384x512xf32, #tpu.memory_space<hbm>> -> memref<16384x512xf32, #tpu.memory_space<hbm>>
    tpu.wait_indirect_dma semaphore(%arg18 : memref<!tpu.dma_semaphore, #tpu.memory_space<semaphore_mem>>) src(%dma_wait3A_942 : memref<16x512xf32, #tpu.memory_space<vmem>>) dst(%dma_wait3A_948 : memref<16384x512xf32, #tpu.memory_space<hbm>>)
    %dma_wait3A_949 = arith.constant 22 : i32
    %dma_wait3A_950 = arith.constant 160 : i32
    %dma_wait3A_951 = arith.constant 0 : i32
    %dma_wait3A_952 = tpu.memref_slice %arg7[%dma_wait3A_950, %dma_wait3A_951] : memref<192x512xf32, #tpu.memory_space<vmem>> -> memref<16x512xf32, #tpu.memory_space<vmem>>
    %dma_wait3A_953 = arith.constant 0 : i32
    %dma_wait3A_954 = tpu.memref_slice %arg6[%dma_wait3A_949, %dma_wait3A_953] : memref<32x16xi32, #tpu.memory_space<vmem>> -> memref<1x16xi32, #tpu.memory_space<vmem>>
    %dma_wait3A_955 = tpu.memref_squeeze %dma_wait3A_954 : memref<1x16xi32, #tpu.memory_space<vmem>> -> memref<16xi32, #tpu.memory_space<vmem>>
    %dma_wait3A_956 = arith.constant 0 : i32
    %dma_wait3A_957 = arith.constant 0 : i32
    %dma_wait3A_958 = tpu.memref_slice %arg4[%dma_wait3A_956, %dma_wait3A_957] : memref<16384x512xf32, #tpu.memory_space<hbm>> -> memref<16384x512xf32, #tpu.memory_space<hbm>>
    tpu.wait_indirect_dma semaphore(%arg19 : memref<!tpu.dma_semaphore, #tpu.memory_space<semaphore_mem>>) src(%dma_wait3A_952 : memref<16x512xf32, #tpu.memory_space<vmem>>) dst(%dma_wait3A_958 : memref<16384x512xf32, #tpu.memory_space<hbm>>)
    %dma_wait3A_959 = arith.constant 23 : i32
    %dma_wait3A_960 = arith.constant 176 : i32
    %dma_wait3A_961 = arith.constant 0 : i32
    %dma_wait3A_962 = tpu.memref_slice %arg7[%dma_wait3A_960, %dma_wait3A_961] : memref<192x512xf32, #tpu.memory_space<vmem>> -> memref<16x512xf32, #tpu.memory_space<vmem>>
    %dma_wait3A_963 = arith.constant 0 : i32
    %dma_wait3A_964 = tpu.memref_slice %arg6[%dma_wait3A_959, %dma_wait3A_963] : memref<32x16xi32, #tpu.memory_space<vmem>> -> memref<1x16xi32, #tpu.memory_space<vmem>>
    %dma_wait3A_965 = tpu.memref_squeeze %dma_wait3A_964 : memref<1x16xi32, #tpu.memory_space<vmem>> -> memref<16xi32, #tpu.memory_space<vmem>>
    %dma_wait3A_966 = arith.constant 0 : i32
    %dma_wait3A_967 = arith.constant 0 : i32
    %dma_wait3A_968 = tpu.memref_slice %arg4[%dma_wait3A_966, %dma_wait3A_967] : memref<16384x512xf32, #tpu.memory_space<hbm>> -> memref<16384x512xf32, #tpu.memory_space<hbm>>
    tpu.wait_indirect_dma semaphore(%arg19 : memref<!tpu.dma_semaphore, #tpu.memory_space<semaphore_mem>>) src(%dma_wait3A_962 : memref<16x512xf32, #tpu.memory_space<vmem>>) dst(%dma_wait3A_968 : memref<16384x512xf32, #tpu.memory_space<hbm>>)
    %dma_wait3A_969 = arith.constant 24 : i32
    %dma_wait3A_970 = arith.constant 0 : i32
    %dma_wait3A_971 = arith.constant 0 : i32
    %dma_wait3A_972 = tpu.memref_slice %arg7[%dma_wait3A_970, %dma_wait3A_971] : memref<192x512xf32, #tpu.memory_space<vmem>> -> memref<16x512xf32, #tpu.memory_space<vmem>>
    %dma_wait3A_973 = arith.constant 0 : i32
    %dma_wait3A_974 = tpu.memref_slice %arg6[%dma_wait3A_969, %dma_wait3A_973] : memref<32x16xi32, #tpu.memory_space<vmem>> -> memref<1x16xi32, #tpu.memory_space<vmem>>
    %dma_wait3A_975 = tpu.memref_squeeze %dma_wait3A_974 : memref<1x16xi32, #tpu.memory_space<vmem>> -> memref<16xi32, #tpu.memory_space<vmem>>
    %dma_wait3A_976 = arith.constant 0 : i32
    %dma_wait3A_977 = arith.constant 0 : i32
    %dma_wait3A_978 = tpu.memref_slice %arg4[%dma_wait3A_976, %dma_wait3A_977] : memref<16384x512xf32, #tpu.memory_space<hbm>> -> memref<16384x512xf32, #tpu.memory_space<hbm>>
    tpu.wait_indirect_dma semaphore(%arg14 : memref<!tpu.dma_semaphore, #tpu.memory_space<semaphore_mem>>) src(%dma_wait3A_972 : memref<16x512xf32, #tpu.memory_space<vmem>>) dst(%dma_wait3A_978 : memref<16384x512xf32, #tpu.memory_space<hbm>>)
    %dma_wait3A_979 = arith.constant 25 : i32
    %dma_wait3A_980 = arith.constant 16 : i32
    %dma_wait3A_981 = arith.constant 0 : i32
    %dma_wait3A_982 = tpu.memref_slice %arg7[%dma_wait3A_980, %dma_wait3A_981] : memref<192x512xf32, #tpu.memory_space<vmem>> -> memref<16x512xf32, #tpu.memory_space<vmem>>
    %dma_wait3A_983 = arith.constant 0 : i32
    %dma_wait3A_984 = tpu.memref_slice %arg6[%dma_wait3A_979, %dma_wait3A_983] : memref<32x16xi32, #tpu.memory_space<vmem>> -> memref<1x16xi32, #tpu.memory_space<vmem>>
    %dma_wait3A_985 = tpu.memref_squeeze %dma_wait3A_984 : memref<1x16xi32, #tpu.memory_space<vmem>> -> memref<16xi32, #tpu.memory_space<vmem>>
    %dma_wait3A_986 = arith.constant 0 : i32
    %dma_wait3A_987 = arith.constant 0 : i32
    %dma_wait3A_988 = tpu.memref_slice %arg4[%dma_wait3A_986, %dma_wait3A_987] : memref<16384x512xf32, #tpu.memory_space<hbm>> -> memref<16384x512xf32, #tpu.memory_space<hbm>>
    tpu.wait_indirect_dma semaphore(%arg14 : memref<!tpu.dma_semaphore, #tpu.memory_space<semaphore_mem>>) src(%dma_wait3A_982 : memref<16x512xf32, #tpu.memory_space<vmem>>) dst(%dma_wait3A_988 : memref<16384x512xf32, #tpu.memory_space<hbm>>)
    %dma_wait3A_989 = arith.constant 26 : i32
    %dma_wait3A_990 = arith.constant 32 : i32
    %dma_wait3A_991 = arith.constant 0 : i32
    %dma_wait3A_992 = tpu.memref_slice %arg7[%dma_wait3A_990, %dma_wait3A_991] : memref<192x512xf32, #tpu.memory_space<vmem>> -> memref<16x512xf32, #tpu.memory_space<vmem>>
    %dma_wait3A_993 = arith.constant 0 : i32
    %dma_wait3A_994 = tpu.memref_slice %arg6[%dma_wait3A_989, %dma_wait3A_993] : memref<32x16xi32, #tpu.memory_space<vmem>> -> memref<1x16xi32, #tpu.memory_space<vmem>>
    %dma_wait3A_995 = tpu.memref_squeeze %dma_wait3A_994 : memref<1x16xi32, #tpu.memory_space<vmem>> -> memref<16xi32, #tpu.memory_space<vmem>>
    %dma_wait3A_996 = arith.constant 0 : i32
    %dma_wait3A_997 = arith.constant 0 : i32
    %dma_wait3A_998 = tpu.memref_slice %arg4[%dma_wait3A_996, %dma_wait3A_997] : memref<16384x512xf32, #tpu.memory_space<hbm>> -> memref<16384x512xf32, #tpu.memory_space<hbm>>
    tpu.wait_indirect_dma semaphore(%arg15 : memref<!tpu.dma_semaphore, #tpu.memory_space<semaphore_mem>>) src(%dma_wait3A_992 : memref<16x512xf32, #tpu.memory_space<vmem>>) dst(%dma_wait3A_998 : memref<16384x512xf32, #tpu.memory_space<hbm>>)
    %dma_wait3A_999 = arith.constant 27 : i32
    %dma_wait3A_1000 = arith.constant 48 : i32
    %dma_wait3A_1001 = arith.constant 0 : i32
    %dma_wait3A_1002 = tpu.memref_slice %arg7[%dma_wait3A_1000, %dma_wait3A_1001] : memref<192x512xf32, #tpu.memory_space<vmem>> -> memref<16x512xf32, #tpu.memory_space<vmem>>
    %dma_wait3A_1003 = arith.constant 0 : i32
    %dma_wait3A_1004 = tpu.memref_slice %arg6[%dma_wait3A_999, %dma_wait3A_1003] : memref<32x16xi32, #tpu.memory_space<vmem>> -> memref<1x16xi32, #tpu.memory_space<vmem>>
    %dma_wait3A_1005 = tpu.memref_squeeze %dma_wait3A_1004 : memref<1x16xi32, #tpu.memory_space<vmem>> -> memref<16xi32, #tpu.memory_space<vmem>>
    %dma_wait3A_1006 = arith.constant 0 : i32
    %dma_wait3A_1007 = arith.constant 0 : i32
    %dma_wait3A_1008 = tpu.memref_slice %arg4[%dma_wait3A_1006, %dma_wait3A_1007] : memref<16384x512xf32, #tpu.memory_space<hbm>> -> memref<16384x512xf32, #tpu.memory_space<hbm>>
    tpu.wait_indirect_dma semaphore(%arg15 : memref<!tpu.dma_semaphore, #tpu.memory_space<semaphore_mem>>) src(%dma_wait3A_1002 : memref<16x512xf32, #tpu.memory_space<vmem>>) dst(%dma_wait3A_1008 : memref<16384x512xf32, #tpu.memory_space<hbm>>)
    %dma_wait3A_1009 = arith.constant 28 : i32
    %dma_wait3A_1010 = arith.constant 64 : i32
    %dma_wait3A_1011 = arith.constant 0 : i32
    %dma_wait3A_1012 = tpu.memref_slice %arg7[%dma_wait3A_1010, %dma_wait3A_1011] : memref<192x512xf32, #tpu.memory_space<vmem>> -> memref<16x512xf32, #tpu.memory_space<vmem>>
    %dma_wait3A_1013 = arith.constant 0 : i32
    %dma_wait3A_1014 = tpu.memref_slice %arg6[%dma_wait3A_1009, %dma_wait3A_1013] : memref<32x16xi32, #tpu.memory_space<vmem>> -> memref<1x16xi32, #tpu.memory_space<vmem>>
    %dma_wait3A_1015 = tpu.memref_squeeze %dma_wait3A_1014 : memref<1x16xi32, #tpu.memory_space<vmem>> -> memref<16xi32, #tpu.memory_space<vmem>>
    %dma_wait3A_1016 = arith.constant 0 : i32
    %dma_wait3A_1017 = arith.constant 0 : i32
    %dma_wait3A_1018 = tpu.memref_slice %arg4[%dma_wait3A_1016, %dma_wait3A_1017] : memref<16384x512xf32, #tpu.memory_space<hbm>> -> memref<16384x512xf32, #tpu.memory_space<hbm>>
    tpu.wait_indirect_dma semaphore(%arg16 : memref<!tpu.dma_semaphore, #tpu.memory_space<semaphore_mem>>) src(%dma_wait3A_1012 : memref<16x512xf32, #tpu.memory_space<vmem>>) dst(%dma_wait3A_1018 : memref<16384x512xf32, #tpu.memory_space<hbm>>)
    %dma_wait3A_1019 = arith.constant 29 : i32
    %dma_wait3A_1020 = arith.constant 80 : i32
    %dma_wait3A_1021 = arith.constant 0 : i32
    %dma_wait3A_1022 = tpu.memref_slice %arg7[%dma_wait3A_1020, %dma_wait3A_1021] : memref<192x512xf32, #tpu.memory_space<vmem>> -> memref<16x512xf32, #tpu.memory_space<vmem>>
    %dma_wait3A_1023 = arith.constant 0 : i32
    %dma_wait3A_1024 = tpu.memref_slice %arg6[%dma_wait3A_1019, %dma_wait3A_1023] : memref<32x16xi32, #tpu.memory_space<vmem>> -> memref<1x16xi32, #tpu.memory_space<vmem>>
    %dma_wait3A_1025 = tpu.memref_squeeze %dma_wait3A_1024 : memref<1x16xi32, #tpu.memory_space<vmem>> -> memref<16xi32, #tpu.memory_space<vmem>>
    %dma_wait3A_1026 = arith.constant 0 : i32
    %dma_wait3A_1027 = arith.constant 0 : i32
    %dma_wait3A_1028 = tpu.memref_slice %arg4[%dma_wait3A_1026, %dma_wait3A_1027] : memref<16384x512xf32, #tpu.memory_space<hbm>> -> memref<16384x512xf32, #tpu.memory_space<hbm>>
    tpu.wait_indirect_dma semaphore(%arg16 : memref<!tpu.dma_semaphore, #tpu.memory_space<semaphore_mem>>) src(%dma_wait3A_1022 : memref<16x512xf32, #tpu.memory_space<vmem>>) dst(%dma_wait3A_1028 : memref<16384x512xf32, #tpu.memory_space<hbm>>)
    %dma_wait3A_1029 = arith.constant 30 : i32
    %dma_wait3A_1030 = arith.constant 96 : i32
    %dma_wait3A_1031 = arith.constant 0 : i32
    %dma_wait3A_1032 = tpu.memref_slice %arg7[%dma_wait3A_1030, %dma_wait3A_1031] : memref<192x512xf32, #tpu.memory_space<vmem>> -> memref<16x512xf32, #tpu.memory_space<vmem>>
    %dma_wait3A_1033 = arith.constant 0 : i32
    %dma_wait3A_1034 = tpu.memref_slice %arg6[%dma_wait3A_1029, %dma_wait3A_1033] : memref<32x16xi32, #tpu.memory_space<vmem>> -> memref<1x16xi32, #tpu.memory_space<vmem>>
    %dma_wait3A_1035 = tpu.memref_squeeze %dma_wait3A_1034 : memref<1x16xi32, #tpu.memory_space<vmem>> -> memref<16xi32, #tpu.memory_space<vmem>>
    %dma_wait3A_1036 = arith.constant 0 : i32
    %dma_wait3A_1037 = arith.constant 0 : i32
    %dma_wait3A_1038 = tpu.memref_slice %arg4[%dma_wait3A_1036, %dma_wait3A_1037] : memref<16384x512xf32, #tpu.memory_space<hbm>> -> memref<16384x512xf32, #tpu.memory_space<hbm>>
    tpu.wait_indirect_dma semaphore(%arg17 : memref<!tpu.dma_semaphore, #tpu.memory_space<semaphore_mem>>) src(%dma_wait3A_1032 : memref<16x512xf32, #tpu.memory_space<vmem>>) dst(%dma_wait3A_1038 : memref<16384x512xf32, #tpu.memory_space<hbm>>)
    %dma_wait3A_1039 = arith.constant 31 : i32
    %dma_wait3A_1040 = arith.constant 112 : i32
    %dma_wait3A_1041 = arith.constant 0 : i32
    %dma_wait3A_1042 = tpu.memref_slice %arg7[%dma_wait3A_1040, %dma_wait3A_1041] : memref<192x512xf32, #tpu.memory_space<vmem>> -> memref<16x512xf32, #tpu.memory_space<vmem>>
    %dma_wait3A_1043 = arith.constant 0 : i32
    %dma_wait3A_1044 = tpu.memref_slice %arg6[%dma_wait3A_1039, %dma_wait3A_1043] : memref<32x16xi32, #tpu.memory_space<vmem>> -> memref<1x16xi32, #tpu.memory_space<vmem>>
    %dma_wait3A_1045 = tpu.memref_squeeze %dma_wait3A_1044 : memref<1x16xi32, #tpu.memory_space<vmem>> -> memref<16xi32, #tpu.memory_space<vmem>>
    %dma_wait3A_1046 = arith.constant 0 : i32
    %dma_wait3A_1047 = arith.constant 0 : i32
    %dma_wait3A_1048 = tpu.memref_slice %arg4[%dma_wait3A_1046, %dma_wait3A_1047] : memref<16384x512xf32, #tpu.memory_space<hbm>> -> memref<16384x512xf32, #tpu.memory_space<hbm>>
    tpu.wait_indirect_dma semaphore(%arg17 : memref<!tpu.dma_semaphore, #tpu.memory_space<semaphore_mem>>) src(%dma_wait3A_1042 : memref<16x512xf32, #tpu.memory_space<vmem>>) dst(%dma_wait3A_1048 : memref<16384x512xf32, #tpu.memory_space<hbm>>)
    return
  }
}

</mosaic_0001>

<sc_bundles>
// kernel: kernel.3.cloned.1.call-start
scs
__scs_entry_jumppad:
0x0: {  	(pc) =	sbr.rel $0x88, $3  }
0x1: {  	(tag) =	ssettag $0x0;
	lr =	simm.s32 $0x1  }
0x2: {  	[smem:$0x3F9F] =	sst lr;
	_ =	strace $0xD0000000  }
0x3: {  	_ = 	snop  }
0x4: {  	_ = 	snop  }
0x5: {  	_ = 	snop  }
0x6: {  	_ = 	snop  }
0x7: {  	_ = 	snop  }
__scs_overlays_trampoline_lowered:
0x8: {  	[smem:$0x3FAE] =	sst s0  }
0x9: {  	[smem:$0x3FAF] =	sst s1  }
0xa: {  	[smem:$0x3FB0] =	sst s2  }
0xb: {  	[smem:$0x3FB1] =	sst s3  }
0xc: {  	[smem:$0x3FB2] =	sst s4  }
0xd: {  	[smem:$0x3FB3] =	sst s5  }
0xe: {  	[smem:$0x3FB4] =	sst s6  }
0xf: {  	[smem:$0x3FB5] =	sst s7  }
0x10: {  	[smem:$0x3FB6] =	sst s8  }
0x11: {  	[smem:$0x3FB7] =	sst s9;
	s0 =	simm.s32 @!p0 $0x0  }
0x12: {  	s1 =	sld [smem:$0x3F9D];
	s0 =	simm.s32 @p0 $0x1  }
0x13: {  	[smem:$0x3FB8] =	sst s0;
	s0 =	simm.s32 @!p1 $0x0  }
0x14: {  	s2 =	sld [smem:$0x3F9C];
	s0 =	simm.s32 @p1 $0x1  }
0x15: {  	[smem:$0x3FB9] =	sst s0;
	s0 =	simm.s32 @!p2 $0x0  }
0x16: {  	s3 =	sld [smem:$0x3FDB];
	s0 =	simm.s32 @p2 $0x1  }
0x17: {  	s4 =	simm.s32 $0x1BF5;
	[smem:$0x3FBB] =	sst s0  }
0x18: {  	s0 =	sld [smem:$0x3F9E];
	_ =	swait.ge [sflag:s4], $0x0  }
0x19: {  	s7 =	sld [smem:$0x3F9F]  }
0x1a: {  	s8 =	sadd.s32 $0xFFFFE003, lr  }
0x1b: {  	s9 =	sadd.s32 $0xFFFFFEF7, lr;
	s5 =	simm.s32 $0xFFFFFFFF;
	p2 =	slt.u32 s8, $0xFFFFF086  }
0x1c: {  	p1 =	slt.u32 s9, $0xF7A;
	s5 =	simm.s32 @!p2 $0x0  }
0x1d: {  	s5 =	simm.s32 @p1 $0x1;
	p0 =	seq.s32 s7, s2  }
0x1e: {  	s7 =	smul.u32 @!p0 $0xF7A, s2;
	p2 =	seq.s32 @!p0 s5, $0x0  }
0x1f: {  	s9 =	smul.u32 $0xF7A, s1;
	s8 =	simm.s32 @!p0 $0x1BF5;
	p2 =	por !p2, p0  }
0x20: {  	[sflag:s8] =	ssyncset.s32 @!p0 $0xFFFFF086;
	s6 =	sadd.s32 @!p0 s3, s7;
	s7 =	simm.s32 @!p0 $0x108  }
0x21: {  	s3 =	sadd.s32 s3, s9;
	s6 =	sadd.s32 @!p0 $0x88, s6;
	s7 =	simm.s32 @p2 $0x1082  }
0x22: {  	[simem:s7], [sflag:s8] =	dma.local @!p0 [hbm:s6], $0xF7A  }
0x23: {  	s9 =	sor.u32 $0xD0000000, s2;
	s6 =	simm.s32 $0x108;
	_ =	swait.ge @!p0 [sflag:s8], $0x0  }
0x24: {  	s3 =	sadd.s32 $0x88, s3;
	s6 =	simm.s32 @!p1 $0x1082;
	[sflag:s4] =	ssyncset.s32 $0xFFFFF086  }
0x25: {  	[simem:s6], [sflag:s4] =	dma.local [hbm:s3], $0xF7A  }
0x26: {  	[smem:$0x3F9F] =	sst s1;
	(tag) =	ssettag s2;
	_ =	strace s9  }
0x27: {  	s1 =	sld [smem:$0x3FAF]  }
0x28: {  	s2 =	sld [smem:$0x3FB0]  }
0x29: {  	s4 =	sld [smem:$0x3FB2]  }
0x2a: {  	p0 =	seq.s32 s5, $0x0;
	s5 =	sld [smem:$0x3FB3]  }
0x2b: {  	s6 =	sld [smem:$0x3FB4]  }
0x2c: {  	s7 =	sld [smem:$0x3FB5]  }
0x2d: {  	s3 =	simm.s32 $0x108;
	s8 =	sld [smem:$0x3FB6]  }
0x2e: {  	s3 =	simm.s32 @!p0 $0x1082;
	s9 =	sld [smem:$0x3FB7]  }
0x2f: {  	lr =	sadd.s32 s0, s3;
	s0 =	sld [smem:$0x3FAE]  }
0x30: {  	s3 =	sld [smem:$0x3FB1]  }
0x31: {  	[smem:$0x3FBA] =	sst s10  }
0x32: {  	s10 =	sld [smem:$0x3FB8];
	_ =	sdelay $0x3  }
0x33: {  	p0 =	seq.s32 s10, $0x1;
	s10 =	sld [smem:$0x3FBA];
	_ =	sdelay $0x3  }
0x34: {  	[smem:$0x3FBA] =	sst s10  }
0x35: {  	s10 =	sld [smem:$0x3FB9];
	_ =	sdelay $0x3  }
0x36: {  	p1 =	seq.s32 s10, $0x1;
	s10 =	sld [smem:$0x3FBA];
	_ =	sdelay $0x3  }
0x37: {  	[smem:$0x3FBA] =	sst s10  }
0x38: {  	s10 =	sld [smem:$0x3FBB]  }
0x39: {  	_ = 	snop;
	(pc) =	sbr.ind lr, $3  }
0x3a: {  	_ = 	snop  }
0x3b: {  	_ = 	snop  }
0x3c: {  	p2 =	seq.s32 s10, $0x1;
	s10 =	sld [smem:$0x3FBA]  }
0x3d: {  	_ =	shalt  }
0x3e: {  	_ =	shalt  }
0x3f: {  	_ =	shalt  }
0x40: {  	_ =	shalt  }
0x41: {  	_ =	shalt  }
0x42: {  	_ =	shalt  }
0x43: {  	_ =	shalt  }
0x44: {  	_ =	shalt  }
0x45: {  	_ =	shalt  }
0x46: {  	_ =	shalt  }
0x47: {  	_ =	shalt  }
0x48: {  	_ =	shalt  }
0x49: {  	_ =	shalt  }
0x4a: {  	_ =	shalt  }
0x4b: {  	_ =	shalt  }
0x4c: {  	_ =	shalt  }
0x4d: {  	_ =	shalt  }
0x4e: {  	_ =	shalt  }
0x4f: {  	_ =	shalt  }
0x50: {  	_ =	shalt  }
0x51: {  	_ =	shalt  }
0x52: {  	_ =	shalt  }
0x53: {  	_ =	shalt  }
0x54: {  	_ =	shalt  }
0x55: {  	_ =	shalt  }
0x56: {  	_ =	shalt  }
0x57: {  	_ =	shalt  }
0x58: {  	_ =	shalt  }
0x59: {  	_ =	shalt  }
0x5a: {  	_ =	shalt  }
0x5b: {  	_ =	shalt  }
0x5c: {  	_ =	shalt  }
0x5d: {  	_ =	shalt  }
0x5e: {  	_ =	shalt  }
0x5f: {  	_ =	shalt  }
0x60: {  	_ =	shalt  }
0x61: {  	_ =	shalt  }
0x62: {  	_ =	shalt  }
0x63: {  	_ =	shalt  }
0x64: {  	_ =	shalt  }
0x65: {  	_ =	shalt  }
0x66: {  	_ =	shalt  }
0x67: {  	_ =	shalt  }
0x68: {  	_ =	shalt  }
0x69: {  	_ =	shalt  }
0x6a: {  	_ =	shalt  }
0x6b: {  	_ =	shalt  }
0x6c: {  	_ =	shalt  }
0x6d: {  	_ =	shalt  }
0x6e: {  	_ =	shalt  }
0x6f: {  	_ =	shalt  }
0x70: {  	_ =	shalt  }
0x71: {  	_ =	shalt  }
0x72: {  	_ =	shalt  }
0x73: {  	_ =	shalt  }
0x74: {  	_ =	shalt  }
0x75: {  	_ =	shalt  }
0x76: {  	_ =	shalt  }
0x77: {  	_ =	shalt  }
0x78: {  	_ =	shalt  }
0x79: {  	_ =	shalt  }
0x7a: {  	_ =	shalt  }
0x7b: {  	_ =	shalt  }
0x7c: {  	_ =	shalt  }
0x7d: {  	_ =	shalt  }
0x7e: {  	_ =	shalt  }
0x7f: {  	_ =	shalt  }
0x80: {  	_ =	shalt  }
0x81: {  	_ =	shalt  }
0x82: {  	_ =	shalt  }
0x83: {  	_ =	shalt  }
0x84: {  	_ =	shalt  }
0x85: {  	_ =	shalt  }
0x86: {  	_ =	shalt  }
0x87: {  	_ =	shalt  }
.Lfunc_end0:
.L_simem_size_0:
called_computation_lowered:
.L_overlay_start_0:
0x88: {  	s2 =	sld [smem:$0x3FD9]  }
0x89: {  	s3 =	sld [smem:$0x3FFE];
	_ =	sdelay $0x1  }
0x8a: {  	s1 =	srdreg.scid  }
0x8b: {  	s0 =	sand.u32 $0x1, s1  }
0x8c: {  	s18 =	sshll.u32 s0, $0xA;
	s2 =	sadd.s32 s3, s2  }
0x8d: {  	s2 =	sadd.s32 s2, s18  }
0x8e: {  	[smem:$0x3FC6] =	sst s2  }
0x8f: {  	_ = 	snop  }
0x90: {  	s2 =	sld [smem:$0x3FC9]  }
0x91: {  	s19 =	sld [smem:$0x3FC8]  }
0x92: {  	s4 =	sld [smem:$0x3FD0];
	(tm) =	ssettm $0x1  }
0x93: {  	s5 =	sld [smem:$0x3FFB];
	_ =	sdelay $0x3  }
0x94: {  	_ =	strace s5  }
0x95: {  	s5 =	sld [smem:$0x3FFC];
	_ =	sdelay $0x3  }
0x96: {  	_ =	strace s5  }
0x97: {  	s5 =	sld [smem:$0x3FFD];
	_ =	sdelay $0x3  }
0x98: {  	_ =	strace s5  }
0x99: {  	_ =	strace $0x8FFFFFFF  }
0x9a: {  	s20 =	sld [smem:$0x3FDB];
	_ =	sdelay $0x1  }
0x9b: {  	s6 =	simm.s32 $_scs_section_size  }
0x9c: {  	s7 =	simm.s32 $_size__tile_overlayer_lowered;
	s8 =	simm.s32 $_tile_overlayer_lowered  }
0x9d: {  	s23 =	simm.s32 $0x1BFF;
	s22 =	sshll.u32 s8, $0x1;
	s5 =	sadd.s32 s6, s20  }
0x9e: {  	s9 =	simm.s32 $0x0;
	s21 =	sshll.u32 s7, $0x1;
	s7 =	sadd.s32 s22, s5  }
0x9f: {  	[timem:s9], [sflag:s23] =	dma.local [hbm:s7], s21  }
0xa0: {  	_ =	swait.ge [sflag:s23], s21  }
0xa1: {  	s6 =	ssub.s32 $0x0, s21;
	[sflag:s23] =	ssyncset.done $0x0  }
0xa2: {  	[sflag:s23] =	ssyncadd.s32 s6;
	_ =	sdelay $0x1  }
0xa3: {  	s24 =	simm.s32 $0x1B8B  }
0xa4: {  	_ =	swait.ge [sflag:s24], $0x1  }
0xa5: {  	[sflag:s24] =	ssyncset.done $0x0  }
0xa6: {  	s25 =	simm.s32 $0x1B8E;
	[sflag:s24] =	ssyncadd.s32 $0xFFFFFFFF  }
0xa7: {  	s26 =	simm.s32 $execute0_lowered;
	[smem:$0x3FD2] =	sst s25  }
0xa8: {  	s6 =	sshll.u32 s26, $0x1;
	_ =	strace $0x80000046;
	[dreg:$0x1] =	wrdreg $0xFFFFFFFF  }
0xa9: {  	s28 =	simm.s32 $_size_execute0_lowered;
	s5 =	sadd.s32 s5, s6;
	[dreg:$0x0] =	wrdreg $0x0  }
0xaa: {  	s6 =	sshll.u32 s28, $0x1;
	[dreg:$0x2] =	wrdreg s5  }
0xab: {  	[dreg:$0x3] =	wrdreg s6  }
0xac: {  	[dreg:$0x4] =	wrdreg $0xC0  }
0xad: {  	_ =	task [dreg:s9], $0x5FFFF  }
0xae: {  	[dreg:$0x1] =	wrdreg $0xFFFFFFFF  }
0xaf: {  	[dreg:$0x0] =	wrdreg $0x60  }
0xb0: {  	[dreg:$0x2] =	wrdreg s2  }
0xb1: {  	[dreg:$0x3] =	wrdreg s19  }
0xb2: {  	[dreg:$0x4] =	wrdreg s4  }
0xb3: {  	[dreg:$0x5] =	wrdreg $0x9  }
0xb4: {  	_ =	task.clear_ibuf [dreg:s9], $0x6FFFF;
	_ =	strace $0x90000046  }
0xb5: {  	s29 =	simm.s32 $0x9;
	_ =	strace $0x80000048  }
0xb6: {  	_ =	swait.ge [sflag:s29], $0x1  }
0xb7: {  	[sflag:s29] =	ssyncadd.s32 $0xFFFFFFFF  }
0xb8: {  	_ =	strace $0x90000048  }
0xb9: {  	_ =	sfence  }
0xba: {  	s30 =	sld [smem:$0x0];
	_ =	sdelay $0x2  }
0xbb: {  	s31 =	sshll.u32 s1, $0xD;
	s1 =	sshrl.u32 s1, $0x2  }
0xbc: {  	s3 =	sand.u32 $0x4000, s31;
	s1 =	sadd.s32 s1, s30  }
0xbd: {  	s0 =	sor.u32 s3, s0;
	s1 =	sshll.u32 s1, $0x11  }
0xbe: {  	s0 =	sor.u32 s1, s0  }
0xbf: {  	s0 =	sadd.s32 $0x8F2B, s0  }
0xc0: {  	[sflag:s0] =	ssyncadd.remote.s32 $0x1  }
0xc1: {  	_ =	sfence.sel $0xFFFF  }
0xc2: {  	[dreg:$0x0] =	wrdreg $0xFFFFFFFF;
	(pc) =	sbr.abs _section_cstart, $3  }
0xc3: {  	[dreg:$0x1] =	wrdreg $0xFFFFFFFF  }
0xc4: {  	_ =	task.clear_ibuf [dreg:s9], $0x2FFFF;
	_ =	strace $0x9FFFFFFF  }
0xc5: {  	(tm) =	ssettm $0x7FFFFFFF  }
tec
execute0_lowered:
.L_overlay_start_1:
0x0: {  	(tag) =	ssettag $0x1  }
0x1: {  	s11 =	stileid.u32  }
0x2: {  	s0 =	rddreg [dreg:$0x0];
	s1 =	srdreg.scid  }
0x3: {  	s3 =	rddreg [dreg:$0x1];
	s2 =	sshll.u32 s11, $0x1;
	s1 =	sand.u32 $0x1, s1  }
0x4: {  	s5 =	sshrl.u32 s11, $0x1;
	s4 =	sand.u32 $0x2, s2;
	s2 =	rddreg [dreg:$0x2]  }
0x5: {  	s7 =	sshll.u32 s5, $0xB;
	s8 =	ssub.s32 $0x2, s1;
	s6 =	sor.u32 s1, s4  }
0x6: {  	s4 =	simm.s32 $0x0;
	s10 =	sshrl.u32 s8, $0x1;
	s9 =	sshll.u32 s6, $0x9  }
0x7: {  	s8 =	ssub.s32 s8, s10;
	[dreg:$0x4] =	wrdreg s9;
	s9 =	sor.u32 s7, s9  }
0x8: {  	[smem:$0x7FF] =	sst s4;
	s26 =	smax.u32 s8, $0x1;
	s9 =	sshll.u32 s9, $0x6  }
0x9: {  	_ =	strace $0x80000047;
	[dreg:$0x15] =	wrdreg s26;
	s9 =	sadd.s32 s0, s9  }
0xa: {  	s0 =	sadd.s32 $0x800, s9;
	[dreg:$0x5] =	wrdreg s9  }
0xb: {  	s10 =	sadd.s32 $0x1000, s9;
	[dreg:$0x6] =	wrdreg s0  }
0xc: {  	s12 =	sadd.s32 $0x1800, s9;
	[dreg:$0x7] =	wrdreg s10  }
0xd: {  	s28 =	simm.s32 $0xB;
	s13 =	sadd.s32 $0x2000, s9;
	[dreg:$0x8] =	wrdreg s12  }
0xe: {  	s30 =	simm.s32 $0x9800;
	s15 =	sadd.s32 $0x2800, s9;
	[dreg:$0x9] =	wrdreg s13  }
0xf: {  	s23 =	sand.u32 $0x1, s11;
	s16 =	sadd.s32 $0x3000, s9;
	[dreg:$0xb] =	wrdreg s15  }
0x10: {  	s11 =	simm.s32 $0x0;
	s17 =	sadd.s32 $0x3800, s9;
	[dreg:$0xc] =	wrdreg s16  }
0x11: {  	s14 =	sshll.u32 s5, $0x4;
	s18 =	sadd.s32 $0x4000, s9;
	[dreg:$0xd] =	wrdreg s17  }
0x12: {  	s5 =	simm.s32 $0x9;
	s19 =	sadd.s32 $0x4800, s9;
	[dreg:$0xe] =	wrdreg s18  }
0x13: {  	s1 =	sshll.u32 s1, $0xB;
	s20 =	sadd.s32 $0x5000, s9;
	[dreg:$0xf] =	wrdreg s19  }
0x14: {  	s6 =	sshll.u32 s6, $0x5;
	s21 =	sadd.s32 $0x5800, s9;
	[dreg:$0x10] =	wrdreg s20  }
0x15: {  	s8 =	simm.s32 $0x6;
	s22 =	sadd.s32 $0x6000, s9;
	[dreg:$0x11] =	wrdreg s21  }
0x16: {  	s24 =	sadd.s32 $0x6800, s9;
	s0 =	sadd.s32 s3, s14;
	[dreg:$0x12] =	wrdreg s22  }
0x17: {  	s25 =	sadd.s32 $0x7000, s9;
	[dreg:$0xa] =	wrdreg s0;
	s0 =	sshll.u32 s23, $0xC  }
0x18: {  	s31 =	sadd.s32 $0x7800, s9;
	[dreg:$0x13] =	wrdreg s24;
	s0 =	sor.u32 s1, s0  }
0x19: {  	s9 =	simm.s32 $0x4;
	[dreg:$0x14] =	wrdreg s25;
	s29 =	sshrl.u32 s0, $0x2  }
0x1a: {  	s12 =	sadd.s32 $0xFFFFFFFF, s7;
	s13 =	sadd.s32 $0x100, s2;
	[dreg:$0x16] =	wrdreg s31;
	v0 =	vmov s29  }
0x1b: {  	s16 =	simm.s32 $0x1800;
	s19 =	simm.s32 $0x5800;
	s20 =	simm.s32 $0x9800  }
0x1c: {  	v1 =	vimm.s32 $0x0;
	v5 =	vlaneseq.u32;
	s18 =	simm.s32 $0x11800;
	s24 =	simm.s32 $0x7;
	s14 =	simm.s32 $0x8  }
0x1d: {  	vm0 =	vmmov $0xffff;
	v2 =	vadd.s32 $0x1, v5;
	v4 =	vshrl.u32 v5, $0x3;
	s7 =	simm.s32 $0xA;
	s10 =	simm.s32 $0xC;
	s17 =	simm.s32 $0x1  }
0x1e: {  	v3 =	vand.u32 $0x7, v5;
	v5 =	vor.u32 $0x8, v5;
	v4 =	vmul.u32 $0x8, v4;
	s25 =	simm.s32 $0x2;
	s15 =	simm.s32 $0x3;
	s1 =	simm.s32 $0xD800  }
.LBB2_1:
0x1f: {  	s3 =	rddreg [dreg:$0x5]  }
0x20: {  	[tilespmem:s16], [sflag:$0x1] =	stream.linear.gather [hbm4b:s3+s4], $0x4000, $0x38;
	[tilespmem:$0x19800] =	vst v63  }
0x21: {  	s26 =	rddreg [dreg:$0x6]  }
0x22: {  	[tilespmem:s19], [sflag:$0x2] =	stream.linear.gather [hbm4b:s26+s4], $0x4000, $0x38;
	[tilespmem:$0x19800] =	vst v63  }
0x23: {  	s29 =	rddreg [dreg:$0x7]  }
0x24: {  	[tilespmem:s20], [sflag:$0x3] =	stream.linear.gather [hbm4b:s29+s4], $0x4000, $0x38;
	[tilespmem:$0x19800] =	vst v63  }
0x25: {  	s0 =	rddreg [dreg:$0x8]  }
0x26: {  	[tilespmem:s1], [sflag:$0x4] =	stream.linear.gather [hbm4b:s0+s4], $0x4000, $0x38;
	[tilespmem:$0x19800] =	vst v63  }
0x27: {  	s21 =	simm.s32 $0x400;
	s16 =	rddreg [dreg:$0x9]  }
0x28: {  	[tilespmem:s18], [sflag:$0x5] =	stream.linear.gather [hbm4b:s16+s4], $0x4000, $0x38;
	[tilespmem:$0x19800] =	vst v63  }
0x29: {  	s22 =	simm.s32 $0xD;
	s19 =	rddreg [dreg:$0xa];
	s20 =	simm.s32 $0x80  }
0x2a: {  	[tilespmem:s4], [sflag:$0xD] =	stream.strided.gather [hbm4b:s19+s20], $0x800, s21, s20, $0x38;
	[tilespmem:$0x19800] =	vst v63  }
0x2b: {  	_ =	swait.ge [sflag:s22], $0x800  }
0x2c: {  	[sflag:s22] =	ssyncset.done $0x0  }
0x2d: {  	[sflag:s22] =	ssyncadd.s32 $0xFFFFF800  }
0x2e: {  	v6 =	vld [tilespmem:s4+$0x0];
	_ =	sdelay $0x1  }
0x2f: {  	s23 =	simm.s32 $0x10  }
0x30: {  	s26 =	simm.s32 $0x20;
	v7 =	vld [tilespmem:s23+$0x0]  }
0x31: {  	v8 =	vld [tilespmem:s26+$0x0]  }
0x32: {  	vm1 =	vlt.u32 v6, $0x3  }
0x33: {  	v6 =	vsel vm1, $0x1, v1  }
0x34: {  	(xrf0) =	vadd.scan.msk.s32 $0xffff, v6  }
0x35: {  	vm1 =	vlt.u32 v7, $0x3  }
0x36: {  	v6 =	vsel vm1, $0x1, v1;
	vm1 =	vlt.u32 v8, $0x3  }
0x37: {  	(xrf0) =	vadd.scan.msk.s32 $0xffff, v6;
	v6 =	vsel vm1, $0x1, v1;
	_ =	sdelay $0x2  }
0x38: {  	(xrf0) =	vadd.scan.msk.s32 $0xffff, v6;
	v6, _, _ =	vpop (xrf0)  }
0x39: {  	(v2sf) =	vpush v6, $0xF;
	_ =	sdelay $0x3  }
0x3a: {  	v8, _, _ =	vpop (xrf0)  }
0x3b: {  	(v2sf) =	vpush v8, $0xF;
	v8, _, _ =	vpop (xrf0)  }
0x3c: {  	s29 =	simm.s32 $0x30;
	(v2sf) =	vpush v8, $0xF  }
0x3d: {  	v7 =	vld [tilespmem:s29+$0x0];
	_ =	sdelay $0x4  }
0x3e: {  	s31 =	simm.s32 $0x40;
	s3 =	simm.s32 $0x0;
	s18 =	simm.s32 $0x4;
	vm1 =	vlt.u32 v7, $0x3  }
0x3f: {  	s16 =	simm.s32 $0x5;
	s21 =	simm.s32 $0x1;
	s20 =	simm.s32 $0x2;
	v7 =	vsel vm1, $0x1, v1  }
0x40: {  	s19 =	simm.s32 $0x3;
	s22 =	simm.s32 $0x0;
	s23 =	simm.s32 $0x0;
	(xrf0) =	vadd.scan.msk.s32 $0xffff, v7;
	v6 =	vld [tilespmem:s31+$0x0]  }
.LBB2_2:
0x41: {  	p0 =	sne.s32 s16, $0x7F;
	p1 =	slt.u32 s23, s6;
	s26 =	spop (v2sf)  }
0x42: {  	s23 =	smov.u32 s21;
	s22 =	sadd.s32 s22, s26;
	s26 =	simm.s32 @!p1 $0x0  }
.Ltmp0:
0x43: {  	s21 =	smov.u32 s20;
	s3 =	sadd.s32 s3, s26;
	(pc) =	sbr.rel @p0 .LBB2_2-.Ltmp0, $4  }
0x44: {  	s20 =	smov.u32 s19;
	s19 =	smov.u32 s18;
	s18 =	smov.u32 s16  }
0x45: {  	vm1 =	vlt.u32 v6, $0x3  }
0x46: {  	s31 =	sadd.s32 $0x10, s31;
	v7 =	vsel vm1, $0x1, v1;
	v8, _, _ =	vpop (xrf0)  }
0x47: {  	s16 =	sadd.s32 $0x1, s16;
	v6 =	vld [tilespmem:s31+$0x0];
	(xrf0) =	vadd.scan.msk.s32 $0xffff, v7;
	(v2sf) =	vpush v8, $0xF  }
0x48: {  	_ =	sdelay $0x3  }
0x49: {  	vm1 =	vlt.u32 v6, $0x3  }
0x4a: {  	v6 =	vsel vm1, $0x1, v1  }
0x4b: {  	(xrf0) =	vadd.scan.msk.s32 $0xffff, v6;
	_ =	sdelay $0x3  }
0x4c: {  	v6, _, _ =	vpop (xrf0)  }
0x4d: {  	(v2sf) =	vpush v6, $0xF  }
0x4e: {  	v6, _, _ =	vpop (xrf0)  }
0x4f: {  	(v2sf) =	vpush v6, $0xF;
	_ =	sdelay $0x4  }
0x50: {  	s16 =	simm.s32 $0x0  }
0x51: {  	v6 =	vld.idx.msk [tilespmem:v0+s16+$0x0 ss:$0x1], $0xffff;
	_ =	sdelay $0x1  }
0x52: {  	p0 =	slt.u32 s23, s6;
	s16 =	spop (v2sf)  }
0x53: {  	s22 =	sadd.s32 s22, s16;
	s16 =	simm.s32 @!p0 $0x0  }
0x54: {  	s3 =	sadd.s32 s3, s16;
	s16 =	spop (v2sf)  }
0x55: {  	p0 =	slt.u32 s21, s6;
	s1 =	sadd.s32 s22, s16;
	s22 =	spop (v2sf);
	vm1 =	vlt.u32 v6, $0x3  }
0x56: {  	s16 =	simm.s32 @!p0 $0x0;
	p0 =	slt.u32 s20, s6;
	s23 =	sadd.s32 s1, s22;
	v6 =	vsel vm1, $0x1, v1  }
0x57: {  	s3 =	sadd.s32 s3, s16;
	s22 =	simm.s32 @!p0 $0x0;
	(xrf0) =	vadd.scan.msk.s32 $0xffff, v6;
	s16 =	spop (v2sf)  }
0x58: {  	p0 =	slt.u32 s19, s6;
	s3 =	sadd.s32 s3, s22;
	s26 =	sadd.s32 s23, s16  }
0x59: {  	s16 =	simm.s32 @!p0 $0x0;
	p0 =	slt.u32 s18, s6;
	s20 =	spop (v2sf)  }
0x5a: {  	s3 =	sadd.s32 s3, s16;
	s19 =	sadd.s32 s26, s20;
	s20 =	simm.s32 @!p0 $0x0  }
0x5b: {  	s29 =	rddreg [dreg:$0x4];
	s18 =	sadd.s32 s3, s20  }
0x5c: {  	s19 =	sadd.s32 s19, s12;
	s21 =	ssub.s32 s29, s18  }
0x5d: {  	v6, _, _ =	vpop (xrf0);
	s3 =	sadd.s32 s21, s19  }
0x5e: {  	(v2sf) =	vpush v6, $0xF;
	s31 =	sadd.s32 s18, s12;
	v7 =	vsub.s32 s3, v6  }
0x5f: {  	v8 =	vadd.s32 s31, v6;
	v7 =	vadd.s32 v2, v7  }
0x60: {  	s20 =	simm.s32 $0x800;
	v7 =	vsel vm1, v8, v7  }
0x61: {  	s16 =	simm.s32 $0x10;
	s3 =	simm.s32 $0x80;
	[tilespmem:s20+$0x0] =	vst v7  }
.LBB2_4:
0x62: {  	p0 =	sne.s32 s3, $0x7C0;
	v6 =	vld.idx.msk [tilespmem:v0+s16+$0x0 ss:$0x1], $0xffff;
	_ =	sdelay $0x5  }
0x63: {  	vm1 =	vlt.u32 v6, $0x3  }
0x64: {  	v6 =	vsel vm1, $0x1, v1  }
0x65: {  	(xrf0) =	vadd.scan.msk.s32 $0xffff, v6;
	_ =	sdelay $0x2  }
0x66: {  	s16 =	spop (v2sf)  }
0x67: {  	s18 =	sadd.s32 s18, s16;
	s16 =	ssub.s32 s21, s16  }
0x68: {  	s21 =	sadd.s32 $0x10, s16  }
.Ltmp1:
0x69: {  	s16 =	sadd.s32 s18, s12;
	s22 =	sadd.s32 s21, s19;
	v6, _, _ =	vpop (xrf0);
	(pc) =	sbr.rel @p0 .LBB2_4-.Ltmp1, $4  }
0x6a: {  	v7 =	vadd.s32 s16, v6;
	v8 =	vsub.s32 s22, v6;
	(v2sf) =	vpush v6, $0xF  }
0x6b: {  	v6 =	vadd.s32 v2, v8  }
0x6c: {  	s20 =	sadd.s32 $0x80, s20;
	v6 =	vsel vm1, v7, v6  }
0x6d: {  	s16 =	sshra.s32 s3, $0x2;
	s3 =	sadd.s32 $0x40, s3;
	[tilespmem:s20+$0x0] =	vst v6  }
0x6e: {  	_ =	sdelay $0x3  }
0x6f: {  	v6 =	vld.idx.msk [tilespmem:v0+s16+$0x0 ss:$0x1], $0xffff;
	_ =	sdelay $0x4  }
0x70: {  	vm1 =	vlt.u32 v6, $0x3  }
0x71: {  	v6 =	vsel vm1, $0x1, v1  }
0x72: {  	(xrf0) =	vadd.scan.msk.s32 $0xffff, v6;
	_ =	sdelay $0x5  }
0x73: {  	v6, _, _ =	vpop (xrf0)  }
0x74: {  	(v2sf) =	vpush v6, $0xF;
	_ =	sdelay $0x7  }
0x75: {  	s3 =	spop (v2sf)  }
0x76: {  	s1 =	ssub.s32 s21, s3  }
0x77: {  	s16 =	sadd.s32 $0x10, s1  }
0x78: {  	s3 =	sadd.s32 s18, s3;
	s16 =	sadd.s32 s16, s19  }
0x79: {  	s3 =	sadd.s32 s3, s12;
	v7 =	vsub.s32 s16, v6  }
0x7a: {  	v6 =	vadd.s32 s3, v6;
	v7 =	vadd.s32 v2, v7  }
0x7b: {  	s19 =	sadd.s32 $0x80, s20;
	v6 =	vsel vm1, v6, v7  }
0x7c: {  	[tilespmem:s19+$0x0] =	vst v6;
	s20 =	spop (v2sf)  }
0x7d: {  	_ =	swait.ge [sflag:s17], $0x4000  }
0x7e: {  	[sflag:s17] =	ssyncset.done $0x0  }
0x7f: {  	[sflag:s17] =	ssyncadd.s32 $0xFFFFC000  }
0x80: {  	v6 =	vld [tilespmem:$0x800];
	_ =	sdelay $0x4  }
0x81: {  	v7 =	vshll.u32 v6, $0x2  }
0x82: {  	v6 =	vand.u32 $0x7, v6;
	v7 =	vand.u32 $0xFFFFFFE0, v7  }
0x83: {  	v6 =	vor.u32 v6, v7  }
0x84: {  	v7 =	vperm.xlane v6, v3;
	_ =	sdelay $0x1  }
0x85: {  	v7 =	vadd.s32 v4, v7;
	_ =	sdelay $0x1  }
0x86: {  	v6 =	vperm.xlane v6, v5;
	_ =	sdelay $0x1  }
0x87: {  	s16 =	simm.s32 $0x1800;
	v6 =	vadd.s32 v4, v6  }
0x88: {  	[hbm4b:s2+s4] =	stream.indirect_vreg.scatter [tilespmem:s16], [sflag:$0x7], $0x80, v7, vm0, $0xb8;
	[tilespmem:$0x19800] =	vst v63  }
0x89: {  	s0 =	simm.s32 $0x2000  }
0x8a: {  	[hbm4b:s13+s4] =	stream.indirect_vreg.scatter [tilespmem:s0], [sflag:$0x7], $0x80, v7, vm0, $0xb8;
	[tilespmem:$0x19800] =	vst v63  }
0x8b: {  	s21 =	simm.s32 $0x2800  }
0x8c: {  	[hbm4b:s2+s4] =	stream.indirect_vreg.scatter [tilespmem:s21], [sflag:$0x7], $0x80, v6, vm0, $0xb8;
	[tilespmem:$0x19800] =	vst v63  }
0x8d: {  	s22 =	simm.s32 $0x3000  }
0x8e: {  	[hbm4b:s13+s4] =	stream.indirect_vreg.scatter [tilespmem:s22], [sflag:$0x7], $0x80, v6, vm0, $0xb8;
	[tilespmem:$0x19800] =	vst v63  }
0x8f: {  	v6 =	vld [tilespmem:$0x880];
	_ =	sdelay $0x4  }
0x90: {  	v7 =	vshll.u32 v6, $0x2  }
0x91: {  	v6 =	vand.u32 $0x7, v6;
	v7 =	vand.u32 $0xFFFFFFE0, v7  }
0x92: {  	v6 =	vor.u32 v6, v7  }
0x93: {  	v7 =	vperm.xlane v6, v3;
	_ =	sdelay $0x1  }
0x94: {  	v7 =	vadd.s32 v4, v7;
	_ =	sdelay $0x1  }
0x95: {  	v6 =	vperm.xlane v6, v5;
	_ =	sdelay $0x1  }
0x96: {  	s23 =	simm.s32 $0x3800;
	v6 =	vadd.s32 v4, v6  }
0x97: {  	[hbm4b:s2+s4] =	stream.indirect_vreg.scatter [tilespmem:s23], [sflag:$0x7], $0x80, v7, vm0, $0xb8;
	[tilespmem:$0x19800] =	vst v63  }
0x98: {  	s26 =	simm.s32 $0x4000  }
0x99: {  	[hbm4b:s13+s4] =	stream.indirect_vreg.scatter [tilespmem:s26], [sflag:$0x7], $0x80, v7, vm0, $0xb8;
	[tilespmem:$0x19800] =	vst v63  }
0x9a: {  	s29 =	simm.s32 $0x4800  }
0x9b: {  	[hbm4b:s2+s4] =	stream.indirect_vreg.scatter [tilespmem:s29], [sflag:$0x7], $0x80, v6, vm0, $0xb8;
	[tilespmem:$0x19800] =	vst v63  }
0x9c: {  	s31 =	simm.s32 $0x5000  }
0x9d: {  	[hbm4b:s13+s4] =	stream.indirect_vreg.scatter [tilespmem:s31], [sflag:$0x7], $0x80, v6, vm0, $0xb8;
	[tilespmem:$0x19800] =	vst v63  }
0x9e: {  	s19 =	simm.s32 $0x15800;
	s3 =	rddreg [dreg:$0xb]  }
0x9f: {  	[tilespmem:s19], [sflag:$0x6] =	stream.linear.gather [hbm4b:s3+s4], $0x4000, $0x38;
	[tilespmem:$0x19800] =	vst v63  }
0xa0: {  	_ =	swait.ge [sflag:s25], $0x4000  }
0xa1: {  	[sflag:s25] =	ssyncset.done $0x0  }
0xa2: {  	[sflag:s25] =	ssyncadd.s32 $0xFFFFC000  }
0xa3: {  	v6 =	vld [tilespmem:$0x900];
	_ =	sdelay $0x4  }
0xa4: {  	v7 =	vshll.u32 v6, $0x2  }
0xa5: {  	v6 =	vand.u32 $0x7, v6;
	v7 =	vand.u32 $0xFFFFFFE0, v7  }
0xa6: {  	v6 =	vor.u32 v6, v7  }
0xa7: {  	v7 =	vperm.xlane v6, v3;
	_ =	sdelay $0x1  }
0xa8: {  	v7 =	vadd.s32 v4, v7;
	_ =	sdelay $0x1  }
0xa9: {  	v6 =	vperm.xlane v6, v5;
	_ =	sdelay $0x1  }
0xaa: {  	s29 =	simm.s32 $0x5800;
	v6 =	vadd.s32 v4, v6  }
0xab: {  	[hbm4b:s2+s4] =	stream.indirect_vreg.scatter [tilespmem:s29], [sflag:$0x8], $0x80, v7, vm0, $0xb8;
	[tilespmem:$0x19800] =	vst v63  }
0xac: {  	s1 =	simm.s32 $0x6000  }
0xad: {  	[hbm4b:s13+s4] =	stream.indirect_vreg.scatter [tilespmem:s1], [sflag:$0x8], $0x80, v7, vm0, $0xb8;
	[tilespmem:$0x19800] =	vst v63  }
0xae: {  	s3 =	simm.s32 $0x6800  }
0xaf: {  	[hbm4b:s2+s4] =	stream.indirect_vreg.scatter [tilespmem:s3], [sflag:$0x8], $0x80, v6, vm0, $0xb8;
	[tilespmem:$0x19800] =	vst v63  }
0xb0: {  	s18 =	simm.s32 $0x7000  }
0xb1: {  	[hbm4b:s13+s4] =	stream.indirect_vreg.scatter [tilespmem:s18], [sflag:$0x8], $0x80, v6, vm0, $0xb8;
	[tilespmem:$0x19800] =	vst v63  }
0xb2: {  	v6 =	vld [tilespmem:$0x980];
	_ =	sdelay $0x4  }
0xb3: {  	v7 =	vshll.u32 v6, $0x2  }
0xb4: {  	v6 =	vand.u32 $0x7, v6;
	v7 =	vand.u32 $0xFFFFFFE0, v7  }
0xb5: {  	v6 =	vor.u32 v6, v7  }
0xb6: {  	v7 =	vperm.xlane v6, v3;
	_ =	sdelay $0x1  }
0xb7: {  	v7 =	vadd.s32 v4, v7;
	_ =	sdelay $0x1  }
0xb8: {  	v6 =	vperm.xlane v6, v5;
	_ =	sdelay $0x1  }
0xb9: {  	s20 =	simm.s32 $0x7800;
	v6 =	vadd.s32 v4, v6  }
0xba: {  	[hbm4b:s2+s4] =	stream.indirect_vreg.scatter [tilespmem:s20], [sflag:$0x8], $0x80, v7, vm0, $0xb8;
	[tilespmem:$0x19800] =	vst v63  }
0xbb: {  	s21 =	simm.s32 $0x8000  }
0xbc: {  	[hbm4b:s13+s4] =	stream.indirect_vreg.scatter [tilespmem:s21], [sflag:$0x8], $0x80, v7, vm0, $0xb8;
	[tilespmem:$0x19800] =	vst v63  }
0xbd: {  	s22 =	simm.s32 $0x8800  }
0xbe: {  	[hbm4b:s2+s4] =	stream.indirect_vreg.scatter [tilespmem:s22], [sflag:$0x8], $0x80, v6, vm0, $0xb8;
	[tilespmem:$0x19800] =	vst v63  }
0xbf: {  	s23 =	simm.s32 $0x9000  }
0xc0: {  	[hbm4b:s13+s4] =	stream.indirect_vreg.scatter [tilespmem:s23], [sflag:$0x8], $0x80, v6, vm0, $0xb8;
	[tilespmem:$0x19800] =	vst v63  }
0xc1: {  	_ =	swait.ge [sflag:s24], $0x2000  }
0xc2: {  	[sflag:s24] =	ssyncset.done $0x0  }
0xc3: {  	[sflag:s24] =	ssyncadd.s32 $0xFFFFE000  }
0xc4: {  	_ =	swait.ge [sflag:s24], $0x2000  }
0xc5: {  	[sflag:s24] =	ssyncset.done $0x0  }
0xc6: {  	s26 =	rddreg [dreg:$0xc];
	[sflag:s24] =	ssyncadd.s32 $0xFFFFE000  }
0xc7: {  	[tilespmem:s16], [sflag:$0x1] =	stream.linear.gather [hbm4b:s26+s4], $0x4000, $0x38;
	[tilespmem:$0x19800] =	vst v63  }
0xc8: {  	_ =	swait.ge [sflag:s15], $0x4000  }
0xc9: {  	[sflag:s15] =	ssyncset.done $0x0  }
0xca: {  	[sflag:s15] =	ssyncadd.s32 $0xFFFFC000  }
0xcb: {  	v6 =	vld [tilespmem:$0xA00];
	_ =	sdelay $0x4  }
0xcc: {  	v7 =	vshll.u32 v6, $0x2  }
0xcd: {  	v6 =	vand.u32 $0x7, v6;
	v7 =	vand.u32 $0xFFFFFFE0, v7  }
0xce: {  	v6 =	vor.u32 v6, v7  }
0xcf: {  	v7 =	vperm.xlane v6, v3;
	_ =	sdelay $0x1  }
0xd0: {  	v7 =	vadd.s32 v4, v7;
	_ =	sdelay $0x1  }
0xd1: {  	v6 =	vperm.xlane v6, v5;
	_ =	sdelay $0x1  }
0xd2: {  	v6 =	vadd.s32 v4, v6  }
0xd3: {  	[hbm4b:s2+s4] =	stream.indirect_vreg.scatter [tilespmem:s30], [sflag:$0x9], $0x80, v7, vm0, $0xb8;
	[tilespmem:$0x19800] =	vst v63  }
0xd4: {  	s31 =	simm.s32 $0xA000  }
0xd5: {  	[hbm4b:s13+s4] =	stream.indirect_vreg.scatter [tilespmem:s31], [sflag:$0x9], $0x80, v7, vm0, $0xb8;
	[tilespmem:$0x19800] =	vst v63  }
0xd6: {  	s1 =	simm.s32 $0xA800  }
0xd7: {  	[hbm4b:s2+s4] =	stream.indirect_vreg.scatter [tilespmem:s1], [sflag:$0x9], $0x80, v6, vm0, $0xb8;
	[tilespmem:$0x19800] =	vst v63  }
0xd8: {  	s3 =	simm.s32 $0xB000  }
0xd9: {  	[hbm4b:s13+s4] =	stream.indirect_vreg.scatter [tilespmem:s3], [sflag:$0x9], $0x80, v6, vm0, $0xb8;
	[tilespmem:$0x19800] =	vst v63  }
0xda: {  	v6 =	vld [tilespmem:$0xA80];
	_ =	sdelay $0x4  }
0xdb: {  	v7 =	vshll.u32 v6, $0x2  }
0xdc: {  	v6 =	vand.u32 $0x7, v6;
	v7 =	vand.u32 $0xFFFFFFE0, v7  }
0xdd: {  	v6 =	vor.u32 v6, v7  }
0xde: {  	v7 =	vperm.xlane v6, v3;
	_ =	sdelay $0x1  }
0xdf: {  	v7 =	vadd.s32 v4, v7;
	_ =	sdelay $0x1  }
0xe0: {  	v6 =	vperm.xlane v6, v5;
	_ =	sdelay $0x1  }
0xe1: {  	s18 =	simm.s32 $0xB800;
	v6 =	vadd.s32 v4, v6  }
0xe2: {  	[hbm4b:s2+s4] =	stream.indirect_vreg.scatter [tilespmem:s18], [sflag:$0x9], $0x80, v7, vm0, $0xb8;
	[tilespmem:$0x19800] =	vst v63  }
0xe3: {  	s20 =	simm.s32 $0xC000  }
0xe4: {  	[hbm4b:s13+s4] =	stream.indirect_vreg.scatter [tilespmem:s20], [sflag:$0x9], $0x80, v7, vm0, $0xb8;
	[tilespmem:$0x19800] =	vst v63  }
0xe5: {  	s21 =	simm.s32 $0xC800  }
0xe6: {  	[hbm4b:s2+s4] =	stream.indirect_vreg.scatter [tilespmem:s21], [sflag:$0x9], $0x80, v6, vm0, $0xb8;
	[tilespmem:$0x19800] =	vst v63  }
0xe7: {  	s22 =	simm.s32 $0xD000  }
0xe8: {  	[hbm4b:s13+s4] =	stream.indirect_vreg.scatter [tilespmem:s22], [sflag:$0x9], $0x80, v6, vm0, $0xb8;
	[tilespmem:$0x19800] =	vst v63  }
0xe9: {  	_ =	swait.ge [sflag:s14], $0x2000  }
0xea: {  	[sflag:s14] =	ssyncset.done $0x0  }
0xeb: {  	[sflag:s14] =	ssyncadd.s32 $0xFFFFE000  }
0xec: {  	_ =	swait.ge [sflag:s14], $0x2000  }
0xed: {  	[sflag:s14] =	ssyncset.done $0x0  }
0xee: {  	s23 =	rddreg [dreg:$0xd];
	[sflag:s14] =	ssyncadd.s32 $0xFFFFE000  }
0xef: {  	[tilespmem:s29], [sflag:$0x2] =	stream.linear.gather [hbm4b:s23+s4], $0x4000, $0x38;
	[tilespmem:$0x19800] =	vst v63  }
0xf0: {  	_ =	swait.ge [sflag:s9], $0x4000  }
0xf1: {  	[sflag:s9] =	ssyncset.done $0x0  }
0xf2: {  	[sflag:s9] =	ssyncadd.s32 $0xFFFFC000  }
0xf3: {  	v6 =	vld [tilespmem:$0xB00];
	_ =	sdelay $0x4  }
0xf4: {  	v7 =	vshll.u32 v6, $0x2  }
0xf5: {  	v6 =	vand.u32 $0x7, v6;
	v7 =	vand.u32 $0xFFFFFFE0, v7  }
0xf6: {  	v6 =	vor.u32 v6, v7  }
0xf7: {  	v7 =	vperm.xlane v6, v3;
	_ =	sdelay $0x1  }
0xf8: {  	v7 =	vadd.s32 v4, v7;
	_ =	sdelay $0x1  }
0xf9: {  	v6 =	vperm.xlane v6, v5;
	_ =	sdelay $0x1  }
0xfa: {  	s1 =	simm.s32 $0xD800;
	v6 =	vadd.s32 v4, v6  }
0xfb: {  	[hbm4b:s2+s4] =	stream.indirect_vreg.scatter [tilespmem:s1], [sflag:$0xA], $0x80, v7, vm0, $0xb8;
	[tilespmem:$0x19800] =	vst v63  }
0xfc: {  	s26 =	simm.s32 $0xE000  }
0xfd: {  	[hbm4b:s13+s4] =	stream.indirect_vreg.scatter [tilespmem:s26], [sflag:$0xA], $0x80, v7, vm0, $0xb8;
	[tilespmem:$0x19800] =	vst v63  }
0xfe: {  	s31 =	simm.s32 $0xE800  }
0xff: {  	[hbm4b:s2+s4] =	stream.indirect_vreg.scatter [tilespmem:s31], [sflag:$0xA], $0x80, v6, vm0, $0xb8;
	[tilespmem:$0x19800] =	vst v63  }
0x100: {  	s3 =	simm.s32 $0xF000  }
0x101: {  	[hbm4b:s13+s4] =	stream.indirect_vreg.scatter [tilespmem:s3], [sflag:$0xA], $0x80, v6, vm0, $0xb8;
	[tilespmem:$0x19800] =	vst v63  }
0x102: {  	v6 =	vld [tilespmem:$0xB80];
	_ =	sdelay $0x4  }
0x103: {  	v7 =	vshll.u32 v6, $0x2  }
0x104: {  	v6 =	vand.u32 $0x7, v6;
	v7 =	vand.u32 $0xFFFFFFE0, v7  }
0x105: {  	v6 =	vor.u32 v6, v7  }
0x106: {  	v7 =	vperm.xlane v6, v3;
	_ =	sdelay $0x1  }
0x107: {  	v7 =	vadd.s32 v4, v7;
	_ =	sdelay $0x1  }
0x108: {  	v6 =	vperm.xlane v6, v5;
	_ =	sdelay $0x1  }
0x109: {  	s18 =	simm.s32 $0xF800;
	v6 =	vadd.s32 v4, v6  }
0x10a: {  	[hbm4b:s2+s4] =	stream.indirect_vreg.scatter [tilespmem:s18], [sflag:$0xA], $0x80, v7, vm0, $0xb8;
	[tilespmem:$0x19800] =	vst v63  }
0x10b: {  	s20 =	simm.s32 $0x10000  }
0x10c: {  	[hbm4b:s13+s4] =	stream.indirect_vreg.scatter [tilespmem:s20], [sflag:$0xA], $0x80, v7, vm0, $0xb8;
	[tilespmem:$0x19800] =	vst v63  }
0x10d: {  	s21 =	simm.s32 $0x10800  }
0x10e: {  	[hbm4b:s2+s4] =	stream.indirect_vreg.scatter [tilespmem:s21], [sflag:$0xA], $0x80, v6, vm0, $0xb8;
	[tilespmem:$0x19800] =	vst v63  }
0x10f: {  	s22 =	simm.s32 $0x11000  }
0x110: {  	[hbm4b:s13+s4] =	stream.indirect_vreg.scatter [tilespmem:s22], [sflag:$0xA], $0x80, v6, vm0, $0xb8;
	[tilespmem:$0x19800] =	vst v63  }
0x111: {  	_ =	swait.ge [sflag:s5], $0x2000  }
0x112: {  	[sflag:s5] =	ssyncset.done $0x0  }
0x113: {  	[sflag:s5] =	ssyncadd.s32 $0xFFFFE000  }
0x114: {  	_ =	swait.ge [sflag:s5], $0x2000  }
0x115: {  	[sflag:s5] =	ssyncset.done $0x0  }
0x116: {  	s0 =	simm.s32 $0x5;
	s23 =	rddreg [dreg:$0xe];
	[sflag:s5] =	ssyncadd.s32 $0xFFFFE000  }
0x117: {  	[tilespmem:s30], [sflag:$0x3] =	stream.linear.gather [hbm4b:s23+s4], $0x4000, $0x38;
	[tilespmem:$0x19800] =	vst v63  }
0x118: {  	_ =	swait.ge [sflag:s0], $0x4000  }
0x119: {  	[sflag:s0] =	ssyncset.done $0x0  }
0x11a: {  	[sflag:s0] =	ssyncadd.s32 $0xFFFFC000  }
0x11b: {  	v6 =	vld [tilespmem:$0xC00];
	_ =	sdelay $0x4  }
0x11c: {  	v7 =	vshll.u32 v6, $0x2  }
0x11d: {  	v6 =	vand.u32 $0x7, v6;
	v7 =	vand.u32 $0xFFFFFFE0, v7  }
0x11e: {  	v6 =	vor.u32 v6, v7  }
0x11f: {  	v7 =	vperm.xlane v6, v3;
	_ =	sdelay $0x1  }
0x120: {  	v7 =	vadd.s32 v4, v7;
	_ =	sdelay $0x1  }
0x121: {  	v6 =	vperm.xlane v6, v5;
	_ =	sdelay $0x1  }
0x122: {  	s18 =	simm.s32 $0x11800;
	v6 =	vadd.s32 v4, v6  }
0x123: {  	[hbm4b:s2+s4] =	stream.indirect_vreg.scatter [tilespmem:s18], [sflag:$0xB], $0x80, v7, vm0, $0xb8;
	[tilespmem:$0x19800] =	vst v63  }
0x124: {  	s26 =	simm.s32 $0x12000  }
0x125: {  	[hbm4b:s13+s4] =	stream.indirect_vreg.scatter [tilespmem:s26], [sflag:$0xB], $0x80, v7, vm0, $0xb8;
	[tilespmem:$0x19800] =	vst v63  }
0x126: {  	s20 =	simm.s32 $0x12800  }
0x127: {  	[hbm4b:s2+s4] =	stream.indirect_vreg.scatter [tilespmem:s20], [sflag:$0xB], $0x80, v6, vm0, $0xb8;
	[tilespmem:$0x19800] =	vst v63  }
0x128: {  	s21 =	simm.s32 $0x13000  }
0x129: {  	[hbm4b:s13+s4] =	stream.indirect_vreg.scatter [tilespmem:s21], [sflag:$0xB], $0x80, v6, vm0, $0xb8;
	[tilespmem:$0x19800] =	vst v63  }
0x12a: {  	v6 =	vld [tilespmem:$0xC80];
	_ =	sdelay $0x4  }
0x12b: {  	v7 =	vshll.u32 v6, $0x2  }
0x12c: {  	v6 =	vand.u32 $0x7, v6;
	v7 =	vand.u32 $0xFFFFFFE0, v7  }
0x12d: {  	v6 =	vor.u32 v6, v7  }
0x12e: {  	v7 =	vperm.xlane v6, v3;
	_ =	sdelay $0x1  }
0x12f: {  	v7 =	vadd.s32 v4, v7;
	_ =	sdelay $0x1  }
0x130: {  	v6 =	vperm.xlane v6, v5;
	_ =	sdelay $0x1  }
0x131: {  	s22 =	simm.s32 $0x13800;
	v6 =	vadd.s32 v4, v6  }
0x132: {  	[hbm4b:s2+s4] =	stream.indirect_vreg.scatter [tilespmem:s22], [sflag:$0xB], $0x80, v7, vm0, $0xb8;
	[tilespmem:$0x19800] =	vst v63  }
0x133: {  	s23 =	simm.s32 $0x14000  }
0x134: {  	[hbm4b:s13+s4] =	stream.indirect_vreg.scatter [tilespmem:s23], [sflag:$0xB], $0x80, v7, vm0, $0xb8;
	[tilespmem:$0x19800] =	vst v63  }
0x135: {  	s26 =	simm.s32 $0x14800  }
0x136: {  	[hbm4b:s2+s4] =	stream.indirect_vreg.scatter [tilespmem:s26], [sflag:$0xB], $0x80, v6, vm0, $0xb8;
	[tilespmem:$0x19800] =	vst v63  }
0x137: {  	s31 =	simm.s32 $0x15000  }
0x138: {  	[hbm4b:s13+s4] =	stream.indirect_vreg.scatter [tilespmem:s31], [sflag:$0xB], $0x80, v6, vm0, $0xb8;
	[tilespmem:$0x19800] =	vst v63  }
0x139: {  	_ =	swait.ge [sflag:s7], $0x2000  }
0x13a: {  	[sflag:s7] =	ssyncset.done $0x0  }
0x13b: {  	[sflag:s7] =	ssyncadd.s32 $0xFFFFE000  }
0x13c: {  	_ =	swait.ge [sflag:s7], $0x2000  }
0x13d: {  	[sflag:s7] =	ssyncset.done $0x0  }
0x13e: {  	s3 =	rddreg [dreg:$0xf];
	[sflag:s7] =	ssyncadd.s32 $0xFFFFE000  }
0x13f: {  	[tilespmem:s1], [sflag:$0x4] =	stream.linear.gather [hbm4b:s3+s4], $0x4000, $0x38;
	[tilespmem:$0x19800] =	vst v63  }
0x140: {  	_ =	swait.ge [sflag:s8], $0x4000  }
0x141: {  	[sflag:s8] =	ssyncset.done $0x0  }
0x142: {  	[sflag:s8] =	ssyncadd.s32 $0xFFFFC000  }
0x143: {  	v6 =	vld [tilespmem:$0xD00];
	_ =	sdelay $0x4  }
0x144: {  	v7 =	vshll.u32 v6, $0x2  }
0x145: {  	v6 =	vand.u32 $0x7, v6;
	v7 =	vand.u32 $0xFFFFFFE0, v7  }
0x146: {  	v6 =	vor.u32 v6, v7  }
0x147: {  	v7 =	vperm.xlane v6, v3;
	_ =	sdelay $0x1  }
0x148: {  	v7 =	vadd.s32 v4, v7;
	_ =	sdelay $0x1  }
0x149: {  	v6 =	vperm.xlane v6, v5;
	_ =	sdelay $0x1  }
0x14a: {  	v6 =	vadd.s32 v4, v6  }
0x14b: {  	[hbm4b:s2+s4] =	stream.indirect_vreg.scatter [tilespmem:s19], [sflag:$0xC], $0x80, v7, vm0, $0xb8;
	[tilespmem:$0x19800] =	vst v63  }
0x14c: {  	s3 =	simm.s32 $0x16000  }
0x14d: {  	[hbm4b:s13+s4] =	stream.indirect_vreg.scatter [tilespmem:s3], [sflag:$0xC], $0x80, v7, vm0, $0xb8;
	[tilespmem:$0x19800] =	vst v63  }
0x14e: {  	s3 =	simm.s32 $0x16800  }
0x14f: {  	[hbm4b:s2+s4] =	stream.indirect_vreg.scatter [tilespmem:s3], [sflag:$0xC], $0x80, v6, vm0, $0xb8;
	[tilespmem:$0x19800] =	vst v63  }
0x150: {  	s3 =	simm.s32 $0x17000  }
0x151: {  	[hbm4b:s13+s4] =	stream.indirect_vreg.scatter [tilespmem:s3], [sflag:$0xC], $0x80, v6, vm0, $0xb8;
	[tilespmem:$0x19800] =	vst v63  }
0x152: {  	v6 =	vld [tilespmem:$0xD80];
	_ =	sdelay $0x4  }
0x153: {  	v7 =	vshll.u32 v6, $0x2  }
0x154: {  	v6 =	vand.u32 $0x7, v6;
	v7 =	vand.u32 $0xFFFFFFE0, v7  }
0x155: {  	v6 =	vor.u32 v6, v7  }
0x156: {  	v7 =	vperm.xlane v6, v3;
	_ =	sdelay $0x1  }
0x157: {  	v7 =	vadd.s32 v4, v7;
	_ =	sdelay $0x1  }
0x158: {  	v6 =	vperm.xlane v6, v5;
	_ =	sdelay $0x1  }
0x159: {  	s3 =	simm.s32 $0x17800;
	v6 =	vadd.s32 v4, v6  }
0x15a: {  	[hbm4b:s2+s4] =	stream.indirect_vreg.scatter [tilespmem:s3], [sflag:$0xC], $0x80, v7, vm0, $0xb8;
	[tilespmem:$0x19800] =	vst v63  }
0x15b: {  	s3 =	simm.s32 $0x18000  }
0x15c: {  	[hbm4b:s13+s4] =	stream.indirect_vreg.scatter [tilespmem:s3], [sflag:$0xC], $0x80, v7, vm0, $0xb8;
	[tilespmem:$0x19800] =	vst v63  }
0x15d: {  	s3 =	simm.s32 $0x18800  }
0x15e: {  	[hbm4b:s2+s4] =	stream.indirect_vreg.scatter [tilespmem:s3], [sflag:$0xC], $0x80, v6, vm0, $0xb8;
	[tilespmem:$0x19800] =	vst v63  }
0x15f: {  	s3 =	simm.s32 $0x19000  }
0x160: {  	[hbm4b:s13+s4] =	stream.indirect_vreg.scatter [tilespmem:s3], [sflag:$0xC], $0x80, v6, vm0, $0xb8;
	[tilespmem:$0x19800] =	vst v63  }
0x161: {  	_ =	swait.ge [sflag:s28], $0x2000  }
0x162: {  	[sflag:s28] =	ssyncset.done $0x0  }
0x163: {  	[sflag:s28] =	ssyncadd.s32 $0xFFFFE000  }
0x164: {  	_ =	swait.ge [sflag:s28], $0x2000  }
0x165: {  	[sflag:s28] =	ssyncset.done $0x0  }
0x166: {  	s3 =	rddreg [dreg:$0x10];
	[sflag:s28] =	ssyncadd.s32 $0xFFFFE000  }
0x167: {  	[tilespmem:s18], [sflag:$0x5] =	stream.linear.gather [hbm4b:s3+s4], $0x4000, $0x38;
	[tilespmem:$0x19800] =	vst v63  }
0x168: {  	_ =	swait.ge [sflag:s17], $0x4000  }
0x169: {  	[sflag:s17] =	ssyncset.done $0x0  }
0x16a: {  	[sflag:s17] =	ssyncadd.s32 $0xFFFFC000  }
0x16b: {  	v6 =	vld [tilespmem:$0xE00];
	_ =	sdelay $0x4  }
0x16c: {  	v7 =	vshll.u32 v6, $0x2  }
0x16d: {  	v6 =	vand.u32 $0x7, v6;
	v7 =	vand.u32 $0xFFFFFFE0, v7  }
0x16e: {  	v6 =	vor.u32 v6, v7  }
0x16f: {  	v7 =	vperm.xlane v6, v3;
	_ =	sdelay $0x1  }
0x170: {  	v7 =	vadd.s32 v4, v7;
	_ =	sdelay $0x1  }
0x171: {  	v6 =	vperm.xlane v6, v5;
	_ =	sdelay $0x1  }
0x172: {  	v6 =	vadd.s32 v4, v6  }
0x173: {  	[hbm4b:s2+s4] =	stream.indirect_vreg.scatter [tilespmem:s16], [sflag:$0x7], $0x80, v7, vm0, $0xb8;
	[tilespmem:$0x19800] =	vst v63  }
0x174: {  	s3 =	simm.s32 $0x2000  }
0x175: {  	[hbm4b:s13+s4] =	stream.indirect_vreg.scatter [tilespmem:s3], [sflag:$0x7], $0x80, v7, vm0, $0xb8;
	[tilespmem:$0x19800] =	vst v63  }
0x176: {  	s3 =	simm.s32 $0x2800  }
0x177: {  	[hbm4b:s2+s4] =	stream.indirect_vreg.scatter [tilespmem:s3], [sflag:$0x7], $0x80, v6, vm0, $0xb8;
	[tilespmem:$0x19800] =	vst v63  }
0x178: {  	s3 =	simm.s32 $0x3000  }
0x179: {  	[hbm4b:s13+s4] =	stream.indirect_vreg.scatter [tilespmem:s3], [sflag:$0x7], $0x80, v6, vm0, $0xb8;
	[tilespmem:$0x19800] =	vst v63  }
0x17a: {  	v6 =	vld [tilespmem:$0xE80];
	_ =	sdelay $0x4  }
0x17b: {  	v7 =	vshll.u32 v6, $0x2  }
0x17c: {  	v6 =	vand.u32 $0x7, v6;
	v7 =	vand.u32 $0xFFFFFFE0, v7  }
0x17d: {  	v6 =	vor.u32 v6, v7  }
0x17e: {  	v7 =	vperm.xlane v6, v3;
	_ =	sdelay $0x1  }
0x17f: {  	v7 =	vadd.s32 v4, v7;
	_ =	sdelay $0x1  }
0x180: {  	v6 =	vperm.xlane v6, v5;
	_ =	sdelay $0x1  }
0x181: {  	s3 =	simm.s32 $0x3800;
	v6 =	vadd.s32 v4, v6  }
0x182: {  	[hbm4b:s2+s4] =	stream.indirect_vreg.scatter [tilespmem:s3], [sflag:$0x7], $0x80, v7, vm0, $0xb8;
	[tilespmem:$0x19800] =	vst v63  }
0x183: {  	s3 =	simm.s32 $0x4000  }
0x184: {  	[hbm4b:s13+s4] =	stream.indirect_vreg.scatter [tilespmem:s3], [sflag:$0x7], $0x80, v7, vm0, $0xb8;
	[tilespmem:$0x19800] =	vst v63  }
0x185: {  	s3 =	simm.s32 $0x4800  }
0x186: {  	[hbm4b:s2+s4] =	stream.indirect_vreg.scatter [tilespmem:s3], [sflag:$0x7], $0x80, v6, vm0, $0xb8;
	[tilespmem:$0x19800] =	vst v63  }
0x187: {  	s3 =	simm.s32 $0x5000  }
0x188: {  	[hbm4b:s13+s4] =	stream.indirect_vreg.scatter [tilespmem:s3], [sflag:$0x7], $0x80, v6, vm0, $0xb8;
	[tilespmem:$0x19800] =	vst v63  }
0x189: {  	_ =	swait.ge [sflag:s10], $0x2000  }
0x18a: {  	[sflag:s10] =	ssyncset.done $0x0  }
0x18b: {  	[sflag:s10] =	ssyncadd.s32 $0xFFFFE000  }
0x18c: {  	_ =	swait.ge [sflag:s10], $0x2000  }
0x18d: {  	[sflag:s10] =	ssyncset.done $0x0  }
0x18e: {  	s3 =	rddreg [dreg:$0x11];
	[sflag:s10] =	ssyncadd.s32 $0xFFFFE000  }
0x18f: {  	[tilespmem:s19], [sflag:$0x6] =	stream.linear.gather [hbm4b:s3+s4], $0x4000, $0x38;
	[tilespmem:$0x19800] =	vst v63  }
0x190: {  	_ =	swait.ge [sflag:s25], $0x4000  }
0x191: {  	[sflag:s25] =	ssyncset.done $0x0  }
0x192: {  	[sflag:s25] =	ssyncadd.s32 $0xFFFFC000  }
0x193: {  	v6 =	vld [tilespmem:$0xF00];
	_ =	sdelay $0x4  }
0x194: {  	v7 =	vshll.u32 v6, $0x2  }
0x195: {  	v6 =	vand.u32 $0x7, v6;
	v7 =	vand.u32 $0xFFFFFFE0, v7  }
0x196: {  	v6 =	vor.u32 v6, v7  }
0x197: {  	v7 =	vperm.xlane v6, v3;
	_ =	sdelay $0x1  }
0x198: {  	v7 =	vadd.s32 v4, v7;
	_ =	sdelay $0x1  }
0x199: {  	v6 =	vperm.xlane v6, v5;
	_ =	sdelay $0x1  }
0x19a: {  	v6 =	vadd.s32 v4, v6  }
0x19b: {  	[hbm4b:s2+s4] =	stream.indirect_vreg.scatter [tilespmem:s29], [sflag:$0x8], $0x80, v7, vm0, $0xb8;
	[tilespmem:$0x19800] =	vst v63  }
0x19c: {  	s3 =	simm.s32 $0x6000  }
0x19d: {  	[hbm4b:s13+s4] =	stream.indirect_vreg.scatter [tilespmem:s3], [sflag:$0x8], $0x80, v7, vm0, $0xb8;
	[tilespmem:$0x19800] =	vst v63  }
0x19e: {  	s3 =	simm.s32 $0x6800  }
0x19f: {  	[hbm4b:s2+s4] =	stream.indirect_vreg.scatter [tilespmem:s3], [sflag:$0x8], $0x80, v6, vm0, $0xb8;
	[tilespmem:$0x19800] =	vst v63  }
0x1a0: {  	s3 =	simm.s32 $0x7000  }
0x1a1: {  	[hbm4b:s13+s4] =	stream.indirect_vreg.scatter [tilespmem:s3], [sflag:$0x8], $0x80, v6, vm0, $0xb8;
	[tilespmem:$0x19800] =	vst v63  }
0x1a2: {  	v6 =	vld [tilespmem:$0xF80];
	_ =	sdelay $0x4  }
0x1a3: {  	v7 =	vshll.u32 v6, $0x2  }
0x1a4: {  	v6 =	vand.u32 $0x7, v6;
	v7 =	vand.u32 $0xFFFFFFE0, v7  }
0x1a5: {  	v6 =	vor.u32 v6, v7  }
0x1a6: {  	v7 =	vperm.xlane v6, v3;
	_ =	sdelay $0x1  }
0x1a7: {  	v7 =	vadd.s32 v4, v7;
	_ =	sdelay $0x1  }
0x1a8: {  	v6 =	vperm.xlane v6, v5;
	_ =	sdelay $0x1  }
0x1a9: {  	s3 =	simm.s32 $0x7800;
	v6 =	vadd.s32 v4, v6  }
0x1aa: {  	[hbm4b:s2+s4] =	stream.indirect_vreg.scatter [tilespmem:s3], [sflag:$0x8], $0x80, v7, vm0, $0xb8;
	[tilespmem:$0x19800] =	vst v63  }
0x1ab: {  	s3 =	simm.s32 $0x8000  }
0x1ac: {  	[hbm4b:s13+s4] =	stream.indirect_vreg.scatter [tilespmem:s3], [sflag:$0x8], $0x80, v7, vm0, $0xb8;
	[tilespmem:$0x19800] =	vst v63  }
0x1ad: {  	s3 =	simm.s32 $0x8800  }
0x1ae: {  	[hbm4b:s2+s4] =	stream.indirect_vreg.scatter [tilespmem:s3], [sflag:$0x8], $0x80, v6, vm0, $0xb8;
	[tilespmem:$0x19800] =	vst v63  }
0x1af: {  	s3 =	simm.s32 $0x9000  }
0x1b0: {  	[hbm4b:s13+s4] =	stream.indirect_vreg.scatter [tilespmem:s3], [sflag:$0x8], $0x80, v6, vm0, $0xb8;
	[tilespmem:$0x19800] =	vst v63  }
0x1b1: {  	_ =	swait.ge [sflag:s24], $0x2000  }
0x1b2: {  	[sflag:s24] =	ssyncset.done $0x0  }
0x1b3: {  	[sflag:s24] =	ssyncadd.s32 $0xFFFFE000  }
0x1b4: {  	_ =	swait.ge [sflag:s24], $0x2000  }
0x1b5: {  	[sflag:s24] =	ssyncset.done $0x0  }
0x1b6: {  	s3 =	rddreg [dreg:$0x12];
	[sflag:s24] =	ssyncadd.s32 $0xFFFFE000  }
0x1b7: {  	[tilespmem:s16], [sflag:$0x1] =	stream.linear.gather [hbm4b:s3+s4], $0x4000, $0x38;
	[tilespmem:$0x19800] =	vst v63  }
0x1b8: {  	_ =	swait.ge [sflag:s15], $0x4000  }
0x1b9: {  	[sflag:s15] =	ssyncset.done $0x0  }
0x1ba: {  	[sflag:s15] =	ssyncadd.s32 $0xFFFFC000  }
0x1bb: {  	v6 =	vld [tilespmem:$0x1000];
	_ =	sdelay $0x4  }
0x1bc: {  	v7 =	vshll.u32 v6, $0x2  }
0x1bd: {  	v6 =	vand.u32 $0x7, v6;
	v7 =	vand.u32 $0xFFFFFFE0, v7  }
0x1be: {  	v6 =	vor.u32 v6, v7  }
0x1bf: {  	v7 =	vperm.xlane v6, v3;
	_ =	sdelay $0x1  }
0x1c0: {  	v7 =	vadd.s32 v4, v7;
	_ =	sdelay $0x1  }
0x1c1: {  	v6 =	vperm.xlane v6, v5;
	_ =	sdelay $0x1  }
0x1c2: {  	v6 =	vadd.s32 v4, v6  }
0x1c3: {  	[hbm4b:s2+s4] =	stream.indirect_vreg.scatter [tilespmem:s30], [sflag:$0x9], $0x80, v7, vm0, $0xb8;
	[tilespmem:$0x19800] =	vst v63  }
0x1c4: {  	s3 =	simm.s32 $0xA000  }
0x1c5: {  	[hbm4b:s13+s4] =	stream.indirect_vreg.scatter [tilespmem:s3], [sflag:$0x9], $0x80, v7, vm0, $0xb8;
	[tilespmem:$0x19800] =	vst v63  }
0x1c6: {  	s3 =	simm.s32 $0xA800  }
0x1c7: {  	[hbm4b:s2+s4] =	stream.indirect_vreg.scatter [tilespmem:s3], [sflag:$0x9], $0x80, v6, vm0, $0xb8;
	[tilespmem:$0x19800] =	vst v63  }
0x1c8: {  	s3 =	simm.s32 $0xB000  }
0x1c9: {  	[hbm4b:s13+s4] =	stream.indirect_vreg.scatter [tilespmem:s3], [sflag:$0x9], $0x80, v6, vm0, $0xb8;
	[tilespmem:$0x19800] =	vst v63  }
0x1ca: {  	v6 =	vld [tilespmem:$0x1080];
	_ =	sdelay $0x4  }
0x1cb: {  	v7 =	vshll.u32 v6, $0x2  }
0x1cc: {  	v6 =	vand.u32 $0x7, v6;
	v7 =	vand.u32 $0xFFFFFFE0, v7  }
0x1cd: {  	v6 =	vor.u32 v6, v7  }
0x1ce: {  	v7 =	vperm.xlane v6, v3;
	_ =	sdelay $0x1  }
0x1cf: {  	v7 =	vadd.s32 v4, v7;
	_ =	sdelay $0x1  }
0x1d0: {  	v6 =	vperm.xlane v6, v5;
	_ =	sdelay $0x1  }
0x1d1: {  	s3 =	simm.s32 $0xB800;
	v6 =	vadd.s32 v4, v6  }
0x1d2: {  	[hbm4b:s2+s4] =	stream.indirect_vreg.scatter [tilespmem:s3], [sflag:$0x9], $0x80, v7, vm0, $0xb8;
	[tilespmem:$0x19800] =	vst v63  }
0x1d3: {  	s3 =	simm.s32 $0xC000  }
0x1d4: {  	[hbm4b:s13+s4] =	stream.indirect_vreg.scatter [tilespmem:s3], [sflag:$0x9], $0x80, v7, vm0, $0xb8;
	[tilespmem:$0x19800] =	vst v63  }
0x1d5: {  	s3 =	simm.s32 $0xC800  }
0x1d6: {  	[hbm4b:s2+s4] =	stream.indirect_vreg.scatter [tilespmem:s3], [sflag:$0x9], $0x80, v6, vm0, $0xb8;
	[tilespmem:$0x19800] =	vst v63  }
0x1d7: {  	s3 =	simm.s32 $0xD000  }
0x1d8: {  	[hbm4b:s13+s4] =	stream.indirect_vreg.scatter [tilespmem:s3], [sflag:$0x9], $0x80, v6, vm0, $0xb8;
	[tilespmem:$0x19800] =	vst v63  }
0x1d9: {  	_ =	swait.ge [sflag:s14], $0x2000  }
0x1da: {  	[sflag:s14] =	ssyncset.done $0x0  }
0x1db: {  	[sflag:s14] =	ssyncadd.s32 $0xFFFFE000  }
0x1dc: {  	_ =	swait.ge [sflag:s14], $0x2000  }
0x1dd: {  	[sflag:s14] =	ssyncset.done $0x0  }
0x1de: {  	s3 =	rddreg [dreg:$0x13];
	[sflag:s14] =	ssyncadd.s32 $0xFFFFE000  }
0x1df: {  	[tilespmem:s29], [sflag:$0x2] =	stream.linear.gather [hbm4b:s3+s4], $0x4000, $0x38;
	[tilespmem:$0x19800] =	vst v63  }
0x1e0: {  	_ =	swait.ge [sflag:s9], $0x4000  }
0x1e1: {  	[sflag:s9] =	ssyncset.done $0x0  }
0x1e2: {  	[sflag:s9] =	ssyncadd.s32 $0xFFFFC000  }
0x1e3: {  	v6 =	vld [tilespmem:$0x1100];
	_ =	sdelay $0x4  }
0x1e4: {  	v7 =	vshll.u32 v6, $0x2  }
0x1e5: {  	v6 =	vand.u32 $0x7, v6;
	v7 =	vand.u32 $0xFFFFFFE0, v7  }
0x1e6: {  	v6 =	vor.u32 v6, v7  }
0x1e7: {  	v7 =	vperm.xlane v6, v3;
	_ =	sdelay $0x1  }
0x1e8: {  	v7 =	vadd.s32 v4, v7;
	_ =	sdelay $0x1  }
0x1e9: {  	v6 =	vperm.xlane v6, v5;
	_ =	sdelay $0x1  }
0x1ea: {  	v6 =	vadd.s32 v4, v6  }
0x1eb: {  	[hbm4b:s2+s4] =	stream.indirect_vreg.scatter [tilespmem:s1], [sflag:$0xA], $0x80, v7, vm0, $0xb8;
	[tilespmem:$0x19800] =	vst v63  }
0x1ec: {  	s29 =	simm.s32 $0xE000  }
0x1ed: {  	[hbm4b:s13+s4] =	stream.indirect_vreg.scatter [tilespmem:s29], [sflag:$0xA], $0x80, v7, vm0, $0xb8;
	[tilespmem:$0x19800] =	vst v63  }
0x1ee: {  	s3 =	simm.s32 $0xE800  }
0x1ef: {  	[hbm4b:s2+s4] =	stream.indirect_vreg.scatter [tilespmem:s3], [sflag:$0xA], $0x80, v6, vm0, $0xb8;
	[tilespmem:$0x19800] =	vst v63  }
0x1f0: {  	s3 =	simm.s32 $0xF000  }
0x1f1: {  	[hbm4b:s13+s4] =	stream.indirect_vreg.scatter [tilespmem:s3], [sflag:$0xA], $0x80, v6, vm0, $0xb8;
	[tilespmem:$0x19800] =	vst v63  }
0x1f2: {  	v6 =	vld [tilespmem:$0x1180];
	_ =	sdelay $0x4  }
0x1f3: {  	v7 =	vshll.u32 v6, $0x2  }
0x1f4: {  	v6 =	vand.u32 $0x7, v6;
	v7 =	vand.u32 $0xFFFFFFE0, v7  }
0x1f5: {  	v6 =	vor.u32 v6, v7  }
0x1f6: {  	v7 =	vperm.xlane v6, v3;
	_ =	sdelay $0x1  }
0x1f7: {  	v7 =	vadd.s32 v4, v7;
	_ =	sdelay $0x1  }
0x1f8: {  	v6 =	vperm.xlane v6, v5;
	_ =	sdelay $0x1  }
0x1f9: {  	s3 =	simm.s32 $0xF800;
	v6 =	vadd.s32 v4, v6  }
0x1fa: {  	[hbm4b:s2+s4] =	stream.indirect_vreg.scatter [tilespmem:s3], [sflag:$0xA], $0x80, v7, vm0, $0xb8;
	[tilespmem:$0x19800] =	vst v63  }
0x1fb: {  	s3 =	simm.s32 $0x10000  }
0x1fc: {  	[hbm4b:s13+s4] =	stream.indirect_vreg.scatter [tilespmem:s3], [sflag:$0xA], $0x80, v7, vm0, $0xb8;
	[tilespmem:$0x19800] =	vst v63  }
0x1fd: {  	s3 =	simm.s32 $0x10800  }
0x1fe: {  	[hbm4b:s2+s4] =	stream.indirect_vreg.scatter [tilespmem:s3], [sflag:$0xA], $0x80, v6, vm0, $0xb8;
	[tilespmem:$0x19800] =	vst v63  }
0x1ff: {  	s3 =	simm.s32 $0x11000  }
0x200: {  	[hbm4b:s13+s4] =	stream.indirect_vreg.scatter [tilespmem:s3], [sflag:$0xA], $0x80, v6, vm0, $0xb8;
	[tilespmem:$0x19800] =	vst v63  }
0x201: {  	_ =	swait.ge [sflag:s5], $0x2000  }
0x202: {  	[sflag:s5] =	ssyncset.done $0x0  }
0x203: {  	[sflag:s5] =	ssyncadd.s32 $0xFFFFE000  }
0x204: {  	_ =	swait.ge [sflag:s5], $0x2000  }
0x205: {  	[sflag:s5] =	ssyncset.done $0x0  }
0x206: {  	s3 =	rddreg [dreg:$0x14];
	[sflag:s5] =	ssyncadd.s32 $0xFFFFE000  }
0x207: {  	[tilespmem:s30], [sflag:$0x3] =	stream.linear.gather [hbm4b:s3+s4], $0x4000, $0x38;
	[tilespmem:$0x19800] =	vst v63  }
0x208: {  	_ =	swait.ge [sflag:s0], $0x4000  }
0x209: {  	[sflag:s0] =	ssyncset.done $0x0  }
0x20a: {  	[sflag:s0] =	ssyncadd.s32 $0xFFFFC000  }
0x20b: {  	v6 =	vld [tilespmem:$0x1200];
	_ =	sdelay $0x4  }
0x20c: {  	v7 =	vshll.u32 v6, $0x2  }
0x20d: {  	v6 =	vand.u32 $0x7, v6;
	v7 =	vand.u32 $0xFFFFFFE0, v7  }
0x20e: {  	v6 =	vor.u32 v6, v7  }
0x20f: {  	v7 =	vperm.xlane v6, v3;
	_ =	sdelay $0x1  }
0x210: {  	v7 =	vadd.s32 v4, v7;
	_ =	sdelay $0x1  }
0x211: {  	v6 =	vperm.xlane v6, v5;
	_ =	sdelay $0x1  }
0x212: {  	v6 =	vadd.s32 v4, v6  }
0x213: {  	[hbm4b:s2+s4] =	stream.indirect_vreg.scatter [tilespmem:s18], [sflag:$0xB], $0x80, v7, vm0, $0xb8;
	[tilespmem:$0x19800] =	vst v63  }
0x214: {  	s3 =	simm.s32 $0x12000  }
0x215: {  	[hbm4b:s13+s4] =	stream.indirect_vreg.scatter [tilespmem:s3], [sflag:$0xB], $0x80, v7, vm0, $0xb8;
	[tilespmem:$0x19800] =	vst v63  }
0x216: {  	_ = 	snop  }
0x217: {  	[hbm4b:s2+s4] =	stream.indirect_vreg.scatter [tilespmem:s20], [sflag:$0xB], $0x80, v6, vm0, $0xb8;
	[tilespmem:$0x19800] =	vst v63  }
0x218: {  	_ = 	snop  }
0x219: {  	[hbm4b:s13+s4] =	stream.indirect_vreg.scatter [tilespmem:s21], [sflag:$0xB], $0x80, v6, vm0, $0xb8;
	[tilespmem:$0x19800] =	vst v63  }
0x21a: {  	v6 =	vld [tilespmem:$0x1280];
	_ =	sdelay $0x4  }
0x21b: {  	v7 =	vshll.u32 v6, $0x2  }
0x21c: {  	v6 =	vand.u32 $0x7, v6;
	v7 =	vand.u32 $0xFFFFFFE0, v7  }
0x21d: {  	v6 =	vor.u32 v6, v7  }
0x21e: {  	v7 =	vperm.xlane v6, v3;
	_ =	sdelay $0x1  }
0x21f: {  	v7 =	vadd.s32 v4, v7;
	_ =	sdelay $0x1  }
0x220: {  	v6 =	vperm.xlane v6, v5;
	_ =	sdelay $0x1  }
0x221: {  	v6 =	vadd.s32 v4, v6  }
0x222: {  	[hbm4b:s2+s4] =	stream.indirect_vreg.scatter [tilespmem:s22], [sflag:$0xB], $0x80, v7, vm0, $0xb8;
	[tilespmem:$0x19800] =	vst v63  }
0x223: {  	_ = 	snop  }
0x224: {  	[hbm4b:s13+s4] =	stream.indirect_vreg.scatter [tilespmem:s23], [sflag:$0xB], $0x80, v7, vm0, $0xb8;
	[tilespmem:$0x19800] =	vst v63  }
0x225: {  	_ = 	snop  }
0x226: {  	[hbm4b:s2+s4] =	stream.indirect_vreg.scatter [tilespmem:s26], [sflag:$0xB], $0x80, v6, vm0, $0xb8;
	[tilespmem:$0x19800] =	vst v63  }
0x227: {  	_ = 	snop  }
0x228: {  	[hbm4b:s13+s4] =	stream.indirect_vreg.scatter [tilespmem:s31], [sflag:$0xB], $0x80, v6, vm0, $0xb8;
	[tilespmem:$0x19800] =	vst v63  }
0x229: {  	_ =	swait.ge [sflag:s7], $0x2000  }
0x22a: {  	[sflag:s7] =	ssyncset.done $0x0  }
0x22b: {  	[sflag:s7] =	ssyncadd.s32 $0xFFFFE000  }
0x22c: {  	_ =	swait.ge [sflag:s7], $0x2000  }
0x22d: {  	[sflag:s7] =	ssyncset.done $0x0  }
0x22e: {  	s0 =	rddreg [dreg:$0x16];
	[sflag:s7] =	ssyncadd.s32 $0xFFFFE000  }
0x22f: {  	[tilespmem:s1], [sflag:$0x4] =	stream.linear.gather [hbm4b:s0+s4], $0x4000, $0x38;
	[tilespmem:$0x19800] =	vst v63  }
0x230: {  	_ =	swait.ge [sflag:s8], $0x4000  }
0x231: {  	[sflag:s8] =	ssyncset.done $0x0  }
0x232: {  	[sflag:s8] =	ssyncadd.s32 $0xFFFFC000  }
0x233: {  	v6 =	vld [tilespmem:$0x1300];
	_ =	sdelay $0x4  }
0x234: {  	v7 =	vshll.u32 v6, $0x2  }
0x235: {  	v6 =	vand.u32 $0x7, v6;
	v7 =	vand.u32 $0xFFFFFFE0, v7  }
0x236: {  	v6 =	vor.u32 v6, v7  }
0x237: {  	v7 =	vperm.xlane v6, v3;
	_ =	sdelay $0x1  }
0x238: {  	v7 =	vadd.s32 v4, v7;
	_ =	sdelay $0x1  }
0x239: {  	v6 =	vperm.xlane v6, v5;
	_ =	sdelay $0x1  }
0x23a: {  	v6 =	vadd.s32 v4, v6  }
0x23b: {  	[hbm4b:s2+s4] =	stream.indirect_vreg.scatter [tilespmem:s19], [sflag:$0xC], $0x80, v7, vm0, $0xb8;
	[tilespmem:$0x19800] =	vst v63  }
0x23c: {  	s1 =	simm.s32 $0x16000  }
0x23d: {  	[hbm4b:s13+s4] =	stream.indirect_vreg.scatter [tilespmem:s1], [sflag:$0xC], $0x80, v7, vm0, $0xb8;
	[tilespmem:$0x19800] =	vst v63  }
0x23e: {  	s3 =	simm.s32 $0x16800  }
0x23f: {  	[hbm4b:s2+s4] =	stream.indirect_vreg.scatter [tilespmem:s3], [sflag:$0xC], $0x80, v6, vm0, $0xb8;
	[tilespmem:$0x19800] =	vst v63  }
0x240: {  	s19 =	simm.s32 $0x17000  }
0x241: {  	[hbm4b:s13+s4] =	stream.indirect_vreg.scatter [tilespmem:s19], [sflag:$0xC], $0x80, v6, vm0, $0xb8;
	[tilespmem:$0x19800] =	vst v63  }
0x242: {  	v6 =	vld [tilespmem:$0x1380];
	_ =	sdelay $0x4  }
0x243: {  	v7 =	vshll.u32 v6, $0x2  }
0x244: {  	v6 =	vand.u32 $0x7, v6;
	v7 =	vand.u32 $0xFFFFFFE0, v7  }
0x245: {  	v6 =	vor.u32 v6, v7  }
0x246: {  	v7 =	vperm.xlane v6, v3;
	_ =	sdelay $0x1  }
0x247: {  	v7 =	vadd.s32 v4, v7;
	_ =	sdelay $0x1  }
0x248: {  	v6 =	vperm.xlane v6, v5;
	_ =	sdelay $0x1  }
0x249: {  	s20 =	simm.s32 $0x17800;
	v6 =	vadd.s32 v4, v6  }
0x24a: {  	[hbm4b:s2+s4] =	stream.indirect_vreg.scatter [tilespmem:s20], [sflag:$0xC], $0x80, v7, vm0, $0xb8;
	[tilespmem:$0x19800] =	vst v63  }
0x24b: {  	s21 =	simm.s32 $0x18000  }
0x24c: {  	[hbm4b:s13+s4] =	stream.indirect_vreg.scatter [tilespmem:s21], [sflag:$0xC], $0x80, v7, vm0, $0xb8;
	[tilespmem:$0x19800] =	vst v63  }
0x24d: {  	s22 =	simm.s32 $0x18800  }
0x24e: {  	[hbm4b:s2+s4] =	stream.indirect_vreg.scatter [tilespmem:s22], [sflag:$0xC], $0x80, v6, vm0, $0xb8;
	[tilespmem:$0x19800] =	vst v63  }
0x24f: {  	s23 =	simm.s32 $0x19000  }
0x250: {  	[hbm4b:s13+s4] =	stream.indirect_vreg.scatter [tilespmem:s23], [sflag:$0xC], $0x80, v6, vm0, $0xb8;
	[tilespmem:$0x19800] =	vst v63  }
0x251: {  	_ =	swait.ge [sflag:s17], $0x4000  }
0x252: {  	[sflag:s17] =	ssyncset.done $0x0  }
0x253: {  	[sflag:s17] =	ssyncadd.s32 $0xFFFFC000  }
0x254: {  	v6 =	vld [tilespmem:$0x1400];
	_ =	sdelay $0x4  }
0x255: {  	v7 =	vshll.u32 v6, $0x2  }
0x256: {  	v6 =	vand.u32 $0x7, v6;
	v7 =	vand.u32 $0xFFFFFFE0, v7  }
0x257: {  	v6 =	vor.u32 v6, v7  }
0x258: {  	v7 =	vperm.xlane v6, v3;
	_ =	sdelay $0x1  }
0x259: {  	v7 =	vadd.s32 v4, v7;
	_ =	sdelay $0x1  }
0x25a: {  	v6 =	vperm.xlane v6, v5;
	_ =	sdelay $0x1  }
0x25b: {  	v6 =	vadd.s32 v4, v6  }
0x25c: {  	[hbm4b:s2+s4] =	stream.indirect_vreg.scatter [tilespmem:s16], [sflag:$0x7], $0x80, v7, vm0, $0xb8;
	[tilespmem:$0x19800] =	vst v63  }
0x25d: {  	s26 =	simm.s32 $0x2000  }
0x25e: {  	[hbm4b:s13+s4] =	stream.indirect_vreg.scatter [tilespmem:s26], [sflag:$0x7], $0x80, v7, vm0, $0xb8;
	[tilespmem:$0x19800] =	vst v63  }
0x25f: {  	s31 =	simm.s32 $0x2800  }
0x260: {  	[hbm4b:s2+s4] =	stream.indirect_vreg.scatter [tilespmem:s31], [sflag:$0x7], $0x80, v6, vm0, $0xb8;
	[tilespmem:$0x19800] =	vst v63  }
0x261: {  	s1 =	simm.s32 $0x3000  }
0x262: {  	[hbm4b:s13+s4] =	stream.indirect_vreg.scatter [tilespmem:s1], [sflag:$0x7], $0x80, v6, vm0, $0xb8;
	[tilespmem:$0x19800] =	vst v63  }
0x263: {  	v6 =	vld [tilespmem:$0x1480];
	_ =	sdelay $0x4  }
0x264: {  	v7 =	vshll.u32 v6, $0x2  }
0x265: {  	v6 =	vand.u32 $0x7, v6;
	v7 =	vand.u32 $0xFFFFFFE0, v7  }
0x266: {  	v6 =	vor.u32 v6, v7  }
0x267: {  	v7 =	vperm.xlane v6, v3;
	_ =	sdelay $0x1  }
0x268: {  	v7 =	vadd.s32 v4, v7;
	_ =	sdelay $0x1  }
0x269: {  	v6 =	vperm.xlane v6, v5;
	_ =	sdelay $0x1  }
0x26a: {  	s3 =	simm.s32 $0x3800;
	v6 =	vadd.s32 v4, v6  }
0x26b: {  	[hbm4b:s2+s4] =	stream.indirect_vreg.scatter [tilespmem:s3], [sflag:$0x7], $0x80, v7, vm0, $0xb8;
	[tilespmem:$0x19800] =	vst v63  }
0x26c: {  	s21 =	simm.s32 $0x4000  }
0x26d: {  	[hbm4b:s13+s4] =	stream.indirect_vreg.scatter [tilespmem:s21], [sflag:$0x7], $0x80, v7, vm0, $0xb8;
	[tilespmem:$0x19800] =	vst v63  }
0x26e: {  	s22 =	simm.s32 $0x4800  }
0x26f: {  	[hbm4b:s2+s4] =	stream.indirect_vreg.scatter [tilespmem:s22], [sflag:$0x7], $0x80, v6, vm0, $0xb8;
	[tilespmem:$0x19800] =	vst v63  }
0x270: {  	s23 =	simm.s32 $0x5000  }
0x271: {  	[hbm4b:s13+s4] =	stream.indirect_vreg.scatter [tilespmem:s23], [sflag:$0x7], $0x80, v6, vm0, $0xb8;
	[tilespmem:$0x19800] =	vst v63  }
0x272: {  	_ =	swait.ge [sflag:s25], $0x4000  }
0x273: {  	[sflag:s25] =	ssyncset.done $0x0  }
0x274: {  	[sflag:s25] =	ssyncadd.s32 $0xFFFFC000  }
0x275: {  	v6 =	vld [tilespmem:$0x1500];
	_ =	sdelay $0x4  }
0x276: {  	v7 =	vshll.u32 v6, $0x2  }
0x277: {  	v6 =	vand.u32 $0x7, v6;
	v7 =	vand.u32 $0xFFFFFFE0, v7  }
0x278: {  	v6 =	vor.u32 v6, v7  }
0x279: {  	v7 =	vperm.xlane v6, v3;
	_ =	sdelay $0x1  }
0x27a: {  	v7 =	vadd.s32 v4, v7;
	_ =	sdelay $0x1  }
0x27b: {  	v6 =	vperm.xlane v6, v5;
	_ =	sdelay $0x1  }
0x27c: {  	s19 =	simm.s32 $0x5800;
	v6 =	vadd.s32 v4, v6  }
0x27d: {  	[hbm4b:s2+s4] =	stream.indirect_vreg.scatter [tilespmem:s19], [sflag:$0x8], $0x80, v7, vm0, $0xb8;
	[tilespmem:$0x19800] =	vst v63  }
0x27e: {  	s26 =	simm.s32 $0x6000  }
0x27f: {  	[hbm4b:s13+s4] =	stream.indirect_vreg.scatter [tilespmem:s26], [sflag:$0x8], $0x80, v7, vm0, $0xb8;
	[tilespmem:$0x19800] =	vst v63  }
0x280: {  	s31 =	simm.s32 $0x6800  }
0x281: {  	[hbm4b:s2+s4] =	stream.indirect_vreg.scatter [tilespmem:s31], [sflag:$0x8], $0x80, v6, vm0, $0xb8;
	[tilespmem:$0x19800] =	vst v63  }
0x282: {  	s3 =	simm.s32 $0x7000  }
0x283: {  	[hbm4b:s13+s4] =	stream.indirect_vreg.scatter [tilespmem:s3], [sflag:$0x8], $0x80, v6, vm0, $0xb8;
	[tilespmem:$0x19800] =	vst v63  }
0x284: {  	v6 =	vld [tilespmem:$0x1580];
	_ =	sdelay $0x4  }
0x285: {  	v7 =	vshll.u32 v6, $0x2  }
0x286: {  	v6 =	vand.u32 $0x7, v6;
	v7 =	vand.u32 $0xFFFFFFE0, v7  }
0x287: {  	v6 =	vor.u32 v6, v7  }
0x288: {  	v7 =	vperm.xlane v6, v3;
	_ =	sdelay $0x1  }
0x289: {  	v7 =	vadd.s32 v4, v7;
	_ =	sdelay $0x1  }
0x28a: {  	v6 =	vperm.xlane v6, v5;
	_ =	sdelay $0x1  }
0x28b: {  	s21 =	simm.s32 $0x7800;
	v6 =	vadd.s32 v4, v6  }
0x28c: {  	[hbm4b:s2+s4] =	stream.indirect_vreg.scatter [tilespmem:s21], [sflag:$0x8], $0x80, v7, vm0, $0xb8;
	[tilespmem:$0x19800] =	vst v63  }
0x28d: {  	s22 =	simm.s32 $0x8000  }
0x28e: {  	[hbm4b:s13+s4] =	stream.indirect_vreg.scatter [tilespmem:s22], [sflag:$0x8], $0x80, v7, vm0, $0xb8;
	[tilespmem:$0x19800] =	vst v63  }
0x28f: {  	s23 =	simm.s32 $0x8800  }
0x290: {  	[hbm4b:s2+s4] =	stream.indirect_vreg.scatter [tilespmem:s23], [sflag:$0x8], $0x80, v6, vm0, $0xb8;
	[tilespmem:$0x19800] =	vst v63  }
0x291: {  	s26 =	simm.s32 $0x9000  }
0x292: {  	[hbm4b:s13+s4] =	stream.indirect_vreg.scatter [tilespmem:s26], [sflag:$0x8], $0x80, v6, vm0, $0xb8;
	[tilespmem:$0x19800] =	vst v63  }
0x293: {  	_ =	swait.ge [sflag:s15], $0x4000  }
0x294: {  	[sflag:s15] =	ssyncset.done $0x0  }
0x295: {  	[sflag:s15] =	ssyncadd.s32 $0xFFFFC000  }
0x296: {  	v6 =	vld [tilespmem:$0x1600];
	_ =	sdelay $0x4  }
0x297: {  	v7 =	vshll.u32 v6, $0x2  }
0x298: {  	v6 =	vand.u32 $0x7, v6;
	v7 =	vand.u32 $0xFFFFFFE0, v7  }
0x299: {  	v6 =	vor.u32 v6, v7  }
0x29a: {  	v7 =	vperm.xlane v6, v3;
	_ =	sdelay $0x1  }
0x29b: {  	v7 =	vadd.s32 v4, v7;
	_ =	sdelay $0x1  }
0x29c: {  	v6 =	vperm.xlane v6, v5;
	_ =	sdelay $0x1  }
0x29d: {  	s20 =	simm.s32 $0x9800;
	v6 =	vadd.s32 v4, v6  }
0x29e: {  	[hbm4b:s2+s4] =	stream.indirect_vreg.scatter [tilespmem:s20], [sflag:$0x9], $0x80, v7, vm0, $0xb8;
	[tilespmem:$0x19800] =	vst v63  }
0x29f: {  	s31 =	simm.s32 $0xA000  }
0x2a0: {  	[hbm4b:s13+s4] =	stream.indirect_vreg.scatter [tilespmem:s31], [sflag:$0x9], $0x80, v7, vm0, $0xb8;
	[tilespmem:$0x19800] =	vst v63  }
0x2a1: {  	s3 =	simm.s32 $0xA800  }
0x2a2: {  	[hbm4b:s2+s4] =	stream.indirect_vreg.scatter [tilespmem:s3], [sflag:$0x9], $0x80, v6, vm0, $0xb8;
	[tilespmem:$0x19800] =	vst v63  }
0x2a3: {  	s21 =	simm.s32 $0xB000  }
0x2a4: {  	[hbm4b:s13+s4] =	stream.indirect_vreg.scatter [tilespmem:s21], [sflag:$0x9], $0x80, v6, vm0, $0xb8;
	[tilespmem:$0x19800] =	vst v63  }
0x2a5: {  	v6 =	vld [tilespmem:$0x1680];
	_ =	sdelay $0x4  }
0x2a6: {  	v7 =	vshll.u32 v6, $0x2  }
0x2a7: {  	v6 =	vand.u32 $0x7, v6;
	v7 =	vand.u32 $0xFFFFFFE0, v7  }
0x2a8: {  	v6 =	vor.u32 v6, v7  }
0x2a9: {  	v7 =	vperm.xlane v6, v3;
	_ =	sdelay $0x1  }
0x2aa: {  	v7 =	vadd.s32 v4, v7;
	_ =	sdelay $0x1  }
0x2ab: {  	v6 =	vperm.xlane v6, v5;
	_ =	sdelay $0x1  }
0x2ac: {  	s22 =	simm.s32 $0xB800;
	v6 =	vadd.s32 v4, v6  }
0x2ad: {  	[hbm4b:s2+s4] =	stream.indirect_vreg.scatter [tilespmem:s22], [sflag:$0x9], $0x80, v7, vm0, $0xb8;
	[tilespmem:$0x19800] =	vst v63  }
0x2ae: {  	s23 =	simm.s32 $0xC000  }
0x2af: {  	[hbm4b:s13+s4] =	stream.indirect_vreg.scatter [tilespmem:s23], [sflag:$0x9], $0x80, v7, vm0, $0xb8;
	[tilespmem:$0x19800] =	vst v63  }
0x2b0: {  	s26 =	simm.s32 $0xC800  }
0x2b1: {  	[hbm4b:s2+s4] =	stream.indirect_vreg.scatter [tilespmem:s26], [sflag:$0x9], $0x80, v6, vm0, $0xb8;
	[tilespmem:$0x19800] =	vst v63  }
0x2b2: {  	s31 =	simm.s32 $0xD000  }
0x2b3: {  	[hbm4b:s13+s4] =	stream.indirect_vreg.scatter [tilespmem:s31], [sflag:$0x9], $0x80, v6, vm0, $0xb8;
	[tilespmem:$0x19800] =	vst v63  }
0x2b4: {  	_ =	swait.ge [sflag:s9], $0x4000  }
0x2b5: {  	[sflag:s9] =	ssyncset.done $0x0  }
0x2b6: {  	[sflag:s9] =	ssyncadd.s32 $0xFFFFC000  }
0x2b7: {  	v6 =	vld [tilespmem:$0x1700];
	_ =	sdelay $0x4  }
0x2b8: {  	v7 =	vshll.u32 v6, $0x2  }
0x2b9: {  	v6 =	vand.u32 $0x7, v6;
	v7 =	vand.u32 $0xFFFFFFE0, v7  }
0x2ba: {  	v6 =	vor.u32 v6, v7  }
0x2bb: {  	v7 =	vperm.xlane v6, v3;
	_ =	sdelay $0x1  }
0x2bc: {  	v7 =	vadd.s32 v4, v7;
	_ =	sdelay $0x1  }
0x2bd: {  	v6 =	vperm.xlane v6, v5;
	_ =	sdelay $0x1  }
0x2be: {  	s1 =	simm.s32 $0xD800;
	v6 =	vadd.s32 v4, v6  }
0x2bf: {  	[hbm4b:s2+s4] =	stream.indirect_vreg.scatter [tilespmem:s1], [sflag:$0xA], $0x80, v7, vm0, $0xb8;
	[tilespmem:$0x19800] =	vst v63  }
0x2c0: {  	s29 =	simm.s32 $0xE000  }
0x2c1: {  	[hbm4b:s13+s4] =	stream.indirect_vreg.scatter [tilespmem:s29], [sflag:$0xA], $0x80, v7, vm0, $0xb8;
	[tilespmem:$0x19800] =	vst v63  }
0x2c2: {  	s3 =	simm.s32 $0xE800  }
0x2c3: {  	[hbm4b:s2+s4] =	stream.indirect_vreg.scatter [tilespmem:s3], [sflag:$0xA], $0x80, v6, vm0, $0xb8;
	[tilespmem:$0x19800] =	vst v63  }
0x2c4: {  	s21 =	simm.s32 $0xF000  }
0x2c5: {  	[hbm4b:s13+s4] =	stream.indirect_vreg.scatter [tilespmem:s21], [sflag:$0xA], $0x80, v6, vm0, $0xb8;
	[tilespmem:$0x19800] =	vst v63  }
0x2c6: {  	v6 =	vld [tilespmem:$0x1780];
	_ =	sdelay $0x4  }
0x2c7: {  	v7 =	vshll.u32 v6, $0x2  }
0x2c8: {  	v6 =	vand.u32 $0x7, v6;
	v7 =	vand.u32 $0xFFFFFFE0, v7  }
0x2c9: {  	v6 =	vor.u32 v6, v7  }
0x2ca: {  	v7 =	vperm.xlane v6, v3;
	_ =	sdelay $0x1  }
0x2cb: {  	v7 =	vadd.s32 v4, v7;
	_ =	sdelay $0x1  }
0x2cc: {  	v6 =	vperm.xlane v6, v5;
	_ =	sdelay $0x1  }
0x2cd: {  	s22 =	simm.s32 $0xF800;
	v6 =	vadd.s32 v4, v6  }
0x2ce: {  	[hbm4b:s2+s4] =	stream.indirect_vreg.scatter [tilespmem:s22], [sflag:$0xA], $0x80, v7, vm0, $0xb8;
	[tilespmem:$0x19800] =	vst v63  }
0x2cf: {  	s23 =	simm.s32 $0x10000  }
0x2d0: {  	[hbm4b:s13+s4] =	stream.indirect_vreg.scatter [tilespmem:s23], [sflag:$0xA], $0x80, v7, vm0, $0xb8;
	[tilespmem:$0x19800] =	vst v63  }
0x2d1: {  	s26 =	simm.s32 $0x10800  }
0x2d2: {  	[hbm4b:s2+s4] =	stream.indirect_vreg.scatter [tilespmem:s26], [sflag:$0xA], $0x80, v6, vm0, $0xb8;
	[tilespmem:$0x19800] =	vst v63  }
0x2d3: {  	s29 =	simm.s32 $0x11000  }
0x2d4: {  	[hbm4b:s13+s4] =	stream.indirect_vreg.scatter [tilespmem:s29], [sflag:$0xA], $0x80, v6, vm0, $0xb8;
	[tilespmem:$0x19800] =	vst v63  }
0x2d5: {  	_ =	swait.ge [sflag:s28], $0x2000  }
0x2d6: {  	[sflag:s28] =	ssyncset.done $0x0  }
0x2d7: {  	[sflag:s28] =	ssyncadd.s32 $0xFFFFE000  }
0x2d8: {  	_ =	swait.ge [sflag:s28], $0x2000  }
0x2d9: {  	[sflag:s28] =	ssyncset.done $0x0  }
0x2da: {  	[sflag:s28] =	ssyncadd.s32 $0xFFFFE000  }
0x2db: {  	_ =	swait.ge [sflag:s10], $0x2000  }
0x2dc: {  	[sflag:s10] =	ssyncset.done $0x0  }
0x2dd: {  	[sflag:s10] =	ssyncadd.s32 $0xFFFFE000  }
0x2de: {  	_ =	swait.ge [sflag:s10], $0x2000  }
0x2df: {  	[sflag:s10] =	ssyncset.done $0x0  }
0x2e0: {  	[sflag:s10] =	ssyncadd.s32 $0xFFFFE000  }
0x2e1: {  	_ =	swait.ge [sflag:s24], $0x2000  }
0x2e2: {  	[sflag:s24] =	ssyncset.done $0x0  }
0x2e3: {  	[sflag:s24] =	ssyncadd.s32 $0xFFFFE000  }
0x2e4: {  	_ =	swait.ge [sflag:s24], $0x2000  }
0x2e5: {  	[sflag:s24] =	ssyncset.done $0x0  }
0x2e6: {  	[sflag:s24] =	ssyncadd.s32 $0xFFFFE000  }
0x2e7: {  	_ =	swait.ge [sflag:s14], $0x2000  }
0x2e8: {  	[sflag:s14] =	ssyncset.done $0x0  }
0x2e9: {  	[sflag:s14] =	ssyncadd.s32 $0xFFFFE000  }
0x2ea: {  	_ =	swait.ge [sflag:s14], $0x2000  }
0x2eb: {  	[sflag:s14] =	ssyncset.done $0x0  }
0x2ec: {  	[sflag:s14] =	ssyncadd.s32 $0xFFFFE000  }
0x2ed: {  	_ =	swait.ge [sflag:s5], $0x2000  }
0x2ee: {  	[sflag:s5] =	ssyncset.done $0x0  }
0x2ef: {  	[sflag:s5] =	ssyncadd.s32 $0xFFFFE000  }
0x2f0: {  	_ =	swait.ge [sflag:s5], $0x2000  }
0x2f1: {  	[sflag:s5] =	ssyncset.done $0x0  }
0x2f2: {  	[sflag:s5] =	ssyncadd.s32 $0xFFFFE000  }
0x2f3: {  	_ =	swait.ge [sflag:s7], $0x2000  }
0x2f4: {  	[sflag:s7] =	ssyncset.done $0x0  }
0x2f5: {  	[sflag:s7] =	ssyncadd.s32 $0xFFFFE000  }
0x2f6: {  	_ =	swait.ge [sflag:s7], $0x2000  }
0x2f7: {  	s11 =	sadd.s32 $0x1, s11;
	s31 =	rddreg [dreg:$0x15]  }
0x2f8: {  	p0 =	sne.s32 s11, s31  }
.Ltmp2:
0x2f9: {  	_ = 	snop;
	(pc) =	sbr.rel @p0 .LBB2_1-.Ltmp2, $3  }
0x2fa: {  	_ =	sdelay $0x1  }
0x2fb: {  	[sflag:s7] =	ssyncset.done $0x0  }
0x2fc: {  	[sflag:s7] =	ssyncadd.s32 $0xFFFFE000  }
0x2fd: {  	_ =	sfence.sel $0x180000  }
0x2fe: {  	[bflag:$0x0] =	sbarrier.arrive $0xFFFF  }
0x2ff: {  	_ =	strace $0x90000047  }
0x300: {  	s0 =	stileid.u32;
	[bflag:$0x2] =	sbarrier.arrive $0xFFFF  }
0x301: {  	p0 =	sne.s32 s0, $0x0;
	s0 =	rddreg [dreg:$0x3]  }
0x302: {  	s0 =	sadd.s32 @!p0 $0x100000, s0  }
0x303: {  	[sflag:s0] =	ssyncadd.tile.s32 @!p0 $0x1;
	_ =	shalt  }
.Lfunc_end2:
_tile_overlayer_lowered:
.L_overlay_start_2:
0x304: {  	(tag) =	ssettag $0x2  }
0x305: {  	s0 =	rddreg [dreg:$0x0];
	s2 =	stileid.u32  }
0x306: {  	s1 =	rddreg [dreg:$0x1];
	p0 =	sne.s32 s2, $0x0  }
0x307: {  	s3 =	rddreg [dreg:$0x2];
	[bflag:$0x3] =	sbarrier.arrive $0xFFFF;
	s2 =	simm.s32 @!p0 $0x1C0D  }
0x308: {  	[timem:s3], [sflag:s2] =	dma.local @!p0 [hbm:s0], s1  }
0x309: {  	s0 =	simm.s32 @!p0 $0xD  }
0x30a: {  	_ =	swait.ge @!p0 [sflag:s0], s1  }
0x30b: {  	s1 =	ssub.s32 @!p0 $0x0, s1;
	[sflag:s0] =	ssyncset.done @!p0 $0x0  }
0x30c: {  	[sflag:s0] =	ssyncadd.s32 @!p0 s1  }
0x30d: {  	[bflag:$0x3] =	sbarrier.arrive $0xFFFF  }
0x30e: {  	_ =	shalt  }

</sc_bundles>
